<compile_context>
chip_gen: v7x
topology: tpu7x:2x2x1
jax: 0.10.2.dev20260603
libtpu: 0.0.44.dev20260713+nightly
codegen_flags: <defaults>
</compile_context>

<pallas_src>
import jax
import jax.numpy as jnp
from jax import lax
from jax.experimental import pallas as pl
from jax.experimental.pallas import tpu as pltpu
from jax.experimental.pallas import tpu_sc as plsc

_N = 10000
_D = 128
_E = 320000
_NC = 2
_NS = 16
_NW = _NC * _NS
_CH = 128
_NCH = 80
_EPT = _CH * _NCH
_EPAD = _NW * _EPT
_NPAD = 10240
_RPT = _NPAD // _NS
_ZCH = 64


def _make_agg_body(with_deg):
    def body(*args):
        if with_deg:
            (h, idx_t, zrows, ones_h, zdeg, part, degp,
             agg_s, deg_s, idx_a, idx_b, rows0, rows1, zbuf, ones_v,
             sem_g0, sem_g1, sem_ia, sem_ib, sem_dg) = args
        else:
            (h, idx_t, zrows, part,
             agg_s, idx_a, idx_b, rows0, rows1, zbuf,
             sem_g0, sem_g1, sem_ia, sem_ib) = args
        cid = lax.axis_index("c")
        sid = lax.axis_index("s")
        wid = sid * _NC + cid
        row0 = sid * _RPT
        n_it = _NCH // 4

        def g(idx, r, sem):
            return pltpu.make_async_copy(h.at[idx], r, sem)

        def scat(rows, idx):
            pltpu.sync_copy(rows, agg_s.at[idx], add=True)
            if with_deg:
                pltpu.async_copy(ones_v, deg_s.at[idx], sem_dg, add=True)

        pltpu.sync_copy(idx_t.at[wid, 0], idx_a)
        g(idx_a.at[0, 0], rows0, sem_g0).start()
        g(idx_a.at[1, 0], rows1, sem_g1).start()
        pltpu.async_copy(idx_t.at[wid, 1], idx_b, sem_ib)

        pltpu.sync_copy(zrows, zbuf)
        if with_deg:
            pltpu.sync_copy(ones_h, ones_v)
            pltpu.sync_copy(zdeg.at[pl.ds(row0, _RPT)],
                            deg_s.at[pl.ds(row0, _RPT)])

        def zero_step(k, carry):
            pltpu.sync_copy(zbuf, agg_s.at[pl.ds(row0 + k * _ZCH, _ZCH)])
            return carry

        lax.fori_loop(0, _RPT // _ZCH, zero_step, 0)
        plsc.subcore_barrier()

        def step(m, carry):
            g(idx_a.at[0, 0], rows0, sem_g0).wait()
            scat(rows0, idx_a.at[0, 1])
            pltpu.make_async_copy(idx_t.at[wid, 0], idx_b, sem_ib).wait()
            g(idx_b.at[0, 0], rows0, sem_g0).start()
            g(idx_a.at[1, 0], rows1, sem_g1).wait()
            scat(rows1, idx_a.at[1, 1])

            @pl.when(m < n_it - 1)
            def _():
                pltpu.async_copy(idx_t.at[wid, 2 * m + 2], idx_a, sem_ia)

            g(idx_b.at[1, 0], rows1, sem_g1).start()
            g(idx_b.at[0, 0], rows0, sem_g0).wait()
            scat(rows0, idx_b.at[0, 1])

            @pl.when(m < n_it - 1)
            def _():
                pltpu.make_async_copy(idx_t.at[wid, 0], idx_a, sem_ia).wait()
                g(idx_a.at[0, 0], rows0, sem_g0).start()

            g(idx_b.at[1, 0], rows1, sem_g1).wait()
            scat(rows1, idx_b.at[1, 1])

            @pl.when(m < n_it - 1)
            def _():
                pltpu.async_copy(idx_t.at[wid, 2 * m + 3], idx_b, sem_ib)
                g(idx_a.at[1, 0], rows1, sem_g1).start()

            return carry

        lax.fori_loop(0, n_it, step, 0)

        if with_deg:
            def drain(t, carry):
                pltpu.make_async_copy(ones_h, ones_v, sem_dg).wait()
                return carry

            lax.fori_loop(0, _NCH, drain, 0)
        plsc.subcore_barrier()

        if with_deg:
            pltpu.sync_copy(deg_s.at[pl.ds(row0, _RPT)],
                            degp.at[cid, pl.ds(row0, _RPT)])

        def s2v(k, buf, sem):
            return pltpu.make_async_copy(
                agg_s.at[pl.ds(row0 + k * _CH, _CH)], buf, sem)

        def v2h(k, buf, sem):
            return pltpu.make_async_copy(
                buf, part.at[cid, pl.ds(row0 + k * _CH, _CH)], sem)

        bufs = (rows0, rows1)
        gsems = (sem_g0, sem_g1)
        hsems = (sem_ia, sem_ib)
        n_out = _RPT // _CH
        for k in range(min(2, n_out)):
            s2v(k, bufs[k % 2], gsems[k % 2]).start()
        for k in range(n_out):
            p = k % 2
            s2v(k, bufs[p], gsems[p]).wait()
            v2h(k, bufs[p], hsems[p]).start()
            v2h(k, bufs[p], hsems[p]).wait()
            if k + 2 < n_out:
                s2v(k + 2, bufs[p], gsems[p]).start()

    return body


_base_scratch = [
    pltpu.VMEM((2, 2, _CH), jnp.int32),
    pltpu.VMEM((2, 2, _CH), jnp.int32),
    pltpu.VMEM((_CH, _D), jnp.float32),
    pltpu.VMEM((_CH, _D), jnp.float32),
    pltpu.VMEM((_ZCH, _D), jnp.float32),
]

_sc_agg = pl.kernel(
    _make_agg_body(False),
    out_type=jax.ShapeDtypeStruct((_NC, _NPAD, _D), jnp.float32),
    mesh=plsc.VectorSubcoreMesh(core_axis_name="c", subcore_axis_name="s"),
    scratch_types=(
        [pltpu.VMEM_SHARED((_NPAD, _D), jnp.float32)] + _base_scratch
        + [pltpu.SemaphoreType.DMA] * 4
    ),
)

_sc_agg_deg = pl.kernel(
    _make_agg_body(True),
    out_type=(
        jax.ShapeDtypeStruct((_NC, _NPAD, _D), jnp.float32),
        jax.ShapeDtypeStruct((_NC, _NPAD), jnp.float32),
    ),
    mesh=plsc.VectorSubcoreMesh(core_axis_name="c", subcore_axis_name="s"),
    scratch_types=(
        [pltpu.VMEM_SHARED((_NPAD, _D), jnp.float32),
         pltpu.VMEM_SHARED((_NPAD,), jnp.float32)] + _base_scratch
        + [pltpu.VMEM((_CH,), jnp.float32)]
        + [pltpu.SemaphoreType.DMA] * 5
    ),
)


def _tc_body(h_ref, p_ref, dg_ref, ws_ref, wn_ref, b_ref, out_ref):
    deg = dg_ref[0] + dg_ref[1]
    agg = (p_ref[0] + p_ref[1]) / jnp.maximum(deg, 1.0)
    out_ref[...] = (
        jnp.dot(h_ref[...], ws_ref[...], preferred_element_type=jnp.float32)
        + jnp.dot(agg, wn_ref[...], preferred_element_type=jnp.float32)
        + b_ref[...]
    )


_TC_B = 2000


def _tc_combine(h, part, degp, ws, wn, b):
    return pl.pallas_call(
        _tc_body,
        grid=(_N // _TC_B,),
        in_specs=[
            pl.BlockSpec((_TC_B, _D), lambda i: (i, 0)),
            pl.BlockSpec((_NC, _TC_B, _D), lambda i: (0, i, 0)),
            pl.BlockSpec((_NC, _TC_B, 1), lambda i: (0, i, 0)),
            pl.BlockSpec((_D, _D), lambda i: (0, 0)),
            pl.BlockSpec((_D, _D), lambda i: (0, 0)),
            pl.BlockSpec((1, _D), lambda i: (0, 0)),
        ],
        out_specs=pl.BlockSpec((_TC_B, _D), lambda i: (i, 0)),
        out_shape=jax.ShapeDtypeStruct((_N, _D), jnp.float32),
    )(h, part, degp, ws, wn, b)


def kernel(features, edge_index, W_self_0, W_neigh_0, b_0,
           W_self_1, W_neigh_1, b_1, W_self_2, W_neigh_2, b_2):
    src = edge_index[0]
    dst = edge_index[1]
    pad = _EPAD - _E
    pad_src = (jnp.arange(pad, dtype=jnp.int32) * 97) % _N
    pad_dst = _N + (jnp.arange(pad, dtype=jnp.int32) % (_NPAD - _N))
    src_t = jnp.concatenate([src, pad_src]).reshape(_NW, _NCH, _CH)
    dst_t = jnp.concatenate([dst, pad_dst]).reshape(_NW, _NCH, _CH)
    idx_t = jnp.stack([src_t, dst_t], axis=2).reshape(
        _NW, _NCH // 2, 2, 2, _CH)
    zrows = jnp.zeros((_ZCH, _D), jnp.float32)
    zdeg = jnp.zeros((_NPAD,), jnp.float32)
    ones_h = jnp.ones((_CH,), jnp.float32)

    h = features
    degp3 = None
    for li, (ws, wn, b) in enumerate(((W_self_0, W_neigh_0, b_0),
                                      (W_self_1, W_neigh_1, b_1),
                                      (W_self_2, W_neigh_2, b_2))):
        if li == 0:
            part, degp = _sc_agg_deg(h, idx_t, zrows, ones_h, zdeg)
            degp3 = degp[:, :, None]
        else:
            part = _sc_agg(h, idx_t, zrows)
        h = _tc_combine(h, part, degp3, ws, wn, b.reshape(1, _D))
    return h

# --- scband reference (transcript-rebuilt; emitter-appended) ---
"""Pipeline reference for scband-graph-sage-74792560492685 (READ-ONLY COPY).

The authoritative reference and input builder live on the scoring server;
editing this copy changes nothing except your own understanding.
"""

import jax, jax.numpy as jnp
import numpy as np

N_NODES = 10000
N_EDGES = 320000
D = 128
N_LAYERS = 3  # nums_layers=2 -> 1 input layer + 1 hidden + 1 output = 3 SAGEConv layers


def setup_inputs(seed: int = 0) -> dict:
    key = jax.random.key(seed)
    ks = jax.random.split(key, 2 + 3 * N_LAYERS)
    inp = {}
    inp["features"] = jax.random.normal(ks[0], (N_NODES, D), dtype=jnp.float32)
    inp["edge_index"] = jax.random.randint(ks[1], (2, N_EDGES), 0, N_NODES, dtype=jnp.int32)
    scale = 1.0 / np.sqrt(D)
    for i in range(N_LAYERS):
        inp[f"W_self_{i}"] = jax.random.normal(ks[2 + 3 * i], (D, D), dtype=jnp.float32) * scale
        inp[f"W_neigh_{i}"] = jax.random.normal(ks[3 + 3 * i], (D, D), dtype=jnp.float32) * scale
        inp[f"b_{i}"] = jnp.zeros((D,), dtype=jnp.float32)
    return inp


def _sage_mean_layer(h, src, dst, W_self, W_neigh, b):
    # DGL SAGEConv aggregator_type='mean':
    #   h_neigh = mean over in-neighbors of h[src]
    #   out = fc_self(h) + fc_neigh(h_neigh) + bias
    ones = jnp.ones((src.shape[0],), dtype=jnp.float32)
    deg = jax.ops.segment_sum(ones, dst, num_segments=N_NODES)
    msg = jnp.take(h, src, axis=0)  # gather (SparseCore-friendly)
    agg = jax.ops.segment_sum(msg, dst, num_segments=N_NODES)  # scatter-add
    agg = agg / jnp.clip(deg, 1.0, None)[:, None]
    return h @ W_self + agg @ W_neigh + b


def reference(features, edge_index, W_self_0, W_neigh_0, b_0, W_self_1, W_neigh_1, b_1, W_self_2, W_neigh_2, b_2):
    src = edge_index[0]
    dst = edge_index[1]
    h = features
    params = [(W_self_0, W_neigh_0, b_0), (W_self_1, W_neigh_1, b_1), (W_self_2, W_neigh_2, b_2)]
    for i, (Ws, Wn, b) in enumerate(params):
        # dropout p=0.0 -> identity; activation=None -> no nonlinearity (faithful to init_kwargs)
        h = _sage_mean_layer(h, src, dst, Ws, Wn, b)
    return h

if __name__ == "__main__":
    import jax
    _d = setup_inputs()
    print(jax.jit(kernel)(*tuple(_d.values())))

</pallas_src>

<mosaic_0001>
#map = affine_map<(d0, d1) -> (0, 0)>
#map1 = affine_map<(d0, d1) -> (0, 0, 0, 0, 0)>
#map2 = affine_map<(d0, d1) -> (0, 0, 0)>
module attributes {stable_mosaic.version = 14 : i64} {
  func.func @body(%arg0: i32, %arg1: i32, %arg2: memref<10000x128xf32, #tpu.memory_space<hbm>>, %arg3: memref<32x40x2x2x128xi32, #tpu.memory_space<hbm>>, %arg4: memref<64x128xf32, #tpu.memory_space<hbm>>, %arg5: memref<2x10240x128xf32, #tpu.memory_space<hbm>>, %arg6: memref<10240x128xf32, #tpu.memory_space<vmem_shared>>, %arg7: memref<2x2x128xi32, #tpu.memory_space<vmem>>, %arg8: memref<2x2x128xi32, #tpu.memory_space<vmem>>, %arg9: memref<128x128xf32, #tpu.memory_space<vmem>>, %arg10: memref<128x128xf32, #tpu.memory_space<vmem>>, %arg11: memref<64x128xf32, #tpu.memory_space<vmem>>, %arg12: memref<!tpu.dma_semaphore, #tpu.memory_space<semaphore_mem>>, %arg13: memref<!tpu.dma_semaphore, #tpu.memory_space<semaphore_mem>>, %arg14: memref<!tpu.dma_semaphore, #tpu.memory_space<semaphore_mem>>, %arg15: memref<!tpu.dma_semaphore, #tpu.memory_space<semaphore_mem>>) attributes {dimension_semantics = [#tpu.dimension_semantics<core_parallel>, #tpu.dimension_semantics<subcore_parallel>], iteration_bounds = array<i64: 2, 16>, scalar_prefetch = 0 : i64, scratch_operands = 10 : i64, tpu.core_type = #tpu.core_type<sc_vector_subcore>, window_params = [{transform_indices = #map}, {transform_indices = #map1}, {transform_indices = #map}, {transform_indices = #map2}]} {
    %mul3A = arith.constant 2 : i32
    %mul3A_0 = arith.muli %arg1, %mul3A : i32
    %add3A = arith.addi %mul3A_0, %arg0 : i32
    %mul3A_1 = arith.constant 640 : i32
    %mul3A_2 = arith.muli %arg1, %mul3A_1 : i32
    %run_scoped3A = arith.constant 0 : i32
    "tpu.region"() ({
      %run_scoped3A_180 = tpu.sem_alloc : memref<!tpu.dma_semaphore, #tpu.memory_space<semaphore_mem>>
      %dma_start3A_181 = arith.constant 0 : i32
      %dma_start3A_182 = arith.constant 0 : i32
      %dma_start3A_183 = arith.constant 0 : i32
      %dma_start3A_184 = tpu.memref_slice %arg3[%add3A, %run_scoped3A, %dma_start3A_181, %dma_start3A_182, %dma_start3A_183] : memref<32x40x2x2x128xi32, #tpu.memory_space<hbm>> -> memref<1x1x2x2x128xi32, #tpu.memory_space<hbm>>
      %dma_start3A_185 = tpu.memref_squeeze %dma_start3A_184 : memref<1x1x2x2x128xi32, #tpu.memory_space<hbm>> -> memref<2x2x128xi32, #tpu.memory_space<hbm>>
      %dma_start3A_186 = arith.constant 0 : i32
      %dma_start3A_187 = arith.constant 0 : i32
      %dma_start3A_188 = arith.constant 0 : i32
      %dma_start3A_189 = tpu.memref_slice %arg3[%add3A, %run_scoped3A, %dma_start3A_186, %dma_start3A_187, %dma_start3A_188] : memref<32x40x2x2x128xi32, #tpu.memory_space<hbm>> -> memref<1x1x2x2x128xi32, #tpu.memory_space<hbm>>
      %dma_start3A_190 = tpu.memref_squeeze %dma_start3A_189 : memref<1x1x2x2x128xi32, #tpu.memory_space<hbm>> -> memref<2x2x128xi32, #tpu.memory_space<hbm>>
      tpu.enqueue_dma source(%dma_start3A_190 : memref<2x2x128xi32, #tpu.memory_space<hbm>>) target(%arg7 : memref<2x2x128xi32, #tpu.memory_space<vmem>>) target_semaphore(%run_scoped3A_180 : memref<!tpu.dma_semaphore, #tpu.memory_space<semaphore_mem>>)
      %dma_wait3A_191 = arith.constant 0 : i32
      %dma_wait3A_192 = arith.constant 0 : i32
      %dma_wait3A_193 = arith.constant 0 : i32
      %dma_wait3A_194 = tpu.memref_slice %arg3[%add3A, %run_scoped3A, %dma_wait3A_191, %dma_wait3A_192, %dma_wait3A_193] : memref<32x40x2x2x128xi32, #tpu.memory_space<hbm>> -> memref<1x1x2x2x128xi32, #tpu.memory_space<hbm>>
      %dma_wait3A_195 = tpu.memref_squeeze %dma_wait3A_194 : memref<1x1x2x2x128xi32, #tpu.memory_space<hbm>> -> memref<2x2x128xi32, #tpu.memory_space<hbm>>
      %dma_wait3A_196 = arith.constant 0 : i32
      %dma_wait3A_197 = arith.constant 0 : i32
      %dma_wait3A_198 = arith.constant 0 : i32
      %dma_wait3A_199 = tpu.memref_slice %arg3[%add3A, %run_scoped3A, %dma_wait3A_196, %dma_wait3A_197, %dma_wait3A_198] : memref<32x40x2x2x128xi32, #tpu.memory_space<hbm>> -> memref<1x1x2x2x128xi32, #tpu.memory_space<hbm>>
      %dma_wait3A_200 = tpu.memref_squeeze %dma_wait3A_199 : memref<1x1x2x2x128xi32, #tpu.memory_space<hbm>> -> memref<2x2x128xi32, #tpu.memory_space<hbm>>
      tpu.wait_dma2 semaphore(%run_scoped3A_180 : memref<!tpu.dma_semaphore, #tpu.memory_space<semaphore_mem>>) src(%dma_wait3A_200 : memref<2x2x128xi32, #tpu.memory_space<hbm>>) dst(%arg7 : memref<2x2x128xi32, #tpu.memory_space<vmem>>)
      tpu.yield
    }) : () -> ()
    %dma_start3A = arith.constant 0 : i32
    %dma_start3A_3 = arith.constant 0 : i32
    %dma_start3A_4 = arith.constant 0 : i32
    %dma_start3A_5 = tpu.memref_slice %arg7[%dma_start3A, %dma_start3A_3, %dma_start3A_4] : memref<2x2x128xi32, #tpu.memory_space<vmem>> -> memref<1x1x128xi32, #tpu.memory_space<vmem>>
    %dma_start3A_6 = tpu.memref_squeeze %dma_start3A_5 : memref<1x1x128xi32, #tpu.memory_space<vmem>> -> memref<128xi32, #tpu.memory_space<vmem>>
    %dma_start3A_7 = arith.constant 0 : i32
    %dma_start3A_8 = arith.constant 0 : i32
    %dma_start3A_9 = tpu.memref_slice %arg2[%dma_start3A_7, %dma_start3A_8] : memref<10000x128xf32, #tpu.memory_space<hbm>> -> memref<10000x128xf32, #tpu.memory_space<hbm>>
    tpu.enqueue_indirect_dma source(%dma_start3A_9 : memref<10000x128xf32, #tpu.memory_space<hbm>>) target(%arg9 : memref<128x128xf32, #tpu.memory_space<vmem>>) offsets(%dma_start3A_6 : memref<128xi32, #tpu.memory_space<vmem>>) semaphore(%arg12 : memref<!tpu.dma_semaphore, #tpu.memory_space<semaphore_mem>>)
    %dma_start3A_10 = arith.constant 1 : i32
    %dma_start3A_11 = arith.constant 0 : i32
    %dma_start3A_12 = arith.constant 0 : i32
    %dma_start3A_13 = tpu.memref_slice %arg7[%dma_start3A_10, %dma_start3A_11, %dma_start3A_12] : memref<2x2x128xi32, #tpu.memory_space<vmem>> -> memref<1x1x128xi32, #tpu.memory_space<vmem>>
    %dma_start3A_14 = tpu.memref_squeeze %dma_start3A_13 : memref<1x1x128xi32, #tpu.memory_space<vmem>> -> memref<128xi32, #tpu.memory_space<vmem>>
    %dma_start3A_15 = arith.constant 0 : i32
    %dma_start3A_16 = arith.constant 0 : i32
    %dma_start3A_17 = tpu.memref_slice %arg2[%dma_start3A_15, %dma_start3A_16] : memref<10000x128xf32, #tpu.memory_space<hbm>> -> memref<10000x128xf32, #tpu.memory_space<hbm>>
    tpu.enqueue_indirect_dma source(%dma_start3A_17 : memref<10000x128xf32, #tpu.memory_space<hbm>>) target(%arg10 : memref<128x128xf32, #tpu.memory_space<vmem>>) offsets(%dma_start3A_14 : memref<128xi32, #tpu.memory_space<vmem>>) semaphore(%arg13 : memref<!tpu.dma_semaphore, #tpu.memory_space<semaphore_mem>>)
    %dma_start3A_18 = arith.constant 1 : i32
    %dma_start3A_19 = arith.constant 0 : i32
    %dma_start3A_20 = arith.constant 0 : i32
    %dma_start3A_21 = arith.constant 0 : i32
    %dma_start3A_22 = tpu.memref_slice %arg3[%add3A, %dma_start3A_18, %dma_start3A_19, %dma_start3A_20, %dma_start3A_21] : memref<32x40x2x2x128xi32, #tpu.memory_space<hbm>> -> memref<1x1x2x2x128xi32, #tpu.memory_space<hbm>>
    %dma_start3A_23 = tpu.memref_squeeze %dma_start3A_22 : memref<1x1x2x2x128xi32, #tpu.memory_space<hbm>> -> memref<2x2x128xi32, #tpu.memory_space<hbm>>
    %dma_start3A_24 = arith.constant 0 : i32
    %dma_start3A_25 = arith.constant 0 : i32
    %dma_start3A_26 = arith.constant 0 : i32
    %dma_start3A_27 = tpu.memref_slice %arg3[%add3A, %dma_start3A_18, %dma_start3A_24, %dma_start3A_25, %dma_start3A_26] : memref<32x40x2x2x128xi32, #tpu.memory_space<hbm>> -> memref<1x1x2x2x128xi32, #tpu.memory_space<hbm>>
    %dma_start3A_28 = tpu.memref_squeeze %dma_start3A_27 : memref<1x1x2x2x128xi32, #tpu.memory_space<hbm>> -> memref<2x2x128xi32, #tpu.memory_space<hbm>>
    tpu.enqueue_dma source(%dma_start3A_28 : memref<2x2x128xi32, #tpu.memory_space<hbm>>) target(%arg8 : memref<2x2x128xi32, #tpu.memory_space<vmem>>) target_semaphore(%arg15 : memref<!tpu.dma_semaphore, #tpu.memory_space<semaphore_mem>>)
    "tpu.region"() ({
      %run_scoped3A_180 = tpu.sem_alloc : memref<!tpu.dma_semaphore, #tpu.memory_space<semaphore_mem>>
      tpu.enqueue_dma source(%arg4 : memref<64x128xf32, #tpu.memory_space<hbm>>) target(%arg11 : memref<64x128xf32, #tpu.memory_space<vmem>>) target_semaphore(%run_scoped3A_180 : memref<!tpu.dma_semaphore, #tpu.memory_space<semaphore_mem>>)
      tpu.wait_dma2 semaphore(%run_scoped3A_180 : memref<!tpu.dma_semaphore, #tpu.memory_space<semaphore_mem>>) src(%arg4 : memref<64x128xf32, #tpu.memory_space<hbm>>) dst(%arg11 : memref<64x128xf32, #tpu.memory_space<vmem>>)
      tpu.yield
    }) : () -> ()
    %scan3A = arith.constant 0 : i32
    %scan3A_29 = arith.constant 0 : i32
    %scan3A_30 = arith.constant 10 : i32
    %scan3A_31 = arith.addi %scan3A_29, %scan3A_30 : i32
    %scan3A_32 = arith.constant 1 : i32
    scf.for %scan3A_180 = %scan3A_29 to %scan3A_31 step %scan3A_32  : i32 {
      %mul3A_181 = arith.constant 64 : i32
      %mul3A_182 = arith.muli %scan3A_180, %mul3A_181 : i32
      %add3A_183 = arith.addi %mul3A_2, %mul3A_182 : i32
      "tpu.region"() ({
        %run_scoped3A_184 = tpu.sem_alloc : memref<!tpu.dma_semaphore, #tpu.memory_space<semaphore_mem>>
        %dma_start3A_185 = arith.constant 0 : i32
        %dma_start3A_186 = tpu.memref_slice %arg6[%add3A_183, %dma_start3A_185] : memref<10240x128xf32, #tpu.memory_space<vmem_shared>> -> memref<64x128xf32, #tpu.memory_space<vmem_shared>>
        %dma_start3A_187 = arith.constant 0 : i32
        %dma_start3A_188 = tpu.memref_slice %arg6[%add3A_183, %dma_start3A_187] : memref<10240x128xf32, #tpu.memory_space<vmem_shared>> -> memref<64x128xf32, #tpu.memory_space<vmem_shared>>
        tpu.enqueue_dma source(%arg11 : memref<64x128xf32, #tpu.memory_space<vmem>>) target(%dma_start3A_188 : memref<64x128xf32, #tpu.memory_space<vmem_shared>>) target_semaphore(%run_scoped3A_184 : memref<!tpu.dma_semaphore, #tpu.memory_space<semaphore_mem>>)
        %dma_wait3A_189 = arith.constant 0 : i32
        %dma_wait3A_190 = tpu.memref_slice %arg6[%add3A_183, %dma_wait3A_189] : memref<10240x128xf32, #tpu.memory_space<vmem_shared>> -> memref<64x128xf32, #tpu.memory_space<vmem_shared>>
        %dma_wait3A_191 = arith.constant 0 : i32
        %dma_wait3A_192 = tpu.memref_slice %arg6[%add3A_183, %dma_wait3A_191] : memref<10240x128xf32, #tpu.memory_space<vmem_shared>> -> memref<64x128xf32, #tpu.memory_space<vmem_shared>>
        tpu.wait_dma2 semaphore(%run_scoped3A_184 : memref<!tpu.dma_semaphore, #tpu.memory_space<semaphore_mem>>) src(%arg11 : memref<64x128xf32, #tpu.memory_space<vmem>>) dst(%dma_wait3A_192 : memref<64x128xf32, #tpu.memory_space<vmem_shared>>)
        tpu.yield
      }) : () -> ()
    }
    %scan3A_33 = arith.constant 10 : i32
    %barrier3A = arith.constant 0 : index
    tpu.barrier barrier_id(%barrier3A)
    %scan3A_34 = arith.constant 0 : i32
    %scan3A_35 = arith.constant 0 : i32
    %scan3A_36 = arith.constant 20 : i32
    %scan3A_37 = arith.addi %scan3A_35, %scan3A_36 : i32
    %scan3A_38 = arith.constant 1 : i32
    scf.for %scan3A_180 = %scan3A_35 to %scan3A_37 step %scan3A_38  : i32 {
      %dma_wait3A_181 = arith.constant 0 : i32
      %dma_wait3A_182 = arith.constant 0 : i32
      %dma_wait3A_183 = arith.constant 0 : i32
      %dma_wait3A_184 = tpu.memref_slice %arg7[%dma_wait3A_181, %dma_wait3A_182, %dma_wait3A_183] : memref<2x2x128xi32, #tpu.memory_space<vmem>> -> memref<1x1x128xi32, #tpu.memory_space<vmem>>
      %dma_wait3A_185 = tpu.memref_squeeze %dma_wait3A_184 : memref<1x1x128xi32, #tpu.memory_space<vmem>> -> memref<128xi32, #tpu.memory_space<vmem>>
      %dma_wait3A_186 = arith.constant 0 : i32
      %dma_wait3A_187 = arith.constant 0 : i32
      %dma_wait3A_188 = tpu.memref_slice %arg2[%dma_wait3A_186, %dma_wait3A_187] : memref<10000x128xf32, #tpu.memory_space<hbm>> -> memref<10000x128xf32, #tpu.memory_space<hbm>>
      tpu.wait_indirect_dma semaphore(%arg12 : memref<!tpu.dma_semaphore, #tpu.memory_space<semaphore_mem>>) src(%dma_wait3A_188 : memref<10000x128xf32, #tpu.memory_space<hbm>>) dst(%arg9 : memref<128x128xf32, #tpu.memory_space<vmem>>)
      %run_scoped3A_189 = arith.constant 0 : i32
      %run_scoped3A_190 = arith.constant 1 : i32
      "tpu.region"() ({
        %run_scoped3A_260 = tpu.sem_alloc : memref<!tpu.dma_semaphore, #tpu.memory_space<semaphore_mem>>
        %dma_start3A_261 = arith.constant 0 : i32
        %dma_start3A_262 = tpu.memref_slice %arg7[%run_scoped3A_189, %run_scoped3A_190, %dma_start3A_261] : memref<2x2x128xi32, #tpu.memory_space<vmem>> -> memref<1x1x128xi32, #tpu.memory_space<vmem>>
        %dma_start3A_263 = tpu.memref_squeeze %dma_start3A_262 : memref<1x1x128xi32, #tpu.memory_space<vmem>> -> memref<128xi32, #tpu.memory_space<vmem>>
        %dma_start3A_264 = arith.constant 0 : i32
        %dma_start3A_265 = arith.constant 0 : i32
        %dma_start3A_266 = tpu.memref_slice %arg6[%dma_start3A_264, %dma_start3A_265] : memref<10240x128xf32, #tpu.memory_space<vmem_shared>> -> memref<10240x128xf32, #tpu.memory_space<vmem_shared>>
        tpu.enqueue_indirect_dma source(%arg9 : memref<128x128xf32, #tpu.memory_space<vmem>>) target(%dma_start3A_266 : memref<10240x128xf32, #tpu.memory_space<vmem_shared>>) offsets(%dma_start3A_263 : memref<128xi32, #tpu.memory_space<vmem>>) semaphore(%run_scoped3A_260 : memref<!tpu.dma_semaphore, #tpu.memory_space<semaphore_mem>>) {add = true}
        %dma_wait3A_267 = arith.constant 0 : i32
        %dma_wait3A_268 = tpu.memref_slice %arg7[%run_scoped3A_189, %run_scoped3A_190, %dma_wait3A_267] : memref<2x2x128xi32, #tpu.memory_space<vmem>> -> memref<1x1x128xi32, #tpu.memory_space<vmem>>
        %dma_wait3A_269 = tpu.memref_squeeze %dma_wait3A_268 : memref<1x1x128xi32, #tpu.memory_space<vmem>> -> memref<128xi32, #tpu.memory_space<vmem>>
        %dma_wait3A_270 = arith.constant 0 : i32
        %dma_wait3A_271 = arith.constant 0 : i32
        %dma_wait3A_272 = tpu.memref_slice %arg6[%dma_wait3A_270, %dma_wait3A_271] : memref<10240x128xf32, #tpu.memory_space<vmem_shared>> -> memref<10240x128xf32, #tpu.memory_space<vmem_shared>>
        tpu.wait_indirect_dma semaphore(%run_scoped3A_260 : memref<!tpu.dma_semaphore, #tpu.memory_space<semaphore_mem>>) src(%arg9 : memref<128x128xf32, #tpu.memory_space<vmem>>) dst(%dma_wait3A_272 : memref<10240x128xf32, #tpu.memory_space<vmem_shared>>)
        tpu.yield
      }) : () -> ()
      %dma_wait3A_191 = arith.constant 0 : i32
      %dma_wait3A_192 = arith.constant 0 : i32
      %dma_wait3A_193 = arith.constant 0 : i32
      %dma_wait3A_194 = arith.constant 0 : i32
      %dma_wait3A_195 = tpu.memref_slice %arg3[%add3A, %dma_wait3A_191, %dma_wait3A_192, %dma_wait3A_193, %dma_wait3A_194] : memref<32x40x2x2x128xi32, #tpu.memory_space<hbm>> -> memref<1x1x2x2x128xi32, #tpu.memory_space<hbm>>
      %dma_wait3A_196 = tpu.memref_squeeze %dma_wait3A_195 : memref<1x1x2x2x128xi32, #tpu.memory_space<hbm>> -> memref<2x2x128xi32, #tpu.memory_space<hbm>>
      %dma_wait3A_197 = arith.constant 0 : i32
      %dma_wait3A_198 = arith.constant 0 : i32
      %dma_wait3A_199 = arith.constant 0 : i32
      %dma_wait3A_200 = tpu.memref_slice %arg3[%add3A, %dma_wait3A_191, %dma_wait3A_197, %dma_wait3A_198, %dma_wait3A_199] : memref<32x40x2x2x128xi32, #tpu.memory_space<hbm>> -> memref<1x1x2x2x128xi32, #tpu.memory_space<hbm>>
      %dma_wait3A_201 = tpu.memref_squeeze %dma_wait3A_200 : memref<1x1x2x2x128xi32, #tpu.memory_space<hbm>> -> memref<2x2x128xi32, #tpu.memory_space<hbm>>
      tpu.wait_dma2 semaphore(%arg15 : memref<!tpu.dma_semaphore, #tpu.memory_space<semaphore_mem>>) src(%dma_wait3A_201 : memref<2x2x128xi32, #tpu.memory_space<hbm>>) dst(%arg8 : memref<2x2x128xi32, #tpu.memory_space<vmem>>)
      %dma_start3A_202 = arith.constant 0 : i32
      %dma_start3A_203 = arith.constant 0 : i32
      %dma_start3A_204 = arith.constant 0 : i32
      %dma_start3A_205 = tpu.memref_slice %arg8[%dma_start3A_202, %dma_start3A_203, %dma_start3A_204] : memref<2x2x128xi32, #tpu.memory_space<vmem>> -> memref<1x1x128xi32, #tpu.memory_space<vmem>>
      %dma_start3A_206 = tpu.memref_squeeze %dma_start3A_205 : memref<1x1x128xi32, #tpu.memory_space<vmem>> -> memref<128xi32, #tpu.memory_space<vmem>>
      %dma_start3A_207 = arith.constant 0 : i32
      %dma_start3A_208 = arith.constant 0 : i32
      %dma_start3A_209 = tpu.memref_slice %arg2[%dma_start3A_207, %dma_start3A_208] : memref<10000x128xf32, #tpu.memory_space<hbm>> -> memref<10000x128xf32, #tpu.memory_space<hbm>>
      tpu.enqueue_indirect_dma source(%dma_start3A_209 : memref<10000x128xf32, #tpu.memory_space<hbm>>) target(%arg9 : memref<128x128xf32, #tpu.memory_space<vmem>>) offsets(%dma_start3A_206 : memref<128xi32, #tpu.memory_space<vmem>>) semaphore(%arg12 : memref<!tpu.dma_semaphore, #tpu.memory_space<semaphore_mem>>)
      %dma_wait3A_210 = arith.constant 1 : i32
      %dma_wait3A_211 = arith.constant 0 : i32
      %dma_wait3A_212 = arith.constant 0 : i32
      %dma_wait3A_213 = tpu.memref_slice %arg7[%dma_wait3A_210, %dma_wait3A_211, %dma_wait3A_212] : memref<2x2x128xi32, #tpu.memory_space<vmem>> -> memref<1x1x128xi32, #tpu.memory_space<vmem>>
      %dma_wait3A_214 = tpu.memref_squeeze %dma_wait3A_213 : memref<1x1x128xi32, #tpu.memory_space<vmem>> -> memref<128xi32, #tpu.memory_space<vmem>>
      %dma_wait3A_215 = arith.constant 0 : i32
      %dma_wait3A_216 = arith.constant 0 : i32
      %dma_wait3A_217 = tpu.memref_slice %arg2[%dma_wait3A_215, %dma_wait3A_216] : memref<10000x128xf32, #tpu.memory_space<hbm>> -> memref<10000x128xf32, #tpu.memory_space<hbm>>
      tpu.wait_indirect_dma semaphore(%arg13 : memref<!tpu.dma_semaphore, #tpu.memory_space<semaphore_mem>>) src(%dma_wait3A_217 : memref<10000x128xf32, #tpu.memory_space<hbm>>) dst(%arg10 : memref<128x128xf32, #tpu.memory_space<vmem>>)
      %run_scoped3A_218 = arith.constant 1 : i32
      %run_scoped3A_219 = arith.constant 1 : i32
      "tpu.region"() ({
        %run_scoped3A_260 = tpu.sem_alloc : memref<!tpu.dma_semaphore, #tpu.memory_space<semaphore_mem>>
        %dma_start3A_261 = arith.constant 0 : i32
        %dma_start3A_262 = tpu.memref_slice %arg7[%run_scoped3A_218, %run_scoped3A_219, %dma_start3A_261] : memref<2x2x128xi32, #tpu.memory_space<vmem>> -> memref<1x1x128xi32, #tpu.memory_space<vmem>>
        %dma_start3A_263 = tpu.memref_squeeze %dma_start3A_262 : memref<1x1x128xi32, #tpu.memory_space<vmem>> -> memref<128xi32, #tpu.memory_space<vmem>>
        %dma_start3A_264 = arith.constant 0 : i32
        %dma_start3A_265 = arith.constant 0 : i32
        %dma_start3A_266 = tpu.memref_slice %arg6[%dma_start3A_264, %dma_start3A_265] : memref<10240x128xf32, #tpu.memory_space<vmem_shared>> -> memref<10240x128xf32, #tpu.memory_space<vmem_shared>>
        tpu.enqueue_indirect_dma source(%arg10 : memref<128x128xf32, #tpu.memory_space<vmem>>) target(%dma_start3A_266 : memref<10240x128xf32, #tpu.memory_space<vmem_shared>>) offsets(%dma_start3A_263 : memref<128xi32, #tpu.memory_space<vmem>>) semaphore(%run_scoped3A_260 : memref<!tpu.dma_semaphore, #tpu.memory_space<semaphore_mem>>) {add = true}
        %dma_wait3A_267 = arith.constant 0 : i32
        %dma_wait3A_268 = tpu.memref_slice %arg7[%run_scoped3A_218, %run_scoped3A_219, %dma_wait3A_267] : memref<2x2x128xi32, #tpu.memory_space<vmem>> -> memref<1x1x128xi32, #tpu.memory_space<vmem>>
        %dma_wait3A_269 = tpu.memref_squeeze %dma_wait3A_268 : memref<1x1x128xi32, #tpu.memory_space<vmem>> -> memref<128xi32, #tpu.memory_space<vmem>>
        %dma_wait3A_270 = arith.constant 0 : i32
        %dma_wait3A_271 = arith.constant 0 : i32
        %dma_wait3A_272 = tpu.memref_slice %arg6[%dma_wait3A_270, %dma_wait3A_271] : memref<10240x128xf32, #tpu.memory_space<vmem_shared>> -> memref<10240x128xf32, #tpu.memory_space<vmem_shared>>
        tpu.wait_indirect_dma semaphore(%run_scoped3A_260 : memref<!tpu.dma_semaphore, #tpu.memory_space<semaphore_mem>>) src(%arg10 : memref<128x128xf32, #tpu.memory_space<vmem>>) dst(%dma_wait3A_272 : memref<10240x128xf32, #tpu.memory_space<vmem_shared>>)
        tpu.yield
      }) : () -> ()
      %lt3A = arith.constant 19 : i32
      %lt3A_220 = arith.cmpi slt, %scan3A_180, %lt3A : i32
      %convert_element_type3A = arith.extui %lt3A_220 : i1 to i32
      %cond3A = arith.constant 0 : i32
      %cond3A_221 = arith.cmpi ne, %convert_element_type3A, %cond3A : i32
      scf.if %cond3A_221 {
        %mul3A_260 = arith.constant 2 : i32
        %mul3A_261 = arith.muli %mul3A_260, %scan3A_180 : i32
        %add3A_262 = arith.constant 2 : i32
        %add3A_263 = arith.addi %mul3A_261, %add3A_262 : i32
        %dma_start3A_264 = arith.constant 0 : i32
        %dma_start3A_265 = arith.constant 0 : i32
        %dma_start3A_266 = arith.constant 0 : i32
        %dma_start3A_267 = tpu.memref_slice %arg3[%add3A, %add3A_263, %dma_start3A_264, %dma_start3A_265, %dma_start3A_266] : memref<32x40x2x2x128xi32, #tpu.memory_space<hbm>> -> memref<1x1x2x2x128xi32, #tpu.memory_space<hbm>>
        %dma_start3A_268 = tpu.memref_squeeze %dma_start3A_267 : memref<1x1x2x2x128xi32, #tpu.memory_space<hbm>> -> memref<2x2x128xi32, #tpu.memory_space<hbm>>
        %dma_start3A_269 = arith.constant 0 : i32
        %dma_start3A_270 = arith.constant 0 : i32
        %dma_start3A_271 = arith.constant 0 : i32
        %dma_start3A_272 = tpu.memref_slice %arg3[%add3A, %add3A_263, %dma_start3A_269, %dma_start3A_270, %dma_start3A_271] : memref<32x40x2x2x128xi32, #tpu.memory_space<hbm>> -> memref<1x1x2x2x128xi32, #tpu.memory_space<hbm>>
        %dma_start3A_273 = tpu.memref_squeeze %dma_start3A_272 : memref<1x1x2x2x128xi32, #tpu.memory_space<hbm>> -> memref<2x2x128xi32, #tpu.memory_space<hbm>>
        tpu.enqueue_dma source(%dma_start3A_273 : memref<2x2x128xi32, #tpu.memory_space<hbm>>) target(%arg7 : memref<2x2x128xi32, #tpu.memory_space<vmem>>) target_semaphore(%arg14 : memref<!tpu.dma_semaphore, #tpu.memory_space<semaphore_mem>>)
      } else {
      }
      %dma_start3A_222 = arith.constant 1 : i32
      %dma_start3A_223 = arith.constant 0 : i32
      %dma_start3A_224 = arith.constant 0 : i32
      %dma_start3A_225 = tpu.memref_slice %arg8[%dma_start3A_222, %dma_start3A_223, %dma_start3A_224] : memref<2x2x128xi32, #tpu.memory_space<vmem>> -> memref<1x1x128xi32, #tpu.memory_space<vmem>>
      %dma_start3A_226 = tpu.memref_squeeze %dma_start3A_225 : memref<1x1x128xi32, #tpu.memory_space<vmem>> -> memref<128xi32, #tpu.memory_space<vmem>>
      %dma_start3A_227 = arith.constant 0 : i32
      %dma_start3A_228 = arith.constant 0 : i32
      %dma_start3A_229 = tpu.memref_slice %arg2[%dma_start3A_227, %dma_start3A_228] : memref<10000x128xf32, #tpu.memory_space<hbm>> -> memref<10000x128xf32, #tpu.memory_space<hbm>>
      tpu.enqueue_indirect_dma source(%dma_start3A_229 : memref<10000x128xf32, #tpu.memory_space<hbm>>) target(%arg10 : memref<128x128xf32, #tpu.memory_space<vmem>>) offsets(%dma_start3A_226 : memref<128xi32, #tpu.memory_space<vmem>>) semaphore(%arg13 : memref<!tpu.dma_semaphore, #tpu.memory_space<semaphore_mem>>)
      %dma_wait3A_230 = arith.constant 0 : i32
      %dma_wait3A_231 = arith.constant 0 : i32
      %dma_wait3A_232 = arith.constant 0 : i32
      %dma_wait3A_233 = tpu.memref_slice %arg8[%dma_wait3A_230, %dma_wait3A_231, %dma_wait3A_232] : memref<2x2x128xi32, #tpu.memory_space<vmem>> -> memref<1x1x128xi32, #tpu.memory_space<vmem>>
      %dma_wait3A_234 = tpu.memref_squeeze %dma_wait3A_233 : memref<1x1x128xi32, #tpu.memory_space<vmem>> -> memref<128xi32, #tpu.memory_space<vmem>>
      %dma_wait3A_235 = arith.constant 0 : i32
      %dma_wait3A_236 = arith.constant 0 : i32
      %dma_wait3A_237 = tpu.memref_slice %arg2[%dma_wait3A_235, %dma_wait3A_236] : memref<10000x128xf32, #tpu.memory_space<hbm>> -> memref<10000x128xf32, #tpu.memory_space<hbm>>
      tpu.wait_indirect_dma semaphore(%arg12 : memref<!tpu.dma_semaphore, #tpu.memory_space<semaphore_mem>>) src(%dma_wait3A_237 : memref<10000x128xf32, #tpu.memory_space<hbm>>) dst(%arg9 : memref<128x128xf32, #tpu.memory_space<vmem>>)
      %run_scoped3A_238 = arith.constant 0 : i32
      %run_scoped3A_239 = arith.constant 1 : i32
      "tpu.region"() ({
        %run_scoped3A_260 = tpu.sem_alloc : memref<!tpu.dma_semaphore, #tpu.memory_space<semaphore_mem>>
        %dma_start3A_261 = arith.constant 0 : i32
        %dma_start3A_262 = tpu.memref_slice %arg8[%run_scoped3A_238, %run_scoped3A_239, %dma_start3A_261] : memref<2x2x128xi32, #tpu.memory_space<vmem>> -> memref<1x1x128xi32, #tpu.memory_space<vmem>>
        %dma_start3A_263 = tpu.memref_squeeze %dma_start3A_262 : memref<1x1x128xi32, #tpu.memory_space<vmem>> -> memref<128xi32, #tpu.memory_space<vmem>>
        %dma_start3A_264 = arith.constant 0 : i32
        %dma_start3A_265 = arith.constant 0 : i32
        %dma_start3A_266 = tpu.memref_slice %arg6[%dma_start3A_264, %dma_start3A_265] : memref<10240x128xf32, #tpu.memory_space<vmem_shared>> -> memref<10240x128xf32, #tpu.memory_space<vmem_shared>>
        tpu.enqueue_indirect_dma source(%arg9 : memref<128x128xf32, #tpu.memory_space<vmem>>) target(%dma_start3A_266 : memref<10240x128xf32, #tpu.memory_space<vmem_shared>>) offsets(%dma_start3A_263 : memref<128xi32, #tpu.memory_space<vmem>>) semaphore(%run_scoped3A_260 : memref<!tpu.dma_semaphore, #tpu.memory_space<semaphore_mem>>) {add = true}
        %dma_wait3A_267 = arith.constant 0 : i32
        %dma_wait3A_268 = tpu.memref_slice %arg8[%run_scoped3A_238, %run_scoped3A_239, %dma_wait3A_267] : memref<2x2x128xi32, #tpu.memory_space<vmem>> -> memref<1x1x128xi32, #tpu.memory_space<vmem>>
        %dma_wait3A_269 = tpu.memref_squeeze %dma_wait3A_268 : memref<1x1x128xi32, #tpu.memory_space<vmem>> -> memref<128xi32, #tpu.memory_space<vmem>>
        %dma_wait3A_270 = arith.constant 0 : i32
        %dma_wait3A_271 = arith.constant 0 : i32
        %dma_wait3A_272 = tpu.memref_slice %arg6[%dma_wait3A_270, %dma_wait3A_271] : memref<10240x128xf32, #tpu.memory_space<vmem_shared>> -> memref<10240x128xf32, #tpu.memory_space<vmem_shared>>
        tpu.wait_indirect_dma semaphore(%run_scoped3A_260 : memref<!tpu.dma_semaphore, #tpu.memory_space<semaphore_mem>>) src(%arg9 : memref<128x128xf32, #tpu.memory_space<vmem>>) dst(%dma_wait3A_272 : memref<10240x128xf32, #tpu.memory_space<vmem_shared>>)
        tpu.yield
      }) : () -> ()
      %lt3A_240 = arith.constant 19 : i32
      %lt3A_241 = arith.cmpi slt, %scan3A_180, %lt3A_240 : i32
      %convert_element_type3A_242 = arith.extui %lt3A_241 : i1 to i32
      %cond3A_243 = arith.constant 0 : i32
      %cond3A_244 = arith.cmpi ne, %convert_element_type3A_242, %cond3A_243 : i32
      scf.if %cond3A_244 {
        %dma_wait3A_260 = arith.constant 0 : i32
        %dma_wait3A_261 = arith.constant 0 : i32
        %dma_wait3A_262 = arith.constant 0 : i32
        %dma_wait3A_263 = arith.constant 0 : i32
        %dma_wait3A_264 = tpu.memref_slice %arg3[%add3A, %dma_wait3A_260, %dma_wait3A_261, %dma_wait3A_262, %dma_wait3A_263] : memref<32x40x2x2x128xi32, #tpu.memory_space<hbm>> -> memref<1x1x2x2x128xi32, #tpu.memory_space<hbm>>
        %dma_wait3A_265 = tpu.memref_squeeze %dma_wait3A_264 : memref<1x1x2x2x128xi32, #tpu.memory_space<hbm>> -> memref<2x2x128xi32, #tpu.memory_space<hbm>>
        %dma_wait3A_266 = arith.constant 0 : i32
        %dma_wait3A_267 = arith.constant 0 : i32
        %dma_wait3A_268 = arith.constant 0 : i32
        %dma_wait3A_269 = tpu.memref_slice %arg3[%add3A, %dma_wait3A_260, %dma_wait3A_266, %dma_wait3A_267, %dma_wait3A_268] : memref<32x40x2x2x128xi32, #tpu.memory_space<hbm>> -> memref<1x1x2x2x128xi32, #tpu.memory_space<hbm>>
        %dma_wait3A_270 = tpu.memref_squeeze %dma_wait3A_269 : memref<1x1x2x2x128xi32, #tpu.memory_space<hbm>> -> memref<2x2x128xi32, #tpu.memory_space<hbm>>
        tpu.wait_dma2 semaphore(%arg14 : memref<!tpu.dma_semaphore, #tpu.memory_space<semaphore_mem>>) src(%dma_wait3A_270 : memref<2x2x128xi32, #tpu.memory_space<hbm>>) dst(%arg7 : memref<2x2x128xi32, #tpu.memory_space<vmem>>)
        %dma_start3A_271 = arith.constant 0 : i32
        %dma_start3A_272 = arith.constant 0 : i32
        %dma_start3A_273 = arith.constant 0 : i32
        %dma_start3A_274 = tpu.memref_slice %arg7[%dma_start3A_271, %dma_start3A_272, %dma_start3A_273] : memref<2x2x128xi32, #tpu.memory_space<vmem>> -> memref<1x1x128xi32, #tpu.memory_space<vmem>>
        %dma_start3A_275 = tpu.memref_squeeze %dma_start3A_274 : memref<1x1x128xi32, #tpu.memory_space<vmem>> -> memref<128xi32, #tpu.memory_space<vmem>>
        %dma_start3A_276 = arith.constant 0 : i32
        %dma_start3A_277 = arith.constant 0 : i32
        %dma_start3A_278 = tpu.memref_slice %arg2[%dma_start3A_276, %dma_start3A_277] : memref<10000x128xf32, #tpu.memory_space<hbm>> -> memref<10000x128xf32, #tpu.memory_space<hbm>>
        tpu.enqueue_indirect_dma source(%dma_start3A_278 : memref<10000x128xf32, #tpu.memory_space<hbm>>) target(%arg9 : memref<128x128xf32, #tpu.memory_space<vmem>>) offsets(%dma_start3A_275 : memref<128xi32, #tpu.memory_space<vmem>>) semaphore(%arg12 : memref<!tpu.dma_semaphore, #tpu.memory_space<semaphore_mem>>)
      } else {
      }
      %dma_wait3A_245 = arith.constant 1 : i32
      %dma_wait3A_246 = arith.constant 0 : i32
      %dma_wait3A_247 = arith.constant 0 : i32
      %dma_wait3A_248 = tpu.memref_slice %arg8[%dma_wait3A_245, %dma_wait3A_246, %dma_wait3A_247] : memref<2x2x128xi32, #tpu.memory_space<vmem>> -> memref<1x1x128xi32, #tpu.memory_space<vmem>>
      %dma_wait3A_249 = tpu.memref_squeeze %dma_wait3A_248 : memref<1x1x128xi32, #tpu.memory_space<vmem>> -> memref<128xi32, #tpu.memory_space<vmem>>
      %dma_wait3A_250 = arith.constant 0 : i32
      %dma_wait3A_251 = arith.constant 0 : i32
      %dma_wait3A_252 = tpu.memref_slice %arg2[%dma_wait3A_250, %dma_wait3A_251] : memref<10000x128xf32, #tpu.memory_space<hbm>> -> memref<10000x128xf32, #tpu.memory_space<hbm>>
      tpu.wait_indirect_dma semaphore(%arg13 : memref<!tpu.dma_semaphore, #tpu.memory_space<semaphore_mem>>) src(%dma_wait3A_252 : memref<10000x128xf32, #tpu.memory_space<hbm>>) dst(%arg10 : memref<128x128xf32, #tpu.memory_space<vmem>>)
      %run_scoped3A_253 = arith.constant 1 : i32
      %run_scoped3A_254 = arith.constant 1 : i32
      "tpu.region"() ({
        %run_scoped3A_260 = tpu.sem_alloc : memref<!tpu.dma_semaphore, #tpu.memory_space<semaphore_mem>>
        %dma_start3A_261 = arith.constant 0 : i32
        %dma_start3A_262 = tpu.memref_slice %arg8[%run_scoped3A_253, %run_scoped3A_254, %dma_start3A_261] : memref<2x2x128xi32, #tpu.memory_space<vmem>> -> memref<1x1x128xi32, #tpu.memory_space<vmem>>
        %dma_start3A_263 = tpu.memref_squeeze %dma_start3A_262 : memref<1x1x128xi32, #tpu.memory_space<vmem>> -> memref<128xi32, #tpu.memory_space<vmem>>
        %dma_start3A_264 = arith.constant 0 : i32
        %dma_start3A_265 = arith.constant 0 : i32
        %dma_start3A_266 = tpu.memref_slice %arg6[%dma_start3A_264, %dma_start3A_265] : memref<10240x128xf32, #tpu.memory_space<vmem_shared>> -> memref<10240x128xf32, #tpu.memory_space<vmem_shared>>
        tpu.enqueue_indirect_dma source(%arg10 : memref<128x128xf32, #tpu.memory_space<vmem>>) target(%dma_start3A_266 : memref<10240x128xf32, #tpu.memory_space<vmem_shared>>) offsets(%dma_start3A_263 : memref<128xi32, #tpu.memory_space<vmem>>) semaphore(%run_scoped3A_260 : memref<!tpu.dma_semaphore, #tpu.memory_space<semaphore_mem>>) {add = true}
        %dma_wait3A_267 = arith.constant 0 : i32
        %dma_wait3A_268 = tpu.memref_slice %arg8[%run_scoped3A_253, %run_scoped3A_254, %dma_wait3A_267] : memref<2x2x128xi32, #tpu.memory_space<vmem>> -> memref<1x1x128xi32, #tpu.memory_space<vmem>>
        %dma_wait3A_269 = tpu.memref_squeeze %dma_wait3A_268 : memref<1x1x128xi32, #tpu.memory_space<vmem>> -> memref<128xi32, #tpu.memory_space<vmem>>
        %dma_wait3A_270 = arith.constant 0 : i32
        %dma_wait3A_271 = arith.constant 0 : i32
        %dma_wait3A_272 = tpu.memref_slice %arg6[%dma_wait3A_270, %dma_wait3A_271] : memref<10240x128xf32, #tpu.memory_space<vmem_shared>> -> memref<10240x128xf32, #tpu.memory_space<vmem_shared>>
        tpu.wait_indirect_dma semaphore(%run_scoped3A_260 : memref<!tpu.dma_semaphore, #tpu.memory_space<semaphore_mem>>) src(%arg10 : memref<128x128xf32, #tpu.memory_space<vmem>>) dst(%dma_wait3A_272 : memref<10240x128xf32, #tpu.memory_space<vmem_shared>>)
        tpu.yield
      }) : () -> ()
      %lt3A_255 = arith.constant 19 : i32
      %lt3A_256 = arith.cmpi slt, %scan3A_180, %lt3A_255 : i32
      %convert_element_type3A_257 = arith.extui %lt3A_256 : i1 to i32
      %cond3A_258 = arith.constant 0 : i32
      %cond3A_259 = arith.cmpi ne, %convert_element_type3A_257, %cond3A_258 : i32
      scf.if %cond3A_259 {
        %mul3A_260 = arith.constant 2 : i32
        %mul3A_261 = arith.muli %mul3A_260, %scan3A_180 : i32
        %add3A_262 = arith.constant 3 : i32
        %add3A_263 = arith.addi %mul3A_261, %add3A_262 : i32
        %dma_start3A_264 = arith.constant 0 : i32
        %dma_start3A_265 = arith.constant 0 : i32
        %dma_start3A_266 = arith.constant 0 : i32
        %dma_start3A_267 = tpu.memref_slice %arg3[%add3A, %add3A_263, %dma_start3A_264, %dma_start3A_265, %dma_start3A_266] : memref<32x40x2x2x128xi32, #tpu.memory_space<hbm>> -> memref<1x1x2x2x128xi32, #tpu.memory_space<hbm>>
        %dma_start3A_268 = tpu.memref_squeeze %dma_start3A_267 : memref<1x1x2x2x128xi32, #tpu.memory_space<hbm>> -> memref<2x2x128xi32, #tpu.memory_space<hbm>>
        %dma_start3A_269 = arith.constant 0 : i32
        %dma_start3A_270 = arith.constant 0 : i32
        %dma_start3A_271 = arith.constant 0 : i32
        %dma_start3A_272 = tpu.memref_slice %arg3[%add3A, %add3A_263, %dma_start3A_269, %dma_start3A_270, %dma_start3A_271] : memref<32x40x2x2x128xi32, #tpu.memory_space<hbm>> -> memref<1x1x2x2x128xi32, #tpu.memory_space<hbm>>
        %dma_start3A_273 = tpu.memref_squeeze %dma_start3A_272 : memref<1x1x2x2x128xi32, #tpu.memory_space<hbm>> -> memref<2x2x128xi32, #tpu.memory_space<hbm>>
        tpu.enqueue_dma source(%dma_start3A_273 : memref<2x2x128xi32, #tpu.memory_space<hbm>>) target(%arg8 : memref<2x2x128xi32, #tpu.memory_space<vmem>>) target_semaphore(%arg15 : memref<!tpu.dma_semaphore, #tpu.memory_space<semaphore_mem>>)
        %dma_start3A_274 = arith.constant 1 : i32
        %dma_start3A_275 = arith.constant 0 : i32
        %dma_start3A_276 = arith.constant 0 : i32
        %dma_start3A_277 = tpu.memref_slice %arg7[%dma_start3A_274, %dma_start3A_275, %dma_start3A_276] : memref<2x2x128xi32, #tpu.memory_space<vmem>> -> memref<1x1x128xi32, #tpu.memory_space<vmem>>
        %dma_start3A_278 = tpu.memref_squeeze %dma_start3A_277 : memref<1x1x128xi32, #tpu.memory_space<vmem>> -> memref<128xi32, #tpu.memory_space<vmem>>
        %dma_start3A_279 = arith.constant 0 : i32
        %dma_start3A_280 = arith.constant 0 : i32
        %dma_start3A_281 = tpu.memref_slice %arg2[%dma_start3A_279, %dma_start3A_280] : memref<10000x128xf32, #tpu.memory_space<hbm>> -> memref<10000x128xf32, #tpu.memory_space<hbm>>
        tpu.enqueue_indirect_dma source(%dma_start3A_281 : memref<10000x128xf32, #tpu.memory_space<hbm>>) target(%arg10 : memref<128x128xf32, #tpu.memory_space<vmem>>) offsets(%dma_start3A_278 : memref<128xi32, #tpu.memory_space<vmem>>) semaphore(%arg13 : memref<!tpu.dma_semaphore, #tpu.memory_space<semaphore_mem>>)
      } else {
      }
    }
    %scan3A_39 = arith.constant 20 : i32
    %barrier3A_40 = arith.constant 0 : index
    tpu.barrier barrier_id(%barrier3A_40)
    %add3A_41 = arith.constant 0 : i32
    %add3A_42 = arith.addi %mul3A_2, %add3A_41 : i32
    %dma_start3A_43 = arith.constant 0 : i32
    %dma_start3A_44 = tpu.memref_slice %arg6[%add3A_42, %dma_start3A_43] : memref<10240x128xf32, #tpu.memory_space<vmem_shared>> -> memref<128x128xf32, #tpu.memory_space<vmem_shared>>
    %dma_start3A_45 = arith.constant 0 : i32
    %dma_start3A_46 = tpu.memref_slice %arg6[%add3A_42, %dma_start3A_45] : memref<10240x128xf32, #tpu.memory_space<vmem_shared>> -> memref<128x128xf32, #tpu.memory_space<vmem_shared>>
    tpu.enqueue_dma source(%dma_start3A_46 : memref<128x128xf32, #tpu.memory_space<vmem_shared>>) target(%arg9 : memref<128x128xf32, #tpu.memory_space<vmem>>) target_semaphore(%arg12 : memref<!tpu.dma_semaphore, #tpu.memory_space<semaphore_mem>>)
    %add3A_47 = arith.constant 128 : i32
    %add3A_48 = arith.addi %mul3A_2, %add3A_47 : i32
    %dma_start3A_49 = arith.constant 0 : i32
    %dma_start3A_50 = tpu.memref_slice %arg6[%add3A_48, %dma_start3A_49] : memref<10240x128xf32, #tpu.memory_space<vmem_shared>> -> memref<128x128xf32, #tpu.memory_space<vmem_shared>>
    %dma_start3A_51 = arith.constant 0 : i32
    %dma_start3A_52 = tpu.memref_slice %arg6[%add3A_48, %dma_start3A_51] : memref<10240x128xf32, #tpu.memory_space<vmem_shared>> -> memref<128x128xf32, #tpu.memory_space<vmem_shared>>
    tpu.enqueue_dma source(%dma_start3A_52 : memref<128x128xf32, #tpu.memory_space<vmem_shared>>) target(%arg10 : memref<128x128xf32, #tpu.memory_space<vmem>>) target_semaphore(%arg13 : memref<!tpu.dma_semaphore, #tpu.memory_space<semaphore_mem>>)
    %add3A_53 = arith.constant 0 : i32
    %add3A_54 = arith.addi %mul3A_2, %add3A_53 : i32
    %dma_wait3A = arith.constant 0 : i32
    %dma_wait3A_55 = tpu.memref_slice %arg6[%add3A_54, %dma_wait3A] : memref<10240x128xf32, #tpu.memory_space<vmem_shared>> -> memref<128x128xf32, #tpu.memory_space<vmem_shared>>
    %dma_wait3A_56 = arith.constant 0 : i32
    %dma_wait3A_57 = tpu.memref_slice %arg6[%add3A_54, %dma_wait3A_56] : memref<10240x128xf32, #tpu.memory_space<vmem_shared>> -> memref<128x128xf32, #tpu.memory_space<vmem_shared>>
    tpu.wait_dma2 semaphore(%arg12 : memref<!tpu.dma_semaphore, #tpu.memory_space<semaphore_mem>>) src(%dma_wait3A_57 : memref<128x128xf32, #tpu.memory_space<vmem_shared>>) dst(%arg9 : memref<128x128xf32, #tpu.memory_space<vmem>>)
    %add3A_58 = arith.constant 0 : i32
    %add3A_59 = arith.addi %mul3A_2, %add3A_58 : i32
    %dma_start3A_60 = arith.constant 0 : i32
    %dma_start3A_61 = tpu.memref_slice %arg5[%arg0, %add3A_59, %dma_start3A_60] : memref<2x10240x128xf32, #tpu.memory_space<hbm>> -> memref<1x128x128xf32, #tpu.memory_space<hbm>>
    %dma_start3A_62 = tpu.memref_squeeze %dma_start3A_61 : memref<1x128x128xf32, #tpu.memory_space<hbm>> -> memref<128x128xf32, #tpu.memory_space<hbm>>
    %dma_start3A_63 = arith.constant 0 : i32
    %dma_start3A_64 = tpu.memref_slice %arg5[%arg0, %add3A_59, %dma_start3A_63] : memref<2x10240x128xf32, #tpu.memory_space<hbm>> -> memref<1x128x128xf32, #tpu.memory_space<hbm>>
    %dma_start3A_65 = tpu.memref_squeeze %dma_start3A_64 : memref<1x128x128xf32, #tpu.memory_space<hbm>> -> memref<128x128xf32, #tpu.memory_space<hbm>>
    tpu.enqueue_dma source(%arg9 : memref<128x128xf32, #tpu.memory_space<vmem>>) target(%dma_start3A_65 : memref<128x128xf32, #tpu.memory_space<hbm>>) target_semaphore(%arg14 : memref<!tpu.dma_semaphore, #tpu.memory_space<semaphore_mem>>)
    %add3A_66 = arith.constant 0 : i32
    %add3A_67 = arith.addi %mul3A_2, %add3A_66 : i32
    %dma_wait3A_68 = arith.constant 0 : i32
    %dma_wait3A_69 = tpu.memref_slice %arg5[%arg0, %add3A_67, %dma_wait3A_68] : memref<2x10240x128xf32, #tpu.memory_space<hbm>> -> memref<1x128x128xf32, #tpu.memory_space<hbm>>
    %dma_wait3A_70 = tpu.memref_squeeze %dma_wait3A_69 : memref<1x128x128xf32, #tpu.memory_space<hbm>> -> memref<128x128xf32, #tpu.memory_space<hbm>>
    %dma_wait3A_71 = arith.constant 0 : i32
    %dma_wait3A_72 = tpu.memref_slice %arg5[%arg0, %add3A_67, %dma_wait3A_71] : memref<2x10240x128xf32, #tpu.memory_space<hbm>> -> memref<1x128x128xf32, #tpu.memory_space<hbm>>
    %dma_wait3A_73 = tpu.memref_squeeze %dma_wait3A_72 : memref<1x128x128xf32, #tpu.memory_space<hbm>> -> memref<128x128xf32, #tpu.memory_space<hbm>>
    tpu.wait_dma2 semaphore(%arg14 : memref<!tpu.dma_semaphore, #tpu.memory_space<semaphore_mem>>) src(%arg9 : memref<128x128xf32, #tpu.memory_space<vmem>>) dst(%dma_wait3A_73 : memref<128x128xf32, #tpu.memory_space<hbm>>)
    %add3A_74 = arith.constant 256 : i32
    %add3A_75 = arith.addi %mul3A_2, %add3A_74 : i32
    %dma_start3A_76 = arith.constant 0 : i32
    %dma_start3A_77 = tpu.memref_slice %arg6[%add3A_75, %dma_start3A_76] : memref<10240x128xf32, #tpu.memory_space<vmem_shared>> -> memref<128x128xf32, #tpu.memory_space<vmem_shared>>
    %dma_start3A_78 = arith.constant 0 : i32
    %dma_start3A_79 = tpu.memref_slice %arg6[%add3A_75, %dma_start3A_78] : memref<10240x128xf32, #tpu.memory_space<vmem_shared>> -> memref<128x128xf32, #tpu.memory_space<vmem_shared>>
    tpu.enqueue_dma source(%dma_start3A_79 : memref<128x128xf32, #tpu.memory_space<vmem_shared>>) target(%arg9 : memref<128x128xf32, #tpu.memory_space<vmem>>) target_semaphore(%arg12 : memref<!tpu.dma_semaphore, #tpu.memory_space<semaphore_mem>>)
    %add3A_80 = arith.constant 128 : i32
    %add3A_81 = arith.addi %mul3A_2, %add3A_80 : i32
    %dma_wait3A_82 = arith.constant 0 : i32
    %dma_wait3A_83 = tpu.memref_slice %arg6[%add3A_81, %dma_wait3A_82] : memref<10240x128xf32, #tpu.memory_space<vmem_shared>> -> memref<128x128xf32, #tpu.memory_space<vmem_shared>>
    %dma_wait3A_84 = arith.constant 0 : i32
    %dma_wait3A_85 = tpu.memref_slice %arg6[%add3A_81, %dma_wait3A_84] : memref<10240x128xf32, #tpu.memory_space<vmem_shared>> -> memref<128x128xf32, #tpu.memory_space<vmem_shared>>
    tpu.wait_dma2 semaphore(%arg13 : memref<!tpu.dma_semaphore, #tpu.memory_space<semaphore_mem>>) src(%dma_wait3A_85 : memref<128x128xf32, #tpu.memory_space<vmem_shared>>) dst(%arg10 : memref<128x128xf32, #tpu.memory_space<vmem>>)
    %add3A_86 = arith.constant 128 : i32
    %add3A_87 = arith.addi %mul3A_2, %add3A_86 : i32
    %dma_start3A_88 = arith.constant 0 : i32
    %dma_start3A_89 = tpu.memref_slice %arg5[%arg0, %add3A_87, %dma_start3A_88] : memref<2x10240x128xf32, #tpu.memory_space<hbm>> -> memref<1x128x128xf32, #tpu.memory_space<hbm>>
    %dma_start3A_90 = tpu.memref_squeeze %dma_start3A_89 : memref<1x128x128xf32, #tpu.memory_space<hbm>> -> memref<128x128xf32, #tpu.memory_space<hbm>>
    %dma_start3A_91 = arith.constant 0 : i32
    %dma_start3A_92 = tpu.memref_slice %arg5[%arg0, %add3A_87, %dma_start3A_91] : memref<2x10240x128xf32, #tpu.memory_space<hbm>> -> memref<1x128x128xf32, #tpu.memory_space<hbm>>
    %dma_start3A_93 = tpu.memref_squeeze %dma_start3A_92 : memref<1x128x128xf32, #tpu.memory_space<hbm>> -> memref<128x128xf32, #tpu.memory_space<hbm>>
    tpu.enqueue_dma source(%arg10 : memref<128x128xf32, #tpu.memory_space<vmem>>) target(%dma_start3A_93 : memref<128x128xf32, #tpu.memory_space<hbm>>) target_semaphore(%arg15 : memref<!tpu.dma_semaphore, #tpu.memory_space<semaphore_mem>>)
    %add3A_94 = arith.constant 128 : i32
    %add3A_95 = arith.addi %mul3A_2, %add3A_94 : i32
    %dma_wait3A_96 = arith.constant 0 : i32
    %dma_wait3A_97 = tpu.memref_slice %arg5[%arg0, %add3A_95, %dma_wait3A_96] : memref<2x10240x128xf32, #tpu.memory_space<hbm>> -> memref<1x128x128xf32, #tpu.memory_space<hbm>>
    %dma_wait3A_98 = tpu.memref_squeeze %dma_wait3A_97 : memref<1x128x128xf32, #tpu.memory_space<hbm>> -> memref<128x128xf32, #tpu.memory_space<hbm>>
    %dma_wait3A_99 = arith.constant 0 : i32
    %dma_wait3A_100 = tpu.memref_slice %arg5[%arg0, %add3A_95, %dma_wait3A_99] : memref<2x10240x128xf32, #tpu.memory_space<hbm>> -> memref<1x128x128xf32, #tpu.memory_space<hbm>>
    %dma_wait3A_101 = tpu.memref_squeeze %dma_wait3A_100 : memref<1x128x128xf32, #tpu.memory_space<hbm>> -> memref<128x128xf32, #tpu.memory_space<hbm>>
    tpu.wait_dma2 semaphore(%arg15 : memref<!tpu.dma_semaphore, #tpu.memory_space<semaphore_mem>>) src(%arg10 : memref<128x128xf32, #tpu.memory_space<vmem>>) dst(%dma_wait3A_101 : memref<128x128xf32, #tpu.memory_space<hbm>>)
    %add3A_102 = arith.constant 384 : i32
    %add3A_103 = arith.addi %mul3A_2, %add3A_102 : i32
    %dma_start3A_104 = arith.constant 0 : i32
    %dma_start3A_105 = tpu.memref_slice %arg6[%add3A_103, %dma_start3A_104] : memref<10240x128xf32, #tpu.memory_space<vmem_shared>> -> memref<128x128xf32, #tpu.memory_space<vmem_shared>>
    %dma_start3A_106 = arith.constant 0 : i32
    %dma_start3A_107 = tpu.memref_slice %arg6[%add3A_103, %dma_start3A_106] : memref<10240x128xf32, #tpu.memory_space<vmem_shared>> -> memref<128x128xf32, #tpu.memory_space<vmem_shared>>
    tpu.enqueue_dma source(%dma_start3A_107 : memref<128x128xf32, #tpu.memory_space<vmem_shared>>) target(%arg10 : memref<128x128xf32, #tpu.memory_space<vmem>>) target_semaphore(%arg13 : memref<!tpu.dma_semaphore, #tpu.memory_space<semaphore_mem>>)
    %add3A_108 = arith.constant 256 : i32
    %add3A_109 = arith.addi %mul3A_2, %add3A_108 : i32
    %dma_wait3A_110 = arith.constant 0 : i32
    %dma_wait3A_111 = tpu.memref_slice %arg6[%add3A_109, %dma_wait3A_110] : memref<10240x128xf32, #tpu.memory_space<vmem_shared>> -> memref<128x128xf32, #tpu.memory_space<vmem_shared>>
    %dma_wait3A_112 = arith.constant 0 : i32
    %dma_wait3A_113 = tpu.memref_slice %arg6[%add3A_109, %dma_wait3A_112] : memref<10240x128xf32, #tpu.memory_space<vmem_shared>> -> memref<128x128xf32, #tpu.memory_space<vmem_shared>>
    tpu.wait_dma2 semaphore(%arg12 : memref<!tpu.dma_semaphore, #tpu.memory_space<semaphore_mem>>) src(%dma_wait3A_113 : memref<128x128xf32, #tpu.memory_space<vmem_shared>>) dst(%arg9 : memref<128x128xf32, #tpu.memory_space<vmem>>)
    %add3A_114 = arith.constant 256 : i32
    %add3A_115 = arith.addi %mul3A_2, %add3A_114 : i32
    %dma_start3A_116 = arith.constant 0 : i32
    %dma_start3A_117 = tpu.memref_slice %arg5[%arg0, %add3A_115, %dma_start3A_116] : memref<2x10240x128xf32, #tpu.memory_space<hbm>> -> memref<1x128x128xf32, #tpu.memory_space<hbm>>
    %dma_start3A_118 = tpu.memref_squeeze %dma_start3A_117 : memref<1x128x128xf32, #tpu.memory_space<hbm>> -> memref<128x128xf32, #tpu.memory_space<hbm>>
    %dma_start3A_119 = arith.constant 0 : i32
    %dma_start3A_120 = tpu.memref_slice %arg5[%arg0, %add3A_115, %dma_start3A_119] : memref<2x10240x128xf32, #tpu.memory_space<hbm>> -> memref<1x128x128xf32, #tpu.memory_space<hbm>>
    %dma_start3A_121 = tpu.memref_squeeze %dma_start3A_120 : memref<1x128x128xf32, #tpu.memory_space<hbm>> -> memref<128x128xf32, #tpu.memory_space<hbm>>
    tpu.enqueue_dma source(%arg9 : memref<128x128xf32, #tpu.memory_space<vmem>>) target(%dma_start3A_121 : memref<128x128xf32, #tpu.memory_space<hbm>>) target_semaphore(%arg14 : memref<!tpu.dma_semaphore, #tpu.memory_space<semaphore_mem>>)
    %add3A_122 = arith.constant 256 : i32
    %add3A_123 = arith.addi %mul3A_2, %add3A_122 : i32
    %dma_wait3A_124 = arith.constant 0 : i32
    %dma_wait3A_125 = tpu.memref_slice %arg5[%arg0, %add3A_123, %dma_wait3A_124] : memref<2x10240x128xf32, #tpu.memory_space<hbm>> -> memref<1x128x128xf32, #tpu.memory_space<hbm>>
    %dma_wait3A_126 = tpu.memref_squeeze %dma_wait3A_125 : memref<1x128x128xf32, #tpu.memory_space<hbm>> -> memref<128x128xf32, #tpu.memory_space<hbm>>
    %dma_wait3A_127 = arith.constant 0 : i32
    %dma_wait3A_128 = tpu.memref_slice %arg5[%arg0, %add3A_123, %dma_wait3A_127] : memref<2x10240x128xf32, #tpu.memory_space<hbm>> -> memref<1x128x128xf32, #tpu.memory_space<hbm>>
    %dma_wait3A_129 = tpu.memref_squeeze %dma_wait3A_128 : memref<1x128x128xf32, #tpu.memory_space<hbm>> -> memref<128x128xf32, #tpu.memory_space<hbm>>
    tpu.wait_dma2 semaphore(%arg14 : memref<!tpu.dma_semaphore, #tpu.memory_space<semaphore_mem>>) src(%arg9 : memref<128x128xf32, #tpu.memory_space<vmem>>) dst(%dma_wait3A_129 : memref<128x128xf32, #tpu.memory_space<hbm>>)
    %add3A_130 = arith.constant 512 : i32
    %add3A_131 = arith.addi %mul3A_2, %add3A_130 : i32
    %dma_start3A_132 = arith.constant 0 : i32
    %dma_start3A_133 = tpu.memref_slice %arg6[%add3A_131, %dma_start3A_132] : memref<10240x128xf32, #tpu.memory_space<vmem_shared>> -> memref<128x128xf32, #tpu.memory_space<vmem_shared>>
    %dma_start3A_134 = arith.constant 0 : i32
    %dma_start3A_135 = tpu.memref_slice %arg6[%add3A_131, %dma_start3A_134] : memref<10240x128xf32, #tpu.memory_space<vmem_shared>> -> memref<128x128xf32, #tpu.memory_space<vmem_shared>>
    tpu.enqueue_dma source(%dma_start3A_135 : memref<128x128xf32, #tpu.memory_space<vmem_shared>>) target(%arg9 : memref<128x128xf32, #tpu.memory_space<vmem>>) target_semaphore(%arg12 : memref<!tpu.dma_semaphore, #tpu.memory_space<semaphore_mem>>)
    %add3A_136 = arith.constant 384 : i32
    %add3A_137 = arith.addi %mul3A_2, %add3A_136 : i32
    %dma_wait3A_138 = arith.constant 0 : i32
    %dma_wait3A_139 = tpu.memref_slice %arg6[%add3A_137, %dma_wait3A_138] : memref<10240x128xf32, #tpu.memory_space<vmem_shared>> -> memref<128x128xf32, #tpu.memory_space<vmem_shared>>
    %dma_wait3A_140 = arith.constant 0 : i32
    %dma_wait3A_141 = tpu.memref_slice %arg6[%add3A_137, %dma_wait3A_140] : memref<10240x128xf32, #tpu.memory_space<vmem_shared>> -> memref<128x128xf32, #tpu.memory_space<vmem_shared>>
    tpu.wait_dma2 semaphore(%arg13 : memref<!tpu.dma_semaphore, #tpu.memory_space<semaphore_mem>>) src(%dma_wait3A_141 : memref<128x128xf32, #tpu.memory_space<vmem_shared>>) dst(%arg10 : memref<128x128xf32, #tpu.memory_space<vmem>>)
    %add3A_142 = arith.constant 384 : i32
    %add3A_143 = arith.addi %mul3A_2, %add3A_142 : i32
    %dma_start3A_144 = arith.constant 0 : i32
    %dma_start3A_145 = tpu.memref_slice %arg5[%arg0, %add3A_143, %dma_start3A_144] : memref<2x10240x128xf32, #tpu.memory_space<hbm>> -> memref<1x128x128xf32, #tpu.memory_space<hbm>>
    %dma_start3A_146 = tpu.memref_squeeze %dma_start3A_145 : memref<1x128x128xf32, #tpu.memory_space<hbm>> -> memref<128x128xf32, #tpu.memory_space<hbm>>
    %dma_start3A_147 = arith.constant 0 : i32
    %dma_start3A_148 = tpu.memref_slice %arg5[%arg0, %add3A_143, %dma_start3A_147] : memref<2x10240x128xf32, #tpu.memory_space<hbm>> -> memref<1x128x128xf32, #tpu.memory_space<hbm>>
    %dma_start3A_149 = tpu.memref_squeeze %dma_start3A_148 : memref<1x128x128xf32, #tpu.memory_space<hbm>> -> memref<128x128xf32, #tpu.memory_space<hbm>>
    tpu.enqueue_dma source(%arg10 : memref<128x128xf32, #tpu.memory_space<vmem>>) target(%dma_start3A_149 : memref<128x128xf32, #tpu.memory_space<hbm>>) target_semaphore(%arg15 : memref<!tpu.dma_semaphore, #tpu.memory_space<semaphore_mem>>)
    %add3A_150 = arith.constant 384 : i32
    %add3A_151 = arith.addi %mul3A_2, %add3A_150 : i32
    %dma_wait3A_152 = arith.constant 0 : i32
    %dma_wait3A_153 = tpu.memref_slice %arg5[%arg0, %add3A_151, %dma_wait3A_152] : memref<2x10240x128xf32, #tpu.memory_space<hbm>> -> memref<1x128x128xf32, #tpu.memory_space<hbm>>
    %dma_wait3A_154 = tpu.memref_squeeze %dma_wait3A_153 : memref<1x128x128xf32, #tpu.memory_space<hbm>> -> memref<128x128xf32, #tpu.memory_space<hbm>>
    %dma_wait3A_155 = arith.constant 0 : i32
    %dma_wait3A_156 = tpu.memref_slice %arg5[%arg0, %add3A_151, %dma_wait3A_155] : memref<2x10240x128xf32, #tpu.memory_space<hbm>> -> memref<1x128x128xf32, #tpu.memory_space<hbm>>
    %dma_wait3A_157 = tpu.memref_squeeze %dma_wait3A_156 : memref<1x128x128xf32, #tpu.memory_space<hbm>> -> memref<128x128xf32, #tpu.memory_space<hbm>>
    tpu.wait_dma2 semaphore(%arg15 : memref<!tpu.dma_semaphore, #tpu.memory_space<semaphore_mem>>) src(%arg10 : memref<128x128xf32, #tpu.memory_space<vmem>>) dst(%dma_wait3A_157 : memref<128x128xf32, #tpu.memory_space<hbm>>)
    %add3A_158 = arith.constant 512 : i32
    %add3A_159 = arith.addi %mul3A_2, %add3A_158 : i32
    %dma_wait3A_160 = arith.constant 0 : i32
    %dma_wait3A_161 = tpu.memref_slice %arg6[%add3A_159, %dma_wait3A_160] : memref<10240x128xf32, #tpu.memory_space<vmem_shared>> -> memref<128x128xf32, #tpu.memory_space<vmem_shared>>
    %dma_wait3A_162 = arith.constant 0 : i32
    %dma_wait3A_163 = tpu.memref_slice %arg6[%add3A_159, %dma_wait3A_162] : memref<10240x128xf32, #tpu.memory_space<vmem_shared>> -> memref<128x128xf32, #tpu.memory_space<vmem_shared>>
    tpu.wait_dma2 semaphore(%arg12 : memref<!tpu.dma_semaphore, #tpu.memory_space<semaphore_mem>>) src(%dma_wait3A_163 : memref<128x128xf32, #tpu.memory_space<vmem_shared>>) dst(%arg9 : memref<128x128xf32, #tpu.memory_space<vmem>>)
    %add3A_164 = arith.constant 512 : i32
    %add3A_165 = arith.addi %mul3A_2, %add3A_164 : i32
    %dma_start3A_166 = arith.constant 0 : i32
    %dma_start3A_167 = tpu.memref_slice %arg5[%arg0, %add3A_165, %dma_start3A_166] : memref<2x10240x128xf32, #tpu.memory_space<hbm>> -> memref<1x128x128xf32, #tpu.memory_space<hbm>>
    %dma_start3A_168 = tpu.memref_squeeze %dma_start3A_167 : memref<1x128x128xf32, #tpu.memory_space<hbm>> -> memref<128x128xf32, #tpu.memory_space<hbm>>
    %dma_start3A_169 = arith.constant 0 : i32
    %dma_start3A_170 = tpu.memref_slice %arg5[%arg0, %add3A_165, %dma_start3A_169] : memref<2x10240x128xf32, #tpu.memory_space<hbm>> -> memref<1x128x128xf32, #tpu.memory_space<hbm>>
    %dma_start3A_171 = tpu.memref_squeeze %dma_start3A_170 : memref<1x128x128xf32, #tpu.memory_space<hbm>> -> memref<128x128xf32, #tpu.memory_space<hbm>>
    tpu.enqueue_dma source(%arg9 : memref<128x128xf32, #tpu.memory_space<vmem>>) target(%dma_start3A_171 : memref<128x128xf32, #tpu.memory_space<hbm>>) target_semaphore(%arg14 : memref<!tpu.dma_semaphore, #tpu.memory_space<semaphore_mem>>)
    %add3A_172 = arith.constant 512 : i32
    %add3A_173 = arith.addi %mul3A_2, %add3A_172 : i32
    %dma_wait3A_174 = arith.constant 0 : i32
    %dma_wait3A_175 = tpu.memref_slice %arg5[%arg0, %add3A_173, %dma_wait3A_174] : memref<2x10240x128xf32, #tpu.memory_space<hbm>> -> memref<1x128x128xf32, #tpu.memory_space<hbm>>
    %dma_wait3A_176 = tpu.memref_squeeze %dma_wait3A_175 : memref<1x128x128xf32, #tpu.memory_space<hbm>> -> memref<128x128xf32, #tpu.memory_space<hbm>>
    %dma_wait3A_177 = arith.constant 0 : i32
    %dma_wait3A_178 = tpu.memref_slice %arg5[%arg0, %add3A_173, %dma_wait3A_177] : memref<2x10240x128xf32, #tpu.memory_space<hbm>> -> memref<1x128x128xf32, #tpu.memory_space<hbm>>
    %dma_wait3A_179 = tpu.memref_squeeze %dma_wait3A_178 : memref<1x128x128xf32, #tpu.memory_space<hbm>> -> memref<128x128xf32, #tpu.memory_space<hbm>>
    tpu.wait_dma2 semaphore(%arg14 : memref<!tpu.dma_semaphore, #tpu.memory_space<semaphore_mem>>) src(%arg9 : memref<128x128xf32, #tpu.memory_space<vmem>>) dst(%dma_wait3A_179 : memref<128x128xf32, #tpu.memory_space<hbm>>)
    return
  }
}

#map = affine_map<(d0, d1) -> (0, 0)>
#map1 = affine_map<(d0, d1) -> (0, 0, 0, 0, 0)>
#map2 = affine_map<(d0, d1) -> (0)>
#map3 = affine_map<(d0, d1) -> (0, 0, 0)>
module attributes {stable_mosaic.version = 14 : i64} {
  func.func @body(%arg0: i32, %arg1: i32, %arg2: memref<10000x128xf32, #tpu.memory_space<hbm>>, %arg3: memref<32x40x2x2x128xi32, #tpu.memory_space<hbm>>, %arg4: memref<64x128xf32, #tpu.memory_space<hbm>>, %arg5: memref<128xf32, #tpu.memory_space<hbm>>, %arg6: memref<10240xf32, #tpu.memory_space<hbm>>, %arg7: memref<2x10240x128xf32, #tpu.memory_space<hbm>>, %arg8: memref<2x10240xf32, #tpu.memory_space<hbm>>, %arg9: memref<10240x128xf32, #tpu.memory_space<vmem_shared>>, %arg10: memref<10240xf32, #tpu.memory_space<vmem_shared>>, %arg11: memref<2x2x128xi32, #tpu.memory_space<vmem>>, %arg12: memref<2x2x128xi32, #tpu.memory_space<vmem>>, %arg13: memref<128x128xf32, #tpu.memory_space<vmem>>, %arg14: memref<128x128xf32, #tpu.memory_space<vmem>>, %arg15: memref<64x128xf32, #tpu.memory_space<vmem>>, %arg16: memref<128xf32, #tpu.memory_space<vmem>>, %arg17: memref<!tpu.dma_semaphore, #tpu.memory_space<semaphore_mem>>, %arg18: memref<!tpu.dma_semaphore, #tpu.memory_space<semaphore_mem>>, %arg19: memref<!tpu.dma_semaphore, #tpu.memory_space<semaphore_mem>>, %arg20: memref<!tpu.dma_semaphore, #tpu.memory_space<semaphore_mem>>, %arg21: memref<!tpu.dma_semaphore, #tpu.memory_space<semaphore_mem>>) attributes {dimension_semantics = [#tpu.dimension_semantics<core_parallel>, #tpu.dimension_semantics<subcore_parallel>], iteration_bounds = array<i64: 2, 16>, scalar_prefetch = 0 : i64, scratch_operands = 13 : i64, tpu.core_type = #tpu.core_type<sc_vector_subcore>, window_params = [{transform_indices = #map}, {transform_indices = #map1}, {transform_indices = #map}, {transform_indices = #map2}, {transform_indices = #map2}, {transform_indices = #map3}, {transform_indices = #map}]} {
    %mul3A = arith.constant 2 : i32
    %mul3A_0 = arith.muli %arg1, %mul3A : i32
    %add3A = arith.addi %mul3A_0, %arg0 : i32
    %mul3A_1 = arith.constant 640 : i32
    %mul3A_2 = arith.muli %arg1, %mul3A_1 : i32
    %run_scoped3A = arith.constant 0 : i32
    "tpu.region"() ({
      %run_scoped3A_186 = tpu.sem_alloc : memref<!tpu.dma_semaphore, #tpu.memory_space<semaphore_mem>>
      %dma_start3A_187 = arith.constant 0 : i32
      %dma_start3A_188 = arith.constant 0 : i32
      %dma_start3A_189 = arith.constant 0 : i32
      %dma_start3A_190 = tpu.memref_slice %arg3[%add3A, %run_scoped3A, %dma_start3A_187, %dma_start3A_188, %dma_start3A_189] : memref<32x40x2x2x128xi32, #tpu.memory_space<hbm>> -> memref<1x1x2x2x128xi32, #tpu.memory_space<hbm>>
      %dma_start3A_191 = tpu.memref_squeeze %dma_start3A_190 : memref<1x1x2x2x128xi32, #tpu.memory_space<hbm>> -> memref<2x2x128xi32, #tpu.memory_space<hbm>>
      %dma_start3A_192 = arith.constant 0 : i32
      %dma_start3A_193 = arith.constant 0 : i32
      %dma_start3A_194 = arith.constant 0 : i32
      %dma_start3A_195 = tpu.memref_slice %arg3[%add3A, %run_scoped3A, %dma_start3A_192, %dma_start3A_193, %dma_start3A_194] : memref<32x40x2x2x128xi32, #tpu.memory_space<hbm>> -> memref<1x1x2x2x128xi32, #tpu.memory_space<hbm>>
      %dma_start3A_196 = tpu.memref_squeeze %dma_start3A_195 : memref<1x1x2x2x128xi32, #tpu.memory_space<hbm>> -> memref<2x2x128xi32, #tpu.memory_space<hbm>>
      tpu.enqueue_dma source(%dma_start3A_196 : memref<2x2x128xi32, #tpu.memory_space<hbm>>) target(%arg11 : memref<2x2x128xi32, #tpu.memory_space<vmem>>) target_semaphore(%run_scoped3A_186 : memref<!tpu.dma_semaphore, #tpu.memory_space<semaphore_mem>>)
      %dma_wait3A_197 = arith.constant 0 : i32
      %dma_wait3A_198 = arith.constant 0 : i32
      %dma_wait3A_199 = arith.constant 0 : i32
      %dma_wait3A_200 = tpu.memref_slice %arg3[%add3A, %run_scoped3A, %dma_wait3A_197, %dma_wait3A_198, %dma_wait3A_199] : memref<32x40x2x2x128xi32, #tpu.memory_space<hbm>> -> memref<1x1x2x2x128xi32, #tpu.memory_space<hbm>>
      %dma_wait3A_201 = tpu.memref_squeeze %dma_wait3A_200 : memref<1x1x2x2x128xi32, #tpu.memory_space<hbm>> -> memref<2x2x128xi32, #tpu.memory_space<hbm>>
      %dma_wait3A_202 = arith.constant 0 : i32
      %dma_wait3A_203 = arith.constant 0 : i32
      %dma_wait3A_204 = arith.constant 0 : i32
      %dma_wait3A_205 = tpu.memref_slice %arg3[%add3A, %run_scoped3A, %dma_wait3A_202, %dma_wait3A_203, %dma_wait3A_204] : memref<32x40x2x2x128xi32, #tpu.memory_space<hbm>> -> memref<1x1x2x2x128xi32, #tpu.memory_space<hbm>>
      %dma_wait3A_206 = tpu.memref_squeeze %dma_wait3A_205 : memref<1x1x2x2x128xi32, #tpu.memory_space<hbm>> -> memref<2x2x128xi32, #tpu.memory_space<hbm>>
      tpu.wait_dma2 semaphore(%run_scoped3A_186 : memref<!tpu.dma_semaphore, #tpu.memory_space<semaphore_mem>>) src(%dma_wait3A_206 : memref<2x2x128xi32, #tpu.memory_space<hbm>>) dst(%arg11 : memref<2x2x128xi32, #tpu.memory_space<vmem>>)
      tpu.yield
    }) : () -> ()
    %dma_start3A = arith.constant 0 : i32
    %dma_start3A_3 = arith.constant 0 : i32
    %dma_start3A_4 = arith.constant 0 : i32
    %dma_start3A_5 = tpu.memref_slice %arg11[%dma_start3A, %dma_start3A_3, %dma_start3A_4] : memref<2x2x128xi32, #tpu.memory_space<vmem>> -> memref<1x1x128xi32, #tpu.memory_space<vmem>>
    %dma_start3A_6 = tpu.memref_squeeze %dma_start3A_5 : memref<1x1x128xi32, #tpu.memory_space<vmem>> -> memref<128xi32, #tpu.memory_space<vmem>>
    %dma_start3A_7 = arith.constant 0 : i32
    %dma_start3A_8 = arith.constant 0 : i32
    %dma_start3A_9 = tpu.memref_slice %arg2[%dma_start3A_7, %dma_start3A_8] : memref<10000x128xf32, #tpu.memory_space<hbm>> -> memref<10000x128xf32, #tpu.memory_space<hbm>>
    tpu.enqueue_indirect_dma source(%dma_start3A_9 : memref<10000x128xf32, #tpu.memory_space<hbm>>) target(%arg13 : memref<128x128xf32, #tpu.memory_space<vmem>>) offsets(%dma_start3A_6 : memref<128xi32, #tpu.memory_space<vmem>>) semaphore(%arg17 : memref<!tpu.dma_semaphore, #tpu.memory_space<semaphore_mem>>)
    %dma_start3A_10 = arith.constant 1 : i32
    %dma_start3A_11 = arith.constant 0 : i32
    %dma_start3A_12 = arith.constant 0 : i32
    %dma_start3A_13 = tpu.memref_slice %arg11[%dma_start3A_10, %dma_start3A_11, %dma_start3A_12] : memref<2x2x128xi32, #tpu.memory_space<vmem>> -> memref<1x1x128xi32, #tpu.memory_space<vmem>>
    %dma_start3A_14 = tpu.memref_squeeze %dma_start3A_13 : memref<1x1x128xi32, #tpu.memory_space<vmem>> -> memref<128xi32, #tpu.memory_space<vmem>>
    %dma_start3A_15 = arith.constant 0 : i32
    %dma_start3A_16 = arith.constant 0 : i32
    %dma_start3A_17 = tpu.memref_slice %arg2[%dma_start3A_15, %dma_start3A_16] : memref<10000x128xf32, #tpu.memory_space<hbm>> -> memref<10000x128xf32, #tpu.memory_space<hbm>>
    tpu.enqueue_indirect_dma source(%dma_start3A_17 : memref<10000x128xf32, #tpu.memory_space<hbm>>) target(%arg14 : memref<128x128xf32, #tpu.memory_space<vmem>>) offsets(%dma_start3A_14 : memref<128xi32, #tpu.memory_space<vmem>>) semaphore(%arg18 : memref<!tpu.dma_semaphore, #tpu.memory_space<semaphore_mem>>)
    %dma_start3A_18 = arith.constant 1 : i32
    %dma_start3A_19 = arith.constant 0 : i32
    %dma_start3A_20 = arith.constant 0 : i32
    %dma_start3A_21 = arith.constant 0 : i32
    %dma_start3A_22 = tpu.memref_slice %arg3[%add3A, %dma_start3A_18, %dma_start3A_19, %dma_start3A_20, %dma_start3A_21] : memref<32x40x2x2x128xi32, #tpu.memory_space<hbm>> -> memref<1x1x2x2x128xi32, #tpu.memory_space<hbm>>
    %dma_start3A_23 = tpu.memref_squeeze %dma_start3A_22 : memref<1x1x2x2x128xi32, #tpu.memory_space<hbm>> -> memref<2x2x128xi32, #tpu.memory_space<hbm>>
    %dma_start3A_24 = arith.constant 0 : i32
    %dma_start3A_25 = arith.constant 0 : i32
    %dma_start3A_26 = arith.constant 0 : i32
    %dma_start3A_27 = tpu.memref_slice %arg3[%add3A, %dma_start3A_18, %dma_start3A_24, %dma_start3A_25, %dma_start3A_26] : memref<32x40x2x2x128xi32, #tpu.memory_space<hbm>> -> memref<1x1x2x2x128xi32, #tpu.memory_space<hbm>>
    %dma_start3A_28 = tpu.memref_squeeze %dma_start3A_27 : memref<1x1x2x2x128xi32, #tpu.memory_space<hbm>> -> memref<2x2x128xi32, #tpu.memory_space<hbm>>
    tpu.enqueue_dma source(%dma_start3A_28 : memref<2x2x128xi32, #tpu.memory_space<hbm>>) target(%arg12 : memref<2x2x128xi32, #tpu.memory_space<vmem>>) target_semaphore(%arg20 : memref<!tpu.dma_semaphore, #tpu.memory_space<semaphore_mem>>)
    "tpu.region"() ({
      %run_scoped3A_186 = tpu.sem_alloc : memref<!tpu.dma_semaphore, #tpu.memory_space<semaphore_mem>>
      tpu.enqueue_dma source(%arg4 : memref<64x128xf32, #tpu.memory_space<hbm>>) target(%arg15 : memref<64x128xf32, #tpu.memory_space<vmem>>) target_semaphore(%run_scoped3A_186 : memref<!tpu.dma_semaphore, #tpu.memory_space<semaphore_mem>>)
      tpu.wait_dma2 semaphore(%run_scoped3A_186 : memref<!tpu.dma_semaphore, #tpu.memory_space<semaphore_mem>>) src(%arg4 : memref<64x128xf32, #tpu.memory_space<hbm>>) dst(%arg15 : memref<64x128xf32, #tpu.memory_space<vmem>>)
      tpu.yield
    }) : () -> ()
    "tpu.region"() ({
      %run_scoped3A_186 = tpu.sem_alloc : memref<!tpu.dma_semaphore, #tpu.memory_space<semaphore_mem>>
      tpu.enqueue_dma source(%arg5 : memref<128xf32, #tpu.memory_space<hbm>>) target(%arg16 : memref<128xf32, #tpu.memory_space<vmem>>) target_semaphore(%run_scoped3A_186 : memref<!tpu.dma_semaphore, #tpu.memory_space<semaphore_mem>>)
      tpu.wait_dma2 semaphore(%run_scoped3A_186 : memref<!tpu.dma_semaphore, #tpu.memory_space<semaphore_mem>>) src(%arg5 : memref<128xf32, #tpu.memory_space<hbm>>) dst(%arg16 : memref<128xf32, #tpu.memory_space<vmem>>)
      tpu.yield
    }) : () -> ()
    "tpu.region"() ({
      %run_scoped3A_186 = tpu.sem_alloc : memref<!tpu.dma_semaphore, #tpu.memory_space<semaphore_mem>>
      %dma_start3A_187 = tpu.memref_slice %arg10[%mul3A_2] : memref<10240xf32, #tpu.memory_space<vmem_shared>> -> memref<640xf32, #tpu.memory_space<vmem_shared>>
      %dma_start3A_188 = tpu.memref_slice %arg6[%mul3A_2] : memref<10240xf32, #tpu.memory_space<hbm>> -> memref<640xf32, #tpu.memory_space<hbm>>
      tpu.enqueue_dma source(%dma_start3A_188 : memref<640xf32, #tpu.memory_space<hbm>>) target(%dma_start3A_187 : memref<640xf32, #tpu.memory_space<vmem_shared>>) target_semaphore(%run_scoped3A_186 : memref<!tpu.dma_semaphore, #tpu.memory_space<semaphore_mem>>)
      %dma_wait3A_189 = tpu.memref_slice %arg10[%mul3A_2] : memref<10240xf32, #tpu.memory_space<vmem_shared>> -> memref<640xf32, #tpu.memory_space<vmem_shared>>
      %dma_wait3A_190 = tpu.memref_slice %arg6[%mul3A_2] : memref<10240xf32, #tpu.memory_space<hbm>> -> memref<640xf32, #tpu.memory_space<hbm>>
      tpu.wait_dma2 semaphore(%run_scoped3A_186 : memref<!tpu.dma_semaphore, #tpu.memory_space<semaphore_mem>>) src(%dma_wait3A_190 : memref<640xf32, #tpu.memory_space<hbm>>) dst(%dma_wait3A_189 : memref<640xf32, #tpu.memory_space<vmem_shared>>)
      tpu.yield
    }) : () -> ()
    %scan3A = arith.constant 0 : i32
    %scan3A_29 = arith.constant 0 : i32
    %scan3A_30 = arith.constant 10 : i32
    %scan3A_31 = arith.addi %scan3A_29, %scan3A_30 : i32
    %scan3A_32 = arith.constant 1 : i32
    scf.for %scan3A_186 = %scan3A_29 to %scan3A_31 step %scan3A_32  : i32 {
      %mul3A_187 = arith.constant 64 : i32
      %mul3A_188 = arith.muli %scan3A_186, %mul3A_187 : i32
      %add3A_189 = arith.addi %mul3A_2, %mul3A_188 : i32
      "tpu.region"() ({
        %run_scoped3A_190 = tpu.sem_alloc : memref<!tpu.dma_semaphore, #tpu.memory_space<semaphore_mem>>
        %dma_start3A_191 = arith.constant 0 : i32
        %dma_start3A_192 = tpu.memref_slice %arg9[%add3A_189, %dma_start3A_191] : memref<10240x128xf32, #tpu.memory_space<vmem_shared>> -> memref<64x128xf32, #tpu.memory_space<vmem_shared>>
        %dma_start3A_193 = arith.constant 0 : i32
        %dma_start3A_194 = tpu.memref_slice %arg9[%add3A_189, %dma_start3A_193] : memref<10240x128xf32, #tpu.memory_space<vmem_shared>> -> memref<64x128xf32, #tpu.memory_space<vmem_shared>>
        tpu.enqueue_dma source(%arg15 : memref<64x128xf32, #tpu.memory_space<vmem>>) target(%dma_start3A_194 : memref<64x128xf32, #tpu.memory_space<vmem_shared>>) target_semaphore(%run_scoped3A_190 : memref<!tpu.dma_semaphore, #tpu.memory_space<semaphore_mem>>)
        %dma_wait3A_195 = arith.constant 0 : i32
        %dma_wait3A_196 = tpu.memref_slice %arg9[%add3A_189, %dma_wait3A_195] : memref<10240x128xf32, #tpu.memory_space<vmem_shared>> -> memref<64x128xf32, #tpu.memory_space<vmem_shared>>
        %dma_wait3A_197 = arith.constant 0 : i32
        %dma_wait3A_198 = tpu.memref_slice %arg9[%add3A_189, %dma_wait3A_197] : memref<10240x128xf32, #tpu.memory_space<vmem_shared>> -> memref<64x128xf32, #tpu.memory_space<vmem_shared>>
        tpu.wait_dma2 semaphore(%run_scoped3A_190 : memref<!tpu.dma_semaphore, #tpu.memory_space<semaphore_mem>>) src(%arg15 : memref<64x128xf32, #tpu.memory_space<vmem>>) dst(%dma_wait3A_198 : memref<64x128xf32, #tpu.memory_space<vmem_shared>>)
        tpu.yield
      }) : () -> ()
    }
    %scan3A_33 = arith.constant 10 : i32
    %barrier3A = arith.constant 0 : index
    tpu.barrier barrier_id(%barrier3A)
    %scan3A_34 = arith.constant 0 : i32
    %scan3A_35 = arith.constant 0 : i32
    %scan3A_36 = arith.constant 20 : i32
    %scan3A_37 = arith.addi %scan3A_35, %scan3A_36 : i32
    %scan3A_38 = arith.constant 1 : i32
    scf.for %scan3A_186 = %scan3A_35 to %scan3A_37 step %scan3A_38  : i32 {
      %dma_wait3A_187 = arith.constant 0 : i32
      %dma_wait3A_188 = arith.constant 0 : i32
      %dma_wait3A_189 = arith.constant 0 : i32
      %dma_wait3A_190 = tpu.memref_slice %arg11[%dma_wait3A_187, %dma_wait3A_188, %dma_wait3A_189] : memref<2x2x128xi32, #tpu.memory_space<vmem>> -> memref<1x1x128xi32, #tpu.memory_space<vmem>>
      %dma_wait3A_191 = tpu.memref_squeeze %dma_wait3A_190 : memref<1x1x128xi32, #tpu.memory_space<vmem>> -> memref<128xi32, #tpu.memory_space<vmem>>
      %dma_wait3A_192 = arith.constant 0 : i32
      %dma_wait3A_193 = arith.constant 0 : i32
      %dma_wait3A_194 = tpu.memref_slice %arg2[%dma_wait3A_192, %dma_wait3A_193] : memref<10000x128xf32, #tpu.memory_space<hbm>> -> memref<10000x128xf32, #tpu.memory_space<hbm>>
      tpu.wait_indirect_dma semaphore(%arg17 : memref<!tpu.dma_semaphore, #tpu.memory_space<semaphore_mem>>) src(%dma_wait3A_194 : memref<10000x128xf32, #tpu.memory_space<hbm>>) dst(%arg13 : memref<128x128xf32, #tpu.memory_space<vmem>>)
      %run_scoped3A_195 = arith.constant 0 : i32
      %run_scoped3A_196 = arith.constant 1 : i32
      "tpu.region"() ({
        %run_scoped3A_294 = tpu.sem_alloc : memref<!tpu.dma_semaphore, #tpu.memory_space<semaphore_mem>>
        %dma_start3A_295 = arith.constant 0 : i32
        %dma_start3A_296 = tpu.memref_slice %arg11[%run_scoped3A_195, %run_scoped3A_196, %dma_start3A_295] : memref<2x2x128xi32, #tpu.memory_space<vmem>> -> memref<1x1x128xi32, #tpu.memory_space<vmem>>
        %dma_start3A_297 = tpu.memref_squeeze %dma_start3A_296 : memref<1x1x128xi32, #tpu.memory_space<vmem>> -> memref<128xi32, #tpu.memory_space<vmem>>
        %dma_start3A_298 = arith.constant 0 : i32
        %dma_start3A_299 = arith.constant 0 : i32
        %dma_start3A_300 = tpu.memref_slice %arg9[%dma_start3A_298, %dma_start3A_299] : memref<10240x128xf32, #tpu.memory_space<vmem_shared>> -> memref<10240x128xf32, #tpu.memory_space<vmem_shared>>
        tpu.enqueue_indirect_dma source(%arg13 : memref<128x128xf32, #tpu.memory_space<vmem>>) target(%dma_start3A_300 : memref<10240x128xf32, #tpu.memory_space<vmem_shared>>) offsets(%dma_start3A_297 : memref<128xi32, #tpu.memory_space<vmem>>) semaphore(%run_scoped3A_294 : memref<!tpu.dma_semaphore, #tpu.memory_space<semaphore_mem>>) {add = true}
        %dma_wait3A_301 = arith.constant 0 : i32
        %dma_wait3A_302 = tpu.memref_slice %arg11[%run_scoped3A_195, %run_scoped3A_196, %dma_wait3A_301] : memref<2x2x128xi32, #tpu.memory_space<vmem>> -> memref<1x1x128xi32, #tpu.memory_space<vmem>>
        %dma_wait3A_303 = tpu.memref_squeeze %dma_wait3A_302 : memref<1x1x128xi32, #tpu.memory_space<vmem>> -> memref<128xi32, #tpu.memory_space<vmem>>
        %dma_wait3A_304 = arith.constant 0 : i32
        %dma_wait3A_305 = arith.constant 0 : i32
        %dma_wait3A_306 = tpu.memref_slice %arg9[%dma_wait3A_304, %dma_wait3A_305] : memref<10240x128xf32, #tpu.memory_space<vmem_shared>> -> memref<10240x128xf32, #tpu.memory_space<vmem_shared>>
        tpu.wait_indirect_dma semaphore(%run_scoped3A_294 : memref<!tpu.dma_semaphore, #tpu.memory_space<semaphore_mem>>) src(%arg13 : memref<128x128xf32, #tpu.memory_space<vmem>>) dst(%dma_wait3A_306 : memref<10240x128xf32, #tpu.memory_space<vmem_shared>>)
        tpu.yield
      }) : () -> ()
      %dma_start3A_197 = arith.constant 0 : i32
      %dma_start3A_198 = arith.constant 1 : i32
      %dma_start3A_199 = arith.constant 0 : i32
      %dma_start3A_200 = tpu.memref_slice %arg11[%dma_start3A_197, %dma_start3A_198, %dma_start3A_199] : memref<2x2x128xi32, #tpu.memory_space<vmem>> -> memref<1x1x128xi32, #tpu.memory_space<vmem>>
      %dma_start3A_201 = tpu.memref_squeeze %dma_start3A_200 : memref<1x1x128xi32, #tpu.memory_space<vmem>> -> memref<128xi32, #tpu.memory_space<vmem>>
      %dma_start3A_202 = arith.constant 0 : i32
      %dma_start3A_203 = tpu.memref_slice %arg10[%dma_start3A_202] : memref<10240xf32, #tpu.memory_space<vmem_shared>> -> memref<10240xf32, #tpu.memory_space<vmem_shared>>
      tpu.enqueue_indirect_dma source(%arg16 : memref<128xf32, #tpu.memory_space<vmem>>) target(%dma_start3A_203 : memref<10240xf32, #tpu.memory_space<vmem_shared>>) offsets(%dma_start3A_201 : memref<128xi32, #tpu.memory_space<vmem>>) semaphore(%arg21 : memref<!tpu.dma_semaphore, #tpu.memory_space<semaphore_mem>>) {add = true}
      %dma_wait3A_204 = arith.constant 0 : i32
      %dma_wait3A_205 = arith.constant 0 : i32
      %dma_wait3A_206 = arith.constant 0 : i32
      %dma_wait3A_207 = arith.constant 0 : i32
      %dma_wait3A_208 = tpu.memref_slice %arg3[%add3A, %dma_wait3A_204, %dma_wait3A_205, %dma_wait3A_206, %dma_wait3A_207] : memref<32x40x2x2x128xi32, #tpu.memory_space<hbm>> -> memref<1x1x2x2x128xi32, #tpu.memory_space<hbm>>
      %dma_wait3A_209 = tpu.memref_squeeze %dma_wait3A_208 : memref<1x1x2x2x128xi32, #tpu.memory_space<hbm>> -> memref<2x2x128xi32, #tpu.memory_space<hbm>>
      %dma_wait3A_210 = arith.constant 0 : i32
      %dma_wait3A_211 = arith.constant 0 : i32
      %dma_wait3A_212 = arith.constant 0 : i32
      %dma_wait3A_213 = tpu.memref_slice %arg3[%add3A, %dma_wait3A_204, %dma_wait3A_210, %dma_wait3A_211, %dma_wait3A_212] : memref<32x40x2x2x128xi32, #tpu.memory_space<hbm>> -> memref<1x1x2x2x128xi32, #tpu.memory_space<hbm>>
      %dma_wait3A_214 = tpu.memref_squeeze %dma_wait3A_213 : memref<1x1x2x2x128xi32, #tpu.memory_space<hbm>> -> memref<2x2x128xi32, #tpu.memory_space<hbm>>
      tpu.wait_dma2 semaphore(%arg20 : memref<!tpu.dma_semaphore, #tpu.memory_space<semaphore_mem>>) src(%dma_wait3A_214 : memref<2x2x128xi32, #tpu.memory_space<hbm>>) dst(%arg12 : memref<2x2x128xi32, #tpu.memory_space<vmem>>)
      %dma_start3A_215 = arith.constant 0 : i32
      %dma_start3A_216 = arith.constant 0 : i32
      %dma_start3A_217 = arith.constant 0 : i32
      %dma_start3A_218 = tpu.memref_slice %arg12[%dma_start3A_215, %dma_start3A_216, %dma_start3A_217] : memref<2x2x128xi32, #tpu.memory_space<vmem>> -> memref<1x1x128xi32, #tpu.memory_space<vmem>>
      %dma_start3A_219 = tpu.memref_squeeze %dma_start3A_218 : memref<1x1x128xi32, #tpu.memory_space<vmem>> -> memref<128xi32, #tpu.memory_space<vmem>>
      %dma_start3A_220 = arith.constant 0 : i32
      %dma_start3A_221 = arith.constant 0 : i32
      %dma_start3A_222 = tpu.memref_slice %arg2[%dma_start3A_220, %dma_start3A_221] : memref<10000x128xf32, #tpu.memory_space<hbm>> -> memref<10000x128xf32, #tpu.memory_space<hbm>>
      tpu.enqueue_indirect_dma source(%dma_start3A_222 : memref<10000x128xf32, #tpu.memory_space<hbm>>) target(%arg13 : memref<128x128xf32, #tpu.memory_space<vmem>>) offsets(%dma_start3A_219 : memref<128xi32, #tpu.memory_space<vmem>>) semaphore(%arg17 : memref<!tpu.dma_semaphore, #tpu.memory_space<semaphore_mem>>)
      %dma_wait3A_223 = arith.constant 1 : i32
      %dma_wait3A_224 = arith.constant 0 : i32
      %dma_wait3A_225 = arith.constant 0 : i32
      %dma_wait3A_226 = tpu.memref_slice %arg11[%dma_wait3A_223, %dma_wait3A_224, %dma_wait3A_225] : memref<2x2x128xi32, #tpu.memory_space<vmem>> -> memref<1x1x128xi32, #tpu.memory_space<vmem>>
      %dma_wait3A_227 = tpu.memref_squeeze %dma_wait3A_226 : memref<1x1x128xi32, #tpu.memory_space<vmem>> -> memref<128xi32, #tpu.memory_space<vmem>>
      %dma_wait3A_228 = arith.constant 0 : i32
      %dma_wait3A_229 = arith.constant 0 : i32
      %dma_wait3A_230 = tpu.memref_slice %arg2[%dma_wait3A_228, %dma_wait3A_229] : memref<10000x128xf32, #tpu.memory_space<hbm>> -> memref<10000x128xf32, #tpu.memory_space<hbm>>
      tpu.wait_indirect_dma semaphore(%arg18 : memref<!tpu.dma_semaphore, #tpu.memory_space<semaphore_mem>>) src(%dma_wait3A_230 : memref<10000x128xf32, #tpu.memory_space<hbm>>) dst(%arg14 : memref<128x128xf32, #tpu.memory_space<vmem>>)
      %run_scoped3A_231 = arith.constant 1 : i32
      %run_scoped3A_232 = arith.constant 1 : i32
      "tpu.region"() ({
        %run_scoped3A_294 = tpu.sem_alloc : memref<!tpu.dma_semaphore, #tpu.memory_space<semaphore_mem>>
        %dma_start3A_295 = arith.constant 0 : i32
        %dma_start3A_296 = tpu.memref_slice %arg11[%run_scoped3A_231, %run_scoped3A_232, %dma_start3A_295] : memref<2x2x128xi32, #tpu.memory_space<vmem>> -> memref<1x1x128xi32, #tpu.memory_space<vmem>>
        %dma_start3A_297 = tpu.memref_squeeze %dma_start3A_296 : memref<1x1x128xi32, #tpu.memory_space<vmem>> -> memref<128xi32, #tpu.memory_space<vmem>>
        %dma_start3A_298 = arith.constant 0 : i32
        %dma_start3A_299 = arith.constant 0 : i32
        %dma_start3A_300 = tpu.memref_slice %arg9[%dma_start3A_298, %dma_start3A_299] : memref<10240x128xf32, #tpu.memory_space<vmem_shared>> -> memref<10240x128xf32, #tpu.memory_space<vmem_shared>>
        tpu.enqueue_indirect_dma source(%arg14 : memref<128x128xf32, #tpu.memory_space<vmem>>) target(%dma_start3A_300 : memref<10240x128xf32, #tpu.memory_space<vmem_shared>>) offsets(%dma_start3A_297 : memref<128xi32, #tpu.memory_space<vmem>>) semaphore(%run_scoped3A_294 : memref<!tpu.dma_semaphore, #tpu.memory_space<semaphore_mem>>) {add = true}
        %dma_wait3A_301 = arith.constant 0 : i32
        %dma_wait3A_302 = tpu.memref_slice %arg11[%run_scoped3A_231, %run_scoped3A_232, %dma_wait3A_301] : memref<2x2x128xi32, #tpu.memory_space<vmem>> -> memref<1x1x128xi32, #tpu.memory_space<vmem>>
        %dma_wait3A_303 = tpu.memref_squeeze %dma_wait3A_302 : memref<1x1x128xi32, #tpu.memory_space<vmem>> -> memref<128xi32, #tpu.memory_space<vmem>>
        %dma_wait3A_304 = arith.constant 0 : i32
        %dma_wait3A_305 = arith.constant 0 : i32
        %dma_wait3A_306 = tpu.memref_slice %arg9[%dma_wait3A_304, %dma_wait3A_305] : memref<10240x128xf32, #tpu.memory_space<vmem_shared>> -> memref<10240x128xf32, #tpu.memory_space<vmem_shared>>
        tpu.wait_indirect_dma semaphore(%run_scoped3A_294 : memref<!tpu.dma_semaphore, #tpu.memory_space<semaphore_mem>>) src(%arg14 : memref<128x128xf32, #tpu.memory_space<vmem>>) dst(%dma_wait3A_306 : memref<10240x128xf32, #tpu.memory_space<vmem_shared>>)
        tpu.yield
      }) : () -> ()
      %dma_start3A_233 = arith.constant 1 : i32
      %dma_start3A_234 = arith.constant 1 : i32
      %dma_start3A_235 = arith.constant 0 : i32
      %dma_start3A_236 = tpu.memref_slice %arg11[%dma_start3A_233, %dma_start3A_234, %dma_start3A_235] : memref<2x2x128xi32, #tpu.memory_space<vmem>> -> memref<1x1x128xi32, #tpu.memory_space<vmem>>
      %dma_start3A_237 = tpu.memref_squeeze %dma_start3A_236 : memref<1x1x128xi32, #tpu.memory_space<vmem>> -> memref<128xi32, #tpu.memory_space<vmem>>
      %dma_start3A_238 = arith.constant 0 : i32
      %dma_start3A_239 = tpu.memref_slice %arg10[%dma_start3A_238] : memref<10240xf32, #tpu.memory_space<vmem_shared>> -> memref<10240xf32, #tpu.memory_space<vmem_shared>>
      tpu.enqueue_indirect_dma source(%arg16 : memref<128xf32, #tpu.memory_space<vmem>>) target(%dma_start3A_239 : memref<10240xf32, #tpu.memory_space<vmem_shared>>) offsets(%dma_start3A_237 : memref<128xi32, #tpu.memory_space<vmem>>) semaphore(%arg21 : memref<!tpu.dma_semaphore, #tpu.memory_space<semaphore_mem>>) {add = true}
      %lt3A = arith.constant 19 : i32
      %lt3A_240 = arith.cmpi slt, %scan3A_186, %lt3A : i32
      %convert_element_type3A = arith.extui %lt3A_240 : i1 to i32
      %cond3A = arith.constant 0 : i32
      %cond3A_241 = arith.cmpi ne, %convert_element_type3A, %cond3A : i32
      scf.if %cond3A_241 {
        %mul3A_294 = arith.constant 2 : i32
        %mul3A_295 = arith.muli %mul3A_294, %scan3A_186 : i32
        %add3A_296 = arith.constant 2 : i32
        %add3A_297 = arith.addi %mul3A_295, %add3A_296 : i32
        %dma_start3A_298 = arith.constant 0 : i32
        %dma_start3A_299 = arith.constant 0 : i32
        %dma_start3A_300 = arith.constant 0 : i32
        %dma_start3A_301 = tpu.memref_slice %arg3[%add3A, %add3A_297, %dma_start3A_298, %dma_start3A_299, %dma_start3A_300] : memref<32x40x2x2x128xi32, #tpu.memory_space<hbm>> -> memref<1x1x2x2x128xi32, #tpu.memory_space<hbm>>
        %dma_start3A_302 = tpu.memref_squeeze %dma_start3A_301 : memref<1x1x2x2x128xi32, #tpu.memory_space<hbm>> -> memref<2x2x128xi32, #tpu.memory_space<hbm>>
        %dma_start3A_303 = arith.constant 0 : i32
        %dma_start3A_304 = arith.constant 0 : i32
        %dma_start3A_305 = arith.constant 0 : i32
        %dma_start3A_306 = tpu.memref_slice %arg3[%add3A, %add3A_297, %dma_start3A_303, %dma_start3A_304, %dma_start3A_305] : memref<32x40x2x2x128xi32, #tpu.memory_space<hbm>> -> memref<1x1x2x2x128xi32, #tpu.memory_space<hbm>>
        %dma_start3A_307 = tpu.memref_squeeze %dma_start3A_306 : memref<1x1x2x2x128xi32, #tpu.memory_space<hbm>> -> memref<2x2x128xi32, #tpu.memory_space<hbm>>
        tpu.enqueue_dma source(%dma_start3A_307 : memref<2x2x128xi32, #tpu.memory_space<hbm>>) target(%arg11 : memref<2x2x128xi32, #tpu.memory_space<vmem>>) target_semaphore(%arg19 : memref<!tpu.dma_semaphore, #tpu.memory_space<semaphore_mem>>)
      } else {
      }
      %dma_start3A_242 = arith.constant 1 : i32
      %dma_start3A_243 = arith.constant 0 : i32
      %dma_start3A_244 = arith.constant 0 : i32
      %dma_start3A_245 = tpu.memref_slice %arg12[%dma_start3A_242, %dma_start3A_243, %dma_start3A_244] : memref<2x2x128xi32, #tpu.memory_space<vmem>> -> memref<1x1x128xi32, #tpu.memory_space<vmem>>
      %dma_start3A_246 = tpu.memref_squeeze %dma_start3A_245 : memref<1x1x128xi32, #tpu.memory_space<vmem>> -> memref<128xi32, #tpu.memory_space<vmem>>
      %dma_start3A_247 = arith.constant 0 : i32
      %dma_start3A_248 = arith.constant 0 : i32
      %dma_start3A_249 = tpu.memref_slice %arg2[%dma_start3A_247, %dma_start3A_248] : memref<10000x128xf32, #tpu.memory_space<hbm>> -> memref<10000x128xf32, #tpu.memory_space<hbm>>
      tpu.enqueue_indirect_dma source(%dma_start3A_249 : memref<10000x128xf32, #tpu.memory_space<hbm>>) target(%arg14 : memref<128x128xf32, #tpu.memory_space<vmem>>) offsets(%dma_start3A_246 : memref<128xi32, #tpu.memory_space<vmem>>) semaphore(%arg18 : memref<!tpu.dma_semaphore, #tpu.memory_space<semaphore_mem>>)
      %dma_wait3A_250 = arith.constant 0 : i32
      %dma_wait3A_251 = arith.constant 0 : i32
      %dma_wait3A_252 = arith.constant 0 : i32
      %dma_wait3A_253 = tpu.memref_slice %arg12[%dma_wait3A_250, %dma_wait3A_251, %dma_wait3A_252] : memref<2x2x128xi32, #tpu.memory_space<vmem>> -> memref<1x1x128xi32, #tpu.memory_space<vmem>>
      %dma_wait3A_254 = tpu.memref_squeeze %dma_wait3A_253 : memref<1x1x128xi32, #tpu.memory_space<vmem>> -> memref<128xi32, #tpu.memory_space<vmem>>
      %dma_wait3A_255 = arith.constant 0 : i32
      %dma_wait3A_256 = arith.constant 0 : i32
      %dma_wait3A_257 = tpu.memref_slice %arg2[%dma_wait3A_255, %dma_wait3A_256] : memref<10000x128xf32, #tpu.memory_space<hbm>> -> memref<10000x128xf32, #tpu.memory_space<hbm>>
      tpu.wait_indirect_dma semaphore(%arg17 : memref<!tpu.dma_semaphore, #tpu.memory_space<semaphore_mem>>) src(%dma_wait3A_257 : memref<10000x128xf32, #tpu.memory_space<hbm>>) dst(%arg13 : memref<128x128xf32, #tpu.memory_space<vmem>>)
      %run_scoped3A_258 = arith.constant 0 : i32
      %run_scoped3A_259 = arith.constant 1 : i32
      "tpu.region"() ({
        %run_scoped3A_294 = tpu.sem_alloc : memref<!tpu.dma_semaphore, #tpu.memory_space<semaphore_mem>>
        %dma_start3A_295 = arith.constant 0 : i32
        %dma_start3A_296 = tpu.memref_slice %arg12[%run_scoped3A_258, %run_scoped3A_259, %dma_start3A_295] : memref<2x2x128xi32, #tpu.memory_space<vmem>> -> memref<1x1x128xi32, #tpu.memory_space<vmem>>
        %dma_start3A_297 = tpu.memref_squeeze %dma_start3A_296 : memref<1x1x128xi32, #tpu.memory_space<vmem>> -> memref<128xi32, #tpu.memory_space<vmem>>
        %dma_start3A_298 = arith.constant 0 : i32
        %dma_start3A_299 = arith.constant 0 : i32
        %dma_start3A_300 = tpu.memref_slice %arg9[%dma_start3A_298, %dma_start3A_299] : memref<10240x128xf32, #tpu.memory_space<vmem_shared>> -> memref<10240x128xf32, #tpu.memory_space<vmem_shared>>
        tpu.enqueue_indirect_dma source(%arg13 : memref<128x128xf32, #tpu.memory_space<vmem>>) target(%dma_start3A_300 : memref<10240x128xf32, #tpu.memory_space<vmem_shared>>) offsets(%dma_start3A_297 : memref<128xi32, #tpu.memory_space<vmem>>) semaphore(%run_scoped3A_294 : memref<!tpu.dma_semaphore, #tpu.memory_space<semaphore_mem>>) {add = true}
        %dma_wait3A_301 = arith.constant 0 : i32
        %dma_wait3A_302 = tpu.memref_slice %arg12[%run_scoped3A_258, %run_scoped3A_259, %dma_wait3A_301] : memref<2x2x128xi32, #tpu.memory_space<vmem>> -> memref<1x1x128xi32, #tpu.memory_space<vmem>>
        %dma_wait3A_303 = tpu.memref_squeeze %dma_wait3A_302 : memref<1x1x128xi32, #tpu.memory_space<vmem>> -> memref<128xi32, #tpu.memory_space<vmem>>
        %dma_wait3A_304 = arith.constant 0 : i32
        %dma_wait3A_305 = arith.constant 0 : i32
        %dma_wait3A_306 = tpu.memref_slice %arg9[%dma_wait3A_304, %dma_wait3A_305] : memref<10240x128xf32, #tpu.memory_space<vmem_shared>> -> memref<10240x128xf32, #tpu.memory_space<vmem_shared>>
        tpu.wait_indirect_dma semaphore(%run_scoped3A_294 : memref<!tpu.dma_semaphore, #tpu.memory_space<semaphore_mem>>) src(%arg13 : memref<128x128xf32, #tpu.memory_space<vmem>>) dst(%dma_wait3A_306 : memref<10240x128xf32, #tpu.memory_space<vmem_shared>>)
        tpu.yield
      }) : () -> ()
      %dma_start3A_260 = arith.constant 0 : i32
      %dma_start3A_261 = arith.constant 1 : i32
      %dma_start3A_262 = arith.constant 0 : i32
      %dma_start3A_263 = tpu.memref_slice %arg12[%dma_start3A_260, %dma_start3A_261, %dma_start3A_262] : memref<2x2x128xi32, #tpu.memory_space<vmem>> -> memref<1x1x128xi32, #tpu.memory_space<vmem>>
      %dma_start3A_264 = tpu.memref_squeeze %dma_start3A_263 : memref<1x1x128xi32, #tpu.memory_space<vmem>> -> memref<128xi32, #tpu.memory_space<vmem>>
      %dma_start3A_265 = arith.constant 0 : i32
      %dma_start3A_266 = tpu.memref_slice %arg10[%dma_start3A_265] : memref<10240xf32, #tpu.memory_space<vmem_shared>> -> memref<10240xf32, #tpu.memory_space<vmem_shared>>
      tpu.enqueue_indirect_dma source(%arg16 : memref<128xf32, #tpu.memory_space<vmem>>) target(%dma_start3A_266 : memref<10240xf32, #tpu.memory_space<vmem_shared>>) offsets(%dma_start3A_264 : memref<128xi32, #tpu.memory_space<vmem>>) semaphore(%arg21 : memref<!tpu.dma_semaphore, #tpu.memory_space<semaphore_mem>>) {add = true}
      %lt3A_267 = arith.constant 19 : i32
      %lt3A_268 = arith.cmpi slt, %scan3A_186, %lt3A_267 : i32
      %convert_element_type3A_269 = arith.extui %lt3A_268 : i1 to i32
      %cond3A_270 = arith.constant 0 : i32
      %cond3A_271 = arith.cmpi ne, %convert_element_type3A_269, %cond3A_270 : i32
      scf.if %cond3A_271 {
        %dma_wait3A_294 = arith.constant 0 : i32
        %dma_wait3A_295 = arith.constant 0 : i32
        %dma_wait3A_296 = arith.constant 0 : i32
        %dma_wait3A_297 = arith.constant 0 : i32
        %dma_wait3A_298 = tpu.memref_slice %arg3[%add3A, %dma_wait3A_294, %dma_wait3A_295, %dma_wait3A_296, %dma_wait3A_297] : memref<32x40x2x2x128xi32, #tpu.memory_space<hbm>> -> memref<1x1x2x2x128xi32, #tpu.memory_space<hbm>>
        %dma_wait3A_299 = tpu.memref_squeeze %dma_wait3A_298 : memref<1x1x2x2x128xi32, #tpu.memory_space<hbm>> -> memref<2x2x128xi32, #tpu.memory_space<hbm>>
        %dma_wait3A_300 = arith.constant 0 : i32
        %dma_wait3A_301 = arith.constant 0 : i32
        %dma_wait3A_302 = arith.constant 0 : i32
        %dma_wait3A_303 = tpu.memref_slice %arg3[%add3A, %dma_wait3A_294, %dma_wait3A_300, %dma_wait3A_301, %dma_wait3A_302] : memref<32x40x2x2x128xi32, #tpu.memory_space<hbm>> -> memref<1x1x2x2x128xi32, #tpu.memory_space<hbm>>
        %dma_wait3A_304 = tpu.memref_squeeze %dma_wait3A_303 : memref<1x1x2x2x128xi32, #tpu.memory_space<hbm>> -> memref<2x2x128xi32, #tpu.memory_space<hbm>>
        tpu.wait_dma2 semaphore(%arg19 : memref<!tpu.dma_semaphore, #tpu.memory_space<semaphore_mem>>) src(%dma_wait3A_304 : memref<2x2x128xi32, #tpu.memory_space<hbm>>) dst(%arg11 : memref<2x2x128xi32, #tpu.memory_space<vmem>>)
        %dma_start3A_305 = arith.constant 0 : i32
        %dma_start3A_306 = arith.constant 0 : i32
        %dma_start3A_307 = arith.constant 0 : i32
        %dma_start3A_308 = tpu.memref_slice %arg11[%dma_start3A_305, %dma_start3A_306, %dma_start3A_307] : memref<2x2x128xi32, #tpu.memory_space<vmem>> -> memref<1x1x128xi32, #tpu.memory_space<vmem>>
        %dma_start3A_309 = tpu.memref_squeeze %dma_start3A_308 : memref<1x1x128xi32, #tpu.memory_space<vmem>> -> memref<128xi32, #tpu.memory_space<vmem>>
        %dma_start3A_310 = arith.constant 0 : i32
        %dma_start3A_311 = arith.constant 0 : i32
        %dma_start3A_312 = tpu.memref_slice %arg2[%dma_start3A_310, %dma_start3A_311] : memref<10000x128xf32, #tpu.memory_space<hbm>> -> memref<10000x128xf32, #tpu.memory_space<hbm>>
        tpu.enqueue_indirect_dma source(%dma_start3A_312 : memref<10000x128xf32, #tpu.memory_space<hbm>>) target(%arg13 : memref<128x128xf32, #tpu.memory_space<vmem>>) offsets(%dma_start3A_309 : memref<128xi32, #tpu.memory_space<vmem>>) semaphore(%arg17 : memref<!tpu.dma_semaphore, #tpu.memory_space<semaphore_mem>>)
      } else {
      }
      %dma_wait3A_272 = arith.constant 1 : i32
      %dma_wait3A_273 = arith.constant 0 : i32
      %dma_wait3A_274 = arith.constant 0 : i32
      %dma_wait3A_275 = tpu.memref_slice %arg12[%dma_wait3A_272, %dma_wait3A_273, %dma_wait3A_274] : memref<2x2x128xi32, #tpu.memory_space<vmem>> -> memref<1x1x128xi32, #tpu.memory_space<vmem>>
      %dma_wait3A_276 = tpu.memref_squeeze %dma_wait3A_275 : memref<1x1x128xi32, #tpu.memory_space<vmem>> -> memref<128xi32, #tpu.memory_space<vmem>>
      %dma_wait3A_277 = arith.constant 0 : i32
      %dma_wait3A_278 = arith.constant 0 : i32
      %dma_wait3A_279 = tpu.memref_slice %arg2[%dma_wait3A_277, %dma_wait3A_278] : memref<10000x128xf32, #tpu.memory_space<hbm>> -> memref<10000x128xf32, #tpu.memory_space<hbm>>
      tpu.wait_indirect_dma semaphore(%arg18 : memref<!tpu.dma_semaphore, #tpu.memory_space<semaphore_mem>>) src(%dma_wait3A_279 : memref<10000x128xf32, #tpu.memory_space<hbm>>) dst(%arg14 : memref<128x128xf32, #tpu.memory_space<vmem>>)
      %run_scoped3A_280 = arith.constant 1 : i32
      %run_scoped3A_281 = arith.constant 1 : i32
      "tpu.region"() ({
        %run_scoped3A_294 = tpu.sem_alloc : memref<!tpu.dma_semaphore, #tpu.memory_space<semaphore_mem>>
        %dma_start3A_295 = arith.constant 0 : i32
        %dma_start3A_296 = tpu.memref_slice %arg12[%run_scoped3A_280, %run_scoped3A_281, %dma_start3A_295] : memref<2x2x128xi32, #tpu.memory_space<vmem>> -> memref<1x1x128xi32, #tpu.memory_space<vmem>>
        %dma_start3A_297 = tpu.memref_squeeze %dma_start3A_296 : memref<1x1x128xi32, #tpu.memory_space<vmem>> -> memref<128xi32, #tpu.memory_space<vmem>>
        %dma_start3A_298 = arith.constant 0 : i32
        %dma_start3A_299 = arith.constant 0 : i32
        %dma_start3A_300 = tpu.memref_slice %arg9[%dma_start3A_298, %dma_start3A_299] : memref<10240x128xf32, #tpu.memory_space<vmem_shared>> -> memref<10240x128xf32, #tpu.memory_space<vmem_shared>>
        tpu.enqueue_indirect_dma source(%arg14 : memref<128x128xf32, #tpu.memory_space<vmem>>) target(%dma_start3A_300 : memref<10240x128xf32, #tpu.memory_space<vmem_shared>>) offsets(%dma_start3A_297 : memref<128xi32, #tpu.memory_space<vmem>>) semaphore(%run_scoped3A_294 : memref<!tpu.dma_semaphore, #tpu.memory_space<semaphore_mem>>) {add = true}
        %dma_wait3A_301 = arith.constant 0 : i32
        %dma_wait3A_302 = tpu.memref_slice %arg12[%run_scoped3A_280, %run_scoped3A_281, %dma_wait3A_301] : memref<2x2x128xi32, #tpu.memory_space<vmem>> -> memref<1x1x128xi32, #tpu.memory_space<vmem>>
        %dma_wait3A_303 = tpu.memref_squeeze %dma_wait3A_302 : memref<1x1x128xi32, #tpu.memory_space<vmem>> -> memref<128xi32, #tpu.memory_space<vmem>>
        %dma_wait3A_304 = arith.constant 0 : i32
        %dma_wait3A_305 = arith.constant 0 : i32
        %dma_wait3A_306 = tpu.memref_slice %arg9[%dma_wait3A_304, %dma_wait3A_305] : memref<10240x128xf32, #tpu.memory_space<vmem_shared>> -> memref<10240x128xf32, #tpu.memory_space<vmem_shared>>
        tpu.wait_indirect_dma semaphore(%run_scoped3A_294 : memref<!tpu.dma_semaphore, #tpu.memory_space<semaphore_mem>>) src(%arg14 : memref<128x128xf32, #tpu.memory_space<vmem>>) dst(%dma_wait3A_306 : memref<10240x128xf32, #tpu.memory_space<vmem_shared>>)
        tpu.yield
      }) : () -> ()
      %dma_start3A_282 = arith.constant 1 : i32
      %dma_start3A_283 = arith.constant 1 : i32
      %dma_start3A_284 = arith.constant 0 : i32
      %dma_start3A_285 = tpu.memref_slice %arg12[%dma_start3A_282, %dma_start3A_283, %dma_start3A_284] : memref<2x2x128xi32, #tpu.memory_space<vmem>> -> memref<1x1x128xi32, #tpu.memory_space<vmem>>
      %dma_start3A_286 = tpu.memref_squeeze %dma_start3A_285 : memref<1x1x128xi32, #tpu.memory_space<vmem>> -> memref<128xi32, #tpu.memory_space<vmem>>
      %dma_start3A_287 = arith.constant 0 : i32
      %dma_start3A_288 = tpu.memref_slice %arg10[%dma_start3A_287] : memref<10240xf32, #tpu.memory_space<vmem_shared>> -> memref<10240xf32, #tpu.memory_space<vmem_shared>>
      tpu.enqueue_indirect_dma source(%arg16 : memref<128xf32, #tpu.memory_space<vmem>>) target(%dma_start3A_288 : memref<10240xf32, #tpu.memory_space<vmem_shared>>) offsets(%dma_start3A_286 : memref<128xi32, #tpu.memory_space<vmem>>) semaphore(%arg21 : memref<!tpu.dma_semaphore, #tpu.memory_space<semaphore_mem>>) {add = true}
      %lt3A_289 = arith.constant 19 : i32
      %lt3A_290 = arith.cmpi slt, %scan3A_186, %lt3A_289 : i32
      %convert_element_type3A_291 = arith.extui %lt3A_290 : i1 to i32
      %cond3A_292 = arith.constant 0 : i32
      %cond3A_293 = arith.cmpi ne, %convert_element_type3A_291, %cond3A_292 : i32
      scf.if %cond3A_293 {
        %mul3A_294 = arith.constant 2 : i32
        %mul3A_295 = arith.muli %mul3A_294, %scan3A_186 : i32
        %add3A_296 = arith.constant 3 : i32
        %add3A_297 = arith.addi %mul3A_295, %add3A_296 : i32
        %dma_start3A_298 = arith.constant 0 : i32
        %dma_start3A_299 = arith.constant 0 : i32
        %dma_start3A_300 = arith.constant 0 : i32
        %dma_start3A_301 = tpu.memref_slice %arg3[%add3A, %add3A_297, %dma_start3A_298, %dma_start3A_299, %dma_start3A_300] : memref<32x40x2x2x128xi32, #tpu.memory_space<hbm>> -> memref<1x1x2x2x128xi32, #tpu.memory_space<hbm>>
        %dma_start3A_302 = tpu.memref_squeeze %dma_start3A_301 : memref<1x1x2x2x128xi32, #tpu.memory_space<hbm>> -> memref<2x2x128xi32, #tpu.memory_space<hbm>>
        %dma_start3A_303 = arith.constant 0 : i32
        %dma_start3A_304 = arith.constant 0 : i32
        %dma_start3A_305 = arith.constant 0 : i32
        %dma_start3A_306 = tpu.memref_slice %arg3[%add3A, %add3A_297, %dma_start3A_303, %dma_start3A_304, %dma_start3A_305] : memref<32x40x2x2x128xi32, #tpu.memory_space<hbm>> -> memref<1x1x2x2x128xi32, #tpu.memory_space<hbm>>
        %dma_start3A_307 = tpu.memref_squeeze %dma_start3A_306 : memref<1x1x2x2x128xi32, #tpu.memory_space<hbm>> -> memref<2x2x128xi32, #tpu.memory_space<hbm>>
        tpu.enqueue_dma source(%dma_start3A_307 : memref<2x2x128xi32, #tpu.memory_space<hbm>>) target(%arg12 : memref<2x2x128xi32, #tpu.memory_space<vmem>>) target_semaphore(%arg20 : memref<!tpu.dma_semaphore, #tpu.memory_space<semaphore_mem>>)
        %dma_start3A_308 = arith.constant 1 : i32
        %dma_start3A_309 = arith.constant 0 : i32
        %dma_start3A_310 = arith.constant 0 : i32
        %dma_start3A_311 = tpu.memref_slice %arg11[%dma_start3A_308, %dma_start3A_309, %dma_start3A_310] : memref<2x2x128xi32, #tpu.memory_space<vmem>> -> memref<1x1x128xi32, #tpu.memory_space<vmem>>
        %dma_start3A_312 = tpu.memref_squeeze %dma_start3A_311 : memref<1x1x128xi32, #tpu.memory_space<vmem>> -> memref<128xi32, #tpu.memory_space<vmem>>
        %dma_start3A_313 = arith.constant 0 : i32
        %dma_start3A_314 = arith.constant 0 : i32
        %dma_start3A_315 = tpu.memref_slice %arg2[%dma_start3A_313, %dma_start3A_314] : memref<10000x128xf32, #tpu.memory_space<hbm>> -> memref<10000x128xf32, #tpu.memory_space<hbm>>
        tpu.enqueue_indirect_dma source(%dma_start3A_315 : memref<10000x128xf32, #tpu.memory_space<hbm>>) target(%arg14 : memref<128x128xf32, #tpu.memory_space<vmem>>) offsets(%dma_start3A_312 : memref<128xi32, #tpu.memory_space<vmem>>) semaphore(%arg18 : memref<!tpu.dma_semaphore, #tpu.memory_space<semaphore_mem>>)
      } else {
      }
    }
    %scan3A_39 = arith.constant 20 : i32
    %scan3A_40 = arith.constant 0 : i32
    %scan3A_41 = arith.constant 0 : i32
    %scan3A_42 = arith.constant 80 : i32
    %scan3A_43 = arith.addi %scan3A_41, %scan3A_42 : i32
    %scan3A_44 = arith.constant 1 : i32
    scf.for %scan3A_186 = %scan3A_41 to %scan3A_43 step %scan3A_44  : i32 {
      tpu.wait_dma2 semaphore(%arg21 : memref<!tpu.dma_semaphore, #tpu.memory_space<semaphore_mem>>) src(%arg5 : memref<128xf32, #tpu.memory_space<hbm>>) dst(%arg16 : memref<128xf32, #tpu.memory_space<vmem>>)
    }
    %scan3A_45 = arith.constant 80 : i32
    %barrier3A_46 = arith.constant 0 : index
    tpu.barrier barrier_id(%barrier3A_46)
    "tpu.region"() ({
      %run_scoped3A_186 = tpu.sem_alloc : memref<!tpu.dma_semaphore, #tpu.memory_space<semaphore_mem>>
      %dma_start3A_187 = tpu.memref_slice %arg8[%arg0, %mul3A_2] : memref<2x10240xf32, #tpu.memory_space<hbm>> -> memref<1x640xf32, #tpu.memory_space<hbm>>
      %dma_start3A_188 = tpu.memref_squeeze %dma_start3A_187 : memref<1x640xf32, #tpu.memory_space<hbm>> -> memref<640xf32, #tpu.memory_space<hbm>>
      %dma_start3A_189 = tpu.memref_slice %arg10[%mul3A_2] : memref<10240xf32, #tpu.memory_space<vmem_shared>> -> memref<640xf32, #tpu.memory_space<vmem_shared>>
      tpu.enqueue_dma source(%dma_start3A_189 : memref<640xf32, #tpu.memory_space<vmem_shared>>) target(%dma_start3A_188 : memref<640xf32, #tpu.memory_space<hbm>>) target_semaphore(%run_scoped3A_186 : memref<!tpu.dma_semaphore, #tpu.memory_space<semaphore_mem>>)
      %dma_wait3A_190 = tpu.memref_slice %arg8[%arg0, %mul3A_2] : memref<2x10240xf32, #tpu.memory_space<hbm>> -> memref<1x640xf32, #tpu.memory_space<hbm>>
      %dma_wait3A_191 = tpu.memref_squeeze %dma_wait3A_190 : memref<1x640xf32, #tpu.memory_space<hbm>> -> memref<640xf32, #tpu.memory_space<hbm>>
      %dma_wait3A_192 = tpu.memref_slice %arg10[%mul3A_2] : memref<10240xf32, #tpu.memory_space<vmem_shared>> -> memref<640xf32, #tpu.memory_space<vmem_shared>>
      tpu.wait_dma2 semaphore(%run_scoped3A_186 : memref<!tpu.dma_semaphore, #tpu.memory_space<semaphore_mem>>) src(%dma_wait3A_192 : memref<640xf32, #tpu.memory_space<vmem_shared>>) dst(%dma_wait3A_191 : memref<640xf32, #tpu.memory_space<hbm>>)
      tpu.yield
    }) : () -> ()
    %add3A_47 = arith.constant 0 : i32
    %add3A_48 = arith.addi %mul3A_2, %add3A_47 : i32
    %dma_start3A_49 = arith.constant 0 : i32
    %dma_start3A_50 = tpu.memref_slice %arg9[%add3A_48, %dma_start3A_49] : memref<10240x128xf32, #tpu.memory_space<vmem_shared>> -> memref<128x128xf32, #tpu.memory_space<vmem_shared>>
    %dma_start3A_51 = arith.constant 0 : i32
    %dma_start3A_52 = tpu.memref_slice %arg9[%add3A_48, %dma_start3A_51] : memref<10240x128xf32, #tpu.memory_space<vmem_shared>> -> memref<128x128xf32, #tpu.memory_space<vmem_shared>>
    tpu.enqueue_dma source(%dma_start3A_52 : memref<128x128xf32, #tpu.memory_space<vmem_shared>>) target(%arg13 : memref<128x128xf32, #tpu.memory_space<vmem>>) target_semaphore(%arg17 : memref<!tpu.dma_semaphore, #tpu.memory_space<semaphore_mem>>)
    %add3A_53 = arith.constant 128 : i32
    %add3A_54 = arith.addi %mul3A_2, %add3A_53 : i32
    %dma_start3A_55 = arith.constant 0 : i32
    %dma_start3A_56 = tpu.memref_slice %arg9[%add3A_54, %dma_start3A_55] : memref<10240x128xf32, #tpu.memory_space<vmem_shared>> -> memref<128x128xf32, #tpu.memory_space<vmem_shared>>
    %dma_start3A_57 = arith.constant 0 : i32
    %dma_start3A_58 = tpu.memref_slice %arg9[%add3A_54, %dma_start3A_57] : memref<10240x128xf32, #tpu.memory_space<vmem_shared>> -> memref<128x128xf32, #tpu.memory_space<vmem_shared>>
    tpu.enqueue_dma source(%dma_start3A_58 : memref<128x128xf32, #tpu.memory_space<vmem_shared>>) target(%arg14 : memref<128x128xf32, #tpu.memory_space<vmem>>) target_semaphore(%arg18 : memref<!tpu.dma_semaphore, #tpu.memory_space<semaphore_mem>>)
    %add3A_59 = arith.constant 0 : i32
    %add3A_60 = arith.addi %mul3A_2, %add3A_59 : i32
    %dma_wait3A = arith.constant 0 : i32
    %dma_wait3A_61 = tpu.memref_slice %arg9[%add3A_60, %dma_wait3A] : memref<10240x128xf32, #tpu.memory_space<vmem_shared>> -> memref<128x128xf32, #tpu.memory_space<vmem_shared>>
    %dma_wait3A_62 = arith.constant 0 : i32
    %dma_wait3A_63 = tpu.memref_slice %arg9[%add3A_60, %dma_wait3A_62] : memref<10240x128xf32, #tpu.memory_space<vmem_shared>> -> memref<128x128xf32, #tpu.memory_space<vmem_shared>>
    tpu.wait_dma2 semaphore(%arg17 : memref<!tpu.dma_semaphore, #tpu.memory_space<semaphore_mem>>) src(%dma_wait3A_63 : memref<128x128xf32, #tpu.memory_space<vmem_shared>>) dst(%arg13 : memref<128x128xf32, #tpu.memory_space<vmem>>)
    %add3A_64 = arith.constant 0 : i32
    %add3A_65 = arith.addi %mul3A_2, %add3A_64 : i32
    %dma_start3A_66 = arith.constant 0 : i32
    %dma_start3A_67 = tpu.memref_slice %arg7[%arg0, %add3A_65, %dma_start3A_66] : memref<2x10240x128xf32, #tpu.memory_space<hbm>> -> memref<1x128x128xf32, #tpu.memory_space<hbm>>
    %dma_start3A_68 = tpu.memref_squeeze %dma_start3A_67 : memref<1x128x128xf32, #tpu.memory_space<hbm>> -> memref<128x128xf32, #tpu.memory_space<hbm>>
    %dma_start3A_69 = arith.constant 0 : i32
    %dma_start3A_70 = tpu.memref_slice %arg7[%arg0, %add3A_65, %dma_start3A_69] : memref<2x10240x128xf32, #tpu.memory_space<hbm>> -> memref<1x128x128xf32, #tpu.memory_space<hbm>>
    %dma_start3A_71 = tpu.memref_squeeze %dma_start3A_70 : memref<1x128x128xf32, #tpu.memory_space<hbm>> -> memref<128x128xf32, #tpu.memory_space<hbm>>
    tpu.enqueue_dma source(%arg13 : memref<128x128xf32, #tpu.memory_space<vmem>>) target(%dma_start3A_71 : memref<128x128xf32, #tpu.memory_space<hbm>>) target_semaphore(%arg19 : memref<!tpu.dma_semaphore, #tpu.memory_space<semaphore_mem>>)
    %add3A_72 = arith.constant 0 : i32
    %add3A_73 = arith.addi %mul3A_2, %add3A_72 : i32
    %dma_wait3A_74 = arith.constant 0 : i32
    %dma_wait3A_75 = tpu.memref_slice %arg7[%arg0, %add3A_73, %dma_wait3A_74] : memref<2x10240x128xf32, #tpu.memory_space<hbm>> -> memref<1x128x128xf32, #tpu.memory_space<hbm>>
    %dma_wait3A_76 = tpu.memref_squeeze %dma_wait3A_75 : memref<1x128x128xf32, #tpu.memory_space<hbm>> -> memref<128x128xf32, #tpu.memory_space<hbm>>
    %dma_wait3A_77 = arith.constant 0 : i32
    %dma_wait3A_78 = tpu.memref_slice %arg7[%arg0, %add3A_73, %dma_wait3A_77] : memref<2x10240x128xf32, #tpu.memory_space<hbm>> -> memref<1x128x128xf32, #tpu.memory_space<hbm>>
    %dma_wait3A_79 = tpu.memref_squeeze %dma_wait3A_78 : memref<1x128x128xf32, #tpu.memory_space<hbm>> -> memref<128x128xf32, #tpu.memory_space<hbm>>
    tpu.wait_dma2 semaphore(%arg19 : memref<!tpu.dma_semaphore, #tpu.memory_space<semaphore_mem>>) src(%arg13 : memref<128x128xf32, #tpu.memory_space<vmem>>) dst(%dma_wait3A_79 : memref<128x128xf32, #tpu.memory_space<hbm>>)
    %add3A_80 = arith.constant 256 : i32
    %add3A_81 = arith.addi %mul3A_2, %add3A_80 : i32
    %dma_start3A_82 = arith.constant 0 : i32
    %dma_start3A_83 = tpu.memref_slice %arg9[%add3A_81, %dma_start3A_82] : memref<10240x128xf32, #tpu.memory_space<vmem_shared>> -> memref<128x128xf32, #tpu.memory_space<vmem_shared>>
    %dma_start3A_84 = arith.constant 0 : i32
    %dma_start3A_85 = tpu.memref_slice %arg9[%add3A_81, %dma_start3A_84] : memref<10240x128xf32, #tpu.memory_space<vmem_shared>> -> memref<128x128xf32, #tpu.memory_space<vmem_shared>>
    tpu.enqueue_dma source(%dma_start3A_85 : memref<128x128xf32, #tpu.memory_space<vmem_shared>>) target(%arg13 : memref<128x128xf32, #tpu.memory_space<vmem>>) target_semaphore(%arg17 : memref<!tpu.dma_semaphore, #tpu.memory_space<semaphore_mem>>)
    %add3A_86 = arith.constant 128 : i32
    %add3A_87 = arith.addi %mul3A_2, %add3A_86 : i32
    %dma_wait3A_88 = arith.constant 0 : i32
    %dma_wait3A_89 = tpu.memref_slice %arg9[%add3A_87, %dma_wait3A_88] : memref<10240x128xf32, #tpu.memory_space<vmem_shared>> -> memref<128x128xf32, #tpu.memory_space<vmem_shared>>
    %dma_wait3A_90 = arith.constant 0 : i32
    %dma_wait3A_91 = tpu.memref_slice %arg9[%add3A_87, %dma_wait3A_90] : memref<10240x128xf32, #tpu.memory_space<vmem_shared>> -> memref<128x128xf32, #tpu.memory_space<vmem_shared>>
    tpu.wait_dma2 semaphore(%arg18 : memref<!tpu.dma_semaphore, #tpu.memory_space<semaphore_mem>>) src(%dma_wait3A_91 : memref<128x128xf32, #tpu.memory_space<vmem_shared>>) dst(%arg14 : memref<128x128xf32, #tpu.memory_space<vmem>>)
    %add3A_92 = arith.constant 128 : i32
    %add3A_93 = arith.addi %mul3A_2, %add3A_92 : i32
    %dma_start3A_94 = arith.constant 0 : i32
    %dma_start3A_95 = tpu.memref_slice %arg7[%arg0, %add3A_93, %dma_start3A_94] : memref<2x10240x128xf32, #tpu.memory_space<hbm>> -> memref<1x128x128xf32, #tpu.memory_space<hbm>>
    %dma_start3A_96 = tpu.memref_squeeze %dma_start3A_95 : memref<1x128x128xf32, #tpu.memory_space<hbm>> -> memref<128x128xf32, #tpu.memory_space<hbm>>
    %dma_start3A_97 = arith.constant 0 : i32
    %dma_start3A_98 = tpu.memref_slice %arg7[%arg0, %add3A_93, %dma_start3A_97] : memref<2x10240x128xf32, #tpu.memory_space<hbm>> -> memref<1x128x128xf32, #tpu.memory_space<hbm>>
    %dma_start3A_99 = tpu.memref_squeeze %dma_start3A_98 : memref<1x128x128xf32, #tpu.memory_space<hbm>> -> memref<128x128xf32, #tpu.memory_space<hbm>>
    tpu.enqueue_dma source(%arg14 : memref<128x128xf32, #tpu.memory_space<vmem>>) target(%dma_start3A_99 : memref<128x128xf32, #tpu.memory_space<hbm>>) target_semaphore(%arg20 : memref<!tpu.dma_semaphore, #tpu.memory_space<semaphore_mem>>)
    %add3A_100 = arith.constant 128 : i32
    %add3A_101 = arith.addi %mul3A_2, %add3A_100 : i32
    %dma_wait3A_102 = arith.constant 0 : i32
    %dma_wait3A_103 = tpu.memref_slice %arg7[%arg0, %add3A_101, %dma_wait3A_102] : memref<2x10240x128xf32, #tpu.memory_space<hbm>> -> memref<1x128x128xf32, #tpu.memory_space<hbm>>
    %dma_wait3A_104 = tpu.memref_squeeze %dma_wait3A_103 : memref<1x128x128xf32, #tpu.memory_space<hbm>> -> memref<128x128xf32, #tpu.memory_space<hbm>>
    %dma_wait3A_105 = arith.constant 0 : i32
    %dma_wait3A_106 = tpu.memref_slice %arg7[%arg0, %add3A_101, %dma_wait3A_105] : memref<2x10240x128xf32, #tpu.memory_space<hbm>> -> memref<1x128x128xf32, #tpu.memory_space<hbm>>
    %dma_wait3A_107 = tpu.memref_squeeze %dma_wait3A_106 : memref<1x128x128xf32, #tpu.memory_space<hbm>> -> memref<128x128xf32, #tpu.memory_space<hbm>>
    tpu.wait_dma2 semaphore(%arg20 : memref<!tpu.dma_semaphore, #tpu.memory_space<semaphore_mem>>) src(%arg14 : memref<128x128xf32, #tpu.memory_space<vmem>>) dst(%dma_wait3A_107 : memref<128x128xf32, #tpu.memory_space<hbm>>)
    %add3A_108 = arith.constant 384 : i32
    %add3A_109 = arith.addi %mul3A_2, %add3A_108 : i32
    %dma_start3A_110 = arith.constant 0 : i32
    %dma_start3A_111 = tpu.memref_slice %arg9[%add3A_109, %dma_start3A_110] : memref<10240x128xf32, #tpu.memory_space<vmem_shared>> -> memref<128x128xf32, #tpu.memory_space<vmem_shared>>
    %dma_start3A_112 = arith.constant 0 : i32
    %dma_start3A_113 = tpu.memref_slice %arg9[%add3A_109, %dma_start3A_112] : memref<10240x128xf32, #tpu.memory_space<vmem_shared>> -> memref<128x128xf32, #tpu.memory_space<vmem_shared>>
    tpu.enqueue_dma source(%dma_start3A_113 : memref<128x128xf32, #tpu.memory_space<vmem_shared>>) target(%arg14 : memref<128x128xf32, #tpu.memory_space<vmem>>) target_semaphore(%arg18 : memref<!tpu.dma_semaphore, #tpu.memory_space<semaphore_mem>>)
    %add3A_114 = arith.constant 256 : i32
    %add3A_115 = arith.addi %mul3A_2, %add3A_114 : i32
    %dma_wait3A_116 = arith.constant 0 : i32
    %dma_wait3A_117 = tpu.memref_slice %arg9[%add3A_115, %dma_wait3A_116] : memref<10240x128xf32, #tpu.memory_space<vmem_shared>> -> memref<128x128xf32, #tpu.memory_space<vmem_shared>>
    %dma_wait3A_118 = arith.constant 0 : i32
    %dma_wait3A_119 = tpu.memref_slice %arg9[%add3A_115, %dma_wait3A_118] : memref<10240x128xf32, #tpu.memory_space<vmem_shared>> -> memref<128x128xf32, #tpu.memory_space<vmem_shared>>
    tpu.wait_dma2 semaphore(%arg17 : memref<!tpu.dma_semaphore, #tpu.memory_space<semaphore_mem>>) src(%dma_wait3A_119 : memref<128x128xf32, #tpu.memory_space<vmem_shared>>) dst(%arg13 : memref<128x128xf32, #tpu.memory_space<vmem>>)
    %add3A_120 = arith.constant 256 : i32
    %add3A_121 = arith.addi %mul3A_2, %add3A_120 : i32
    %dma_start3A_122 = arith.constant 0 : i32
    %dma_start3A_123 = tpu.memref_slice %arg7[%arg0, %add3A_121, %dma_start3A_122] : memref<2x10240x128xf32, #tpu.memory_space<hbm>> -> memref<1x128x128xf32, #tpu.memory_space<hbm>>
    %dma_start3A_124 = tpu.memref_squeeze %dma_start3A_123 : memref<1x128x128xf32, #tpu.memory_space<hbm>> -> memref<128x128xf32, #tpu.memory_space<hbm>>
    %dma_start3A_125 = arith.constant 0 : i32
    %dma_start3A_126 = tpu.memref_slice %arg7[%arg0, %add3A_121, %dma_start3A_125] : memref<2x10240x128xf32, #tpu.memory_space<hbm>> -> memref<1x128x128xf32, #tpu.memory_space<hbm>>
    %dma_start3A_127 = tpu.memref_squeeze %dma_start3A_126 : memref<1x128x128xf32, #tpu.memory_space<hbm>> -> memref<128x128xf32, #tpu.memory_space<hbm>>
    tpu.enqueue_dma source(%arg13 : memref<128x128xf32, #tpu.memory_space<vmem>>) target(%dma_start3A_127 : memref<128x128xf32, #tpu.memory_space<hbm>>) target_semaphore(%arg19 : memref<!tpu.dma_semaphore, #tpu.memory_space<semaphore_mem>>)
    %add3A_128 = arith.constant 256 : i32
    %add3A_129 = arith.addi %mul3A_2, %add3A_128 : i32
    %dma_wait3A_130 = arith.constant 0 : i32
    %dma_wait3A_131 = tpu.memref_slice %arg7[%arg0, %add3A_129, %dma_wait3A_130] : memref<2x10240x128xf32, #tpu.memory_space<hbm>> -> memref<1x128x128xf32, #tpu.memory_space<hbm>>
    %dma_wait3A_132 = tpu.memref_squeeze %dma_wait3A_131 : memref<1x128x128xf32, #tpu.memory_space<hbm>> -> memref<128x128xf32, #tpu.memory_space<hbm>>
    %dma_wait3A_133 = arith.constant 0 : i32
    %dma_wait3A_134 = tpu.memref_slice %arg7[%arg0, %add3A_129, %dma_wait3A_133] : memref<2x10240x128xf32, #tpu.memory_space<hbm>> -> memref<1x128x128xf32, #tpu.memory_space<hbm>>
    %dma_wait3A_135 = tpu.memref_squeeze %dma_wait3A_134 : memref<1x128x128xf32, #tpu.memory_space<hbm>> -> memref<128x128xf32, #tpu.memory_space<hbm>>
    tpu.wait_dma2 semaphore(%arg19 : memref<!tpu.dma_semaphore, #tpu.memory_space<semaphore_mem>>) src(%arg13 : memref<128x128xf32, #tpu.memory_space<vmem>>) dst(%dma_wait3A_135 : memref<128x128xf32, #tpu.memory_space<hbm>>)
    %add3A_136 = arith.constant 512 : i32
    %add3A_137 = arith.addi %mul3A_2, %add3A_136 : i32
    %dma_start3A_138 = arith.constant 0 : i32
    %dma_start3A_139 = tpu.memref_slice %arg9[%add3A_137, %dma_start3A_138] : memref<10240x128xf32, #tpu.memory_space<vmem_shared>> -> memref<128x128xf32, #tpu.memory_space<vmem_shared>>
    %dma_start3A_140 = arith.constant 0 : i32
    %dma_start3A_141 = tpu.memref_slice %arg9[%add3A_137, %dma_start3A_140] : memref<10240x128xf32, #tpu.memory_space<vmem_shared>> -> memref<128x128xf32, #tpu.memory_space<vmem_shared>>
    tpu.enqueue_dma source(%dma_start3A_141 : memref<128x128xf32, #tpu.memory_space<vmem_shared>>) target(%arg13 : memref<128x128xf32, #tpu.memory_space<vmem>>) target_semaphore(%arg17 : memref<!tpu.dma_semaphore, #tpu.memory_space<semaphore_mem>>)
    %add3A_142 = arith.constant 384 : i32
    %add3A_143 = arith.addi %mul3A_2, %add3A_142 : i32
    %dma_wait3A_144 = arith.constant 0 : i32
    %dma_wait3A_145 = tpu.memref_slice %arg9[%add3A_143, %dma_wait3A_144] : memref<10240x128xf32, #tpu.memory_space<vmem_shared>> -> memref<128x128xf32, #tpu.memory_space<vmem_shared>>
    %dma_wait3A_146 = arith.constant 0 : i32
    %dma_wait3A_147 = tpu.memref_slice %arg9[%add3A_143, %dma_wait3A_146] : memref<10240x128xf32, #tpu.memory_space<vmem_shared>> -> memref<128x128xf32, #tpu.memory_space<vmem_shared>>
    tpu.wait_dma2 semaphore(%arg18 : memref<!tpu.dma_semaphore, #tpu.memory_space<semaphore_mem>>) src(%dma_wait3A_147 : memref<128x128xf32, #tpu.memory_space<vmem_shared>>) dst(%arg14 : memref<128x128xf32, #tpu.memory_space<vmem>>)
    %add3A_148 = arith.constant 384 : i32
    %add3A_149 = arith.addi %mul3A_2, %add3A_148 : i32
    %dma_start3A_150 = arith.constant 0 : i32
    %dma_start3A_151 = tpu.memref_slice %arg7[%arg0, %add3A_149, %dma_start3A_150] : memref<2x10240x128xf32, #tpu.memory_space<hbm>> -> memref<1x128x128xf32, #tpu.memory_space<hbm>>
    %dma_start3A_152 = tpu.memref_squeeze %dma_start3A_151 : memref<1x128x128xf32, #tpu.memory_space<hbm>> -> memref<128x128xf32, #tpu.memory_space<hbm>>
    %dma_start3A_153 = arith.constant 0 : i32
    %dma_start3A_154 = tpu.memref_slice %arg7[%arg0, %add3A_149, %dma_start3A_153] : memref<2x10240x128xf32, #tpu.memory_space<hbm>> -> memref<1x128x128xf32, #tpu.memory_space<hbm>>
    %dma_start3A_155 = tpu.memref_squeeze %dma_start3A_154 : memref<1x128x128xf32, #tpu.memory_space<hbm>> -> memref<128x128xf32, #tpu.memory_space<hbm>>
    tpu.enqueue_dma source(%arg14 : memref<128x128xf32, #tpu.memory_space<vmem>>) target(%dma_start3A_155 : memref<128x128xf32, #tpu.memory_space<hbm>>) target_semaphore(%arg20 : memref<!tpu.dma_semaphore, #tpu.memory_space<semaphore_mem>>)
    %add3A_156 = arith.constant 384 : i32
    %add3A_157 = arith.addi %mul3A_2, %add3A_156 : i32
    %dma_wait3A_158 = arith.constant 0 : i32
    %dma_wait3A_159 = tpu.memref_slice %arg7[%arg0, %add3A_157, %dma_wait3A_158] : memref<2x10240x128xf32, #tpu.memory_space<hbm>> -> memref<1x128x128xf32, #tpu.memory_space<hbm>>
    %dma_wait3A_160 = tpu.memref_squeeze %dma_wait3A_159 : memref<1x128x128xf32, #tpu.memory_space<hbm>> -> memref<128x128xf32, #tpu.memory_space<hbm>>
    %dma_wait3A_161 = arith.constant 0 : i32
    %dma_wait3A_162 = tpu.memref_slice %arg7[%arg0, %add3A_157, %dma_wait3A_161] : memref<2x10240x128xf32, #tpu.memory_space<hbm>> -> memref<1x128x128xf32, #tpu.memory_space<hbm>>
    %dma_wait3A_163 = tpu.memref_squeeze %dma_wait3A_162 : memref<1x128x128xf32, #tpu.memory_space<hbm>> -> memref<128x128xf32, #tpu.memory_space<hbm>>
    tpu.wait_dma2 semaphore(%arg20 : memref<!tpu.dma_semaphore, #tpu.memory_space<semaphore_mem>>) src(%arg14 : memref<128x128xf32, #tpu.memory_space<vmem>>) dst(%dma_wait3A_163 : memref<128x128xf32, #tpu.memory_space<hbm>>)
    %add3A_164 = arith.constant 512 : i32
    %add3A_165 = arith.addi %mul3A_2, %add3A_164 : i32
    %dma_wait3A_166 = arith.constant 0 : i32
    %dma_wait3A_167 = tpu.memref_slice %arg9[%add3A_165, %dma_wait3A_166] : memref<10240x128xf32, #tpu.memory_space<vmem_shared>> -> memref<128x128xf32, #tpu.memory_space<vmem_shared>>
    %dma_wait3A_168 = arith.constant 0 : i32
    %dma_wait3A_169 = tpu.memref_slice %arg9[%add3A_165, %dma_wait3A_168] : memref<10240x128xf32, #tpu.memory_space<vmem_shared>> -> memref<128x128xf32, #tpu.memory_space<vmem_shared>>
    tpu.wait_dma2 semaphore(%arg17 : memref<!tpu.dma_semaphore, #tpu.memory_space<semaphore_mem>>) src(%dma_wait3A_169 : memref<128x128xf32, #tpu.memory_space<vmem_shared>>) dst(%arg13 : memref<128x128xf32, #tpu.memory_space<vmem>>)
    %add3A_170 = arith.constant 512 : i32
    %add3A_171 = arith.addi %mul3A_2, %add3A_170 : i32
    %dma_start3A_172 = arith.constant 0 : i32
    %dma_start3A_173 = tpu.memref_slice %arg7[%arg0, %add3A_171, %dma_start3A_172] : memref<2x10240x128xf32, #tpu.memory_space<hbm>> -> memref<1x128x128xf32, #tpu.memory_space<hbm>>
    %dma_start3A_174 = tpu.memref_squeeze %dma_start3A_173 : memref<1x128x128xf32, #tpu.memory_space<hbm>> -> memref<128x128xf32, #tpu.memory_space<hbm>>
    %dma_start3A_175 = arith.constant 0 : i32
    %dma_start3A_176 = tpu.memref_slice %arg7[%arg0, %add3A_171, %dma_start3A_175] : memref<2x10240x128xf32, #tpu.memory_space<hbm>> -> memref<1x128x128xf32, #tpu.memory_space<hbm>>
    %dma_start3A_177 = tpu.memref_squeeze %dma_start3A_176 : memref<1x128x128xf32, #tpu.memory_space<hbm>> -> memref<128x128xf32, #tpu.memory_space<hbm>>
    tpu.enqueue_dma source(%arg13 : memref<128x128xf32, #tpu.memory_space<vmem>>) target(%dma_start3A_177 : memref<128x128xf32, #tpu.memory_space<hbm>>) target_semaphore(%arg19 : memref<!tpu.dma_semaphore, #tpu.memory_space<semaphore_mem>>)
    %add3A_178 = arith.constant 512 : i32
    %add3A_179 = arith.addi %mul3A_2, %add3A_178 : i32
    %dma_wait3A_180 = arith.constant 0 : i32
    %dma_wait3A_181 = tpu.memref_slice %arg7[%arg0, %add3A_179, %dma_wait3A_180] : memref<2x10240x128xf32, #tpu.memory_space<hbm>> -> memref<1x128x128xf32, #tpu.memory_space<hbm>>
    %dma_wait3A_182 = tpu.memref_squeeze %dma_wait3A_181 : memref<1x128x128xf32, #tpu.memory_space<hbm>> -> memref<128x128xf32, #tpu.memory_space<hbm>>
    %dma_wait3A_183 = arith.constant 0 : i32
    %dma_wait3A_184 = tpu.memref_slice %arg7[%arg0, %add3A_179, %dma_wait3A_183] : memref<2x10240x128xf32, #tpu.memory_space<hbm>> -> memref<1x128x128xf32, #tpu.memory_space<hbm>>
    %dma_wait3A_185 = tpu.memref_squeeze %dma_wait3A_184 : memref<1x128x128xf32, #tpu.memory_space<hbm>> -> memref<128x128xf32, #tpu.memory_space<hbm>>
    tpu.wait_dma2 semaphore(%arg19 : memref<!tpu.dma_semaphore, #tpu.memory_space<semaphore_mem>>) src(%arg13 : memref<128x128xf32, #tpu.memory_space<vmem>>) dst(%dma_wait3A_185 : memref<128x128xf32, #tpu.memory_space<hbm>>)
    return
  }
}

#map = affine_map<(d0, d1) -> (0, 0)>
#map1 = affine_map<(d0, d1) -> (0, 0, 0, 0, 0)>
#map2 = affine_map<(d0, d1) -> (0, 0, 0)>
module attributes {stable_mosaic.version = 14 : i64} {
  func.func @body(%arg0: i32, %arg1: i32, %arg2: memref<10000x128xf32, #tpu.memory_space<hbm>>, %arg3: memref<32x40x2x2x128xi32, #tpu.memory_space<hbm>>, %arg4: memref<64x128xf32, #tpu.memory_space<hbm>>, %arg5: memref<2x10240x128xf32, #tpu.memory_space<hbm>>, %arg6: memref<10240x128xf32, #tpu.memory_space<vmem_shared>>, %arg7: memref<2x2x128xi32, #tpu.memory_space<vmem>>, %arg8: memref<2x2x128xi32, #tpu.memory_space<vmem>>, %arg9: memref<128x128xf32, #tpu.memory_space<vmem>>, %arg10: memref<128x128xf32, #tpu.memory_space<vmem>>, %arg11: memref<64x128xf32, #tpu.memory_space<vmem>>, %arg12: memref<!tpu.dma_semaphore, #tpu.memory_space<semaphore_mem>>, %arg13: memref<!tpu.dma_semaphore, #tpu.memory_space<semaphore_mem>>, %arg14: memref<!tpu.dma_semaphore, #tpu.memory_space<semaphore_mem>>, %arg15: memref<!tpu.dma_semaphore, #tpu.memory_space<semaphore_mem>>) attributes {dimension_semantics = [#tpu.dimension_semantics<core_parallel>, #tpu.dimension_semantics<subcore_parallel>], iteration_bounds = array<i64: 2, 16>, scalar_prefetch = 0 : i64, scratch_operands = 10 : i64, tpu.core_type = #tpu.core_type<sc_vector_subcore>, window_params = [{transform_indices = #map}, {transform_indices = #map1}, {transform_indices = #map}, {transform_indices = #map2}]} {
    %mul3A = arith.constant 2 : i32
    %mul3A_0 = arith.muli %arg1, %mul3A : i32
    %add3A = arith.addi %mul3A_0, %arg0 : i32
    %mul3A_1 = arith.constant 640 : i32
    %mul3A_2 = arith.muli %arg1, %mul3A_1 : i32
    %run_scoped3A = arith.constant 0 : i32
    "tpu.region"() ({
      %run_scoped3A_180 = tpu.sem_alloc : memref<!tpu.dma_semaphore, #tpu.memory_space<semaphore_mem>>
      %dma_start3A_181 = arith.constant 0 : i32
      %dma_start3A_182 = arith.constant 0 : i32
      %dma_start3A_183 = arith.constant 0 : i32
      %dma_start3A_184 = tpu.memref_slice %arg3[%add3A, %run_scoped3A, %dma_start3A_181, %dma_start3A_182, %dma_start3A_183] : memref<32x40x2x2x128xi32, #tpu.memory_space<hbm>> -> memref<1x1x2x2x128xi32, #tpu.memory_space<hbm>>
      %dma_start3A_185 = tpu.memref_squeeze %dma_start3A_184 : memref<1x1x2x2x128xi32, #tpu.memory_space<hbm>> -> memref<2x2x128xi32, #tpu.memory_space<hbm>>
      %dma_start3A_186 = arith.constant 0 : i32
      %dma_start3A_187 = arith.constant 0 : i32
      %dma_start3A_188 = arith.constant 0 : i32
      %dma_start3A_189 = tpu.memref_slice %arg3[%add3A, %run_scoped3A, %dma_start3A_186, %dma_start3A_187, %dma_start3A_188] : memref<32x40x2x2x128xi32, #tpu.memory_space<hbm>> -> memref<1x1x2x2x128xi32, #tpu.memory_space<hbm>>
      %dma_start3A_190 = tpu.memref_squeeze %dma_start3A_189 : memref<1x1x2x2x128xi32, #tpu.memory_space<hbm>> -> memref<2x2x128xi32, #tpu.memory_space<hbm>>
      tpu.enqueue_dma source(%dma_start3A_190 : memref<2x2x128xi32, #tpu.memory_space<hbm>>) target(%arg7 : memref<2x2x128xi32, #tpu.memory_space<vmem>>) target_semaphore(%run_scoped3A_180 : memref<!tpu.dma_semaphore, #tpu.memory_space<semaphore_mem>>)
      %dma_wait3A_191 = arith.constant 0 : i32
      %dma_wait3A_192 = arith.constant 0 : i32
      %dma_wait3A_193 = arith.constant 0 : i32
      %dma_wait3A_194 = tpu.memref_slice %arg3[%add3A, %run_scoped3A, %dma_wait3A_191, %dma_wait3A_192, %dma_wait3A_193] : memref<32x40x2x2x128xi32, #tpu.memory_space<hbm>> -> memref<1x1x2x2x128xi32, #tpu.memory_space<hbm>>
      %dma_wait3A_195 = tpu.memref_squeeze %dma_wait3A_194 : memref<1x1x2x2x128xi32, #tpu.memory_space<hbm>> -> memref<2x2x128xi32, #tpu.memory_space<hbm>>
      %dma_wait3A_196 = arith.constant 0 : i32
      %dma_wait3A_197 = arith.constant 0 : i32
      %dma_wait3A_198 = arith.constant 0 : i32
      %dma_wait3A_199 = tpu.memref_slice %arg3[%add3A, %run_scoped3A, %dma_wait3A_196, %dma_wait3A_197, %dma_wait3A_198] : memref<32x40x2x2x128xi32, #tpu.memory_space<hbm>> -> memref<1x1x2x2x128xi32, #tpu.memory_space<hbm>>
      %dma_wait3A_200 = tpu.memref_squeeze %dma_wait3A_199 : memref<1x1x2x2x128xi32, #tpu.memory_space<hbm>> -> memref<2x2x128xi32, #tpu.memory_space<hbm>>
      tpu.wait_dma2 semaphore(%run_scoped3A_180 : memref<!tpu.dma_semaphore, #tpu.memory_space<semaphore_mem>>) src(%dma_wait3A_200 : memref<2x2x128xi32, #tpu.memory_space<hbm>>) dst(%arg7 : memref<2x2x128xi32, #tpu.memory_space<vmem>>)
      tpu.yield
    }) : () -> ()
    %dma_start3A = arith.constant 0 : i32
    %dma_start3A_3 = arith.constant 0 : i32
    %dma_start3A_4 = arith.constant 0 : i32
    %dma_start3A_5 = tpu.memref_slice %arg7[%dma_start3A, %dma_start3A_3, %dma_start3A_4] : memref<2x2x128xi32, #tpu.memory_space<vmem>> -> memref<1x1x128xi32, #tpu.memory_space<vmem>>
    %dma_start3A_6 = tpu.memref_squeeze %dma_start3A_5 : memref<1x1x128xi32, #tpu.memory_space<vmem>> -> memref<128xi32, #tpu.memory_space<vmem>>
    %dma_start3A_7 = arith.constant 0 : i32
    %dma_start3A_8 = arith.constant 0 : i32
    %dma_start3A_9 = tpu.memref_slice %arg2[%dma_start3A_7, %dma_start3A_8] : memref<10000x128xf32, #tpu.memory_space<hbm>> -> memref<10000x128xf32, #tpu.memory_space<hbm>>
    tpu.enqueue_indirect_dma source(%dma_start3A_9 : memref<10000x128xf32, #tpu.memory_space<hbm>>) target(%arg9 : memref<128x128xf32, #tpu.memory_space<vmem>>) offsets(%dma_start3A_6 : memref<128xi32, #tpu.memory_space<vmem>>) semaphore(%arg12 : memref<!tpu.dma_semaphore, #tpu.memory_space<semaphore_mem>>)
    %dma_start3A_10 = arith.constant 1 : i32
    %dma_start3A_11 = arith.constant 0 : i32
    %dma_start3A_12 = arith.constant 0 : i32
    %dma_start3A_13 = tpu.memref_slice %arg7[%dma_start3A_10, %dma_start3A_11, %dma_start3A_12] : memref<2x2x128xi32, #tpu.memory_space<vmem>> -> memref<1x1x128xi32, #tpu.memory_space<vmem>>
    %dma_start3A_14 = tpu.memref_squeeze %dma_start3A_13 : memref<1x1x128xi32, #tpu.memory_space<vmem>> -> memref<128xi32, #tpu.memory_space<vmem>>
    %dma_start3A_15 = arith.constant 0 : i32
    %dma_start3A_16 = arith.constant 0 : i32
    %dma_start3A_17 = tpu.memref_slice %arg2[%dma_start3A_15, %dma_start3A_16] : memref<10000x128xf32, #tpu.memory_space<hbm>> -> memref<10000x128xf32, #tpu.memory_space<hbm>>
    tpu.enqueue_indirect_dma source(%dma_start3A_17 : memref<10000x128xf32, #tpu.memory_space<hbm>>) target(%arg10 : memref<128x128xf32, #tpu.memory_space<vmem>>) offsets(%dma_start3A_14 : memref<128xi32, #tpu.memory_space<vmem>>) semaphore(%arg13 : memref<!tpu.dma_semaphore, #tpu.memory_space<semaphore_mem>>)
    %dma_start3A_18 = arith.constant 1 : i32
    %dma_start3A_19 = arith.constant 0 : i32
    %dma_start3A_20 = arith.constant 0 : i32
    %dma_start3A_21 = arith.constant 0 : i32
    %dma_start3A_22 = tpu.memref_slice %arg3[%add3A, %dma_start3A_18, %dma_start3A_19, %dma_start3A_20, %dma_start3A_21] : memref<32x40x2x2x128xi32, #tpu.memory_space<hbm>> -> memref<1x1x2x2x128xi32, #tpu.memory_space<hbm>>
    %dma_start3A_23 = tpu.memref_squeeze %dma_start3A_22 : memref<1x1x2x2x128xi32, #tpu.memory_space<hbm>> -> memref<2x2x128xi32, #tpu.memory_space<hbm>>
    %dma_start3A_24 = arith.constant 0 : i32
    %dma_start3A_25 = arith.constant 0 : i32
    %dma_start3A_26 = arith.constant 0 : i32
    %dma_start3A_27 = tpu.memref_slice %arg3[%add3A, %dma_start3A_18, %dma_start3A_24, %dma_start3A_25, %dma_start3A_26] : memref<32x40x2x2x128xi32, #tpu.memory_space<hbm>> -> memref<1x1x2x2x128xi32, #tpu.memory_space<hbm>>
    %dma_start3A_28 = tpu.memref_squeeze %dma_start3A_27 : memref<1x1x2x2x128xi32, #tpu.memory_space<hbm>> -> memref<2x2x128xi32, #tpu.memory_space<hbm>>
    tpu.enqueue_dma source(%dma_start3A_28 : memref<2x2x128xi32, #tpu.memory_space<hbm>>) target(%arg8 : memref<2x2x128xi32, #tpu.memory_space<vmem>>) target_semaphore(%arg15 : memref<!tpu.dma_semaphore, #tpu.memory_space<semaphore_mem>>)
    "tpu.region"() ({
      %run_scoped3A_180 = tpu.sem_alloc : memref<!tpu.dma_semaphore, #tpu.memory_space<semaphore_mem>>
      tpu.enqueue_dma source(%arg4 : memref<64x128xf32, #tpu.memory_space<hbm>>) target(%arg11 : memref<64x128xf32, #tpu.memory_space<vmem>>) target_semaphore(%run_scoped3A_180 : memref<!tpu.dma_semaphore, #tpu.memory_space<semaphore_mem>>)
      tpu.wait_dma2 semaphore(%run_scoped3A_180 : memref<!tpu.dma_semaphore, #tpu.memory_space<semaphore_mem>>) src(%arg4 : memref<64x128xf32, #tpu.memory_space<hbm>>) dst(%arg11 : memref<64x128xf32, #tpu.memory_space<vmem>>)
      tpu.yield
    }) : () -> ()
    %scan3A = arith.constant 0 : i32
    %scan3A_29 = arith.constant 0 : i32
    %scan3A_30 = arith.constant 10 : i32
    %scan3A_31 = arith.addi %scan3A_29, %scan3A_30 : i32
    %scan3A_32 = arith.constant 1 : i32
    scf.for %scan3A_180 = %scan3A_29 to %scan3A_31 step %scan3A_32  : i32 {
      %mul3A_181 = arith.constant 64 : i32
      %mul3A_182 = arith.muli %scan3A_180, %mul3A_181 : i32
      %add3A_183 = arith.addi %mul3A_2, %mul3A_182 : i32
      "tpu.region"() ({
        %run_scoped3A_184 = tpu.sem_alloc : memref<!tpu.dma_semaphore, #tpu.memory_space<semaphore_mem>>
        %dma_start3A_185 = arith.constant 0 : i32
        %dma_start3A_186 = tpu.memref_slice %arg6[%add3A_183, %dma_start3A_185] : memref<10240x128xf32, #tpu.memory_space<vmem_shared>> -> memref<64x128xf32, #tpu.memory_space<vmem_shared>>
        %dma_start3A_187 = arith.constant 0 : i32
        %dma_start3A_188 = tpu.memref_slice %arg6[%add3A_183, %dma_start3A_187] : memref<10240x128xf32, #tpu.memory_space<vmem_shared>> -> memref<64x128xf32, #tpu.memory_space<vmem_shared>>
        tpu.enqueue_dma source(%arg11 : memref<64x128xf32, #tpu.memory_space<vmem>>) target(%dma_start3A_188 : memref<64x128xf32, #tpu.memory_space<vmem_shared>>) target_semaphore(%run_scoped3A_184 : memref<!tpu.dma_semaphore, #tpu.memory_space<semaphore_mem>>)
        %dma_wait3A_189 = arith.constant 0 : i32
        %dma_wait3A_190 = tpu.memref_slice %arg6[%add3A_183, %dma_wait3A_189] : memref<10240x128xf32, #tpu.memory_space<vmem_shared>> -> memref<64x128xf32, #tpu.memory_space<vmem_shared>>
        %dma_wait3A_191 = arith.constant 0 : i32
        %dma_wait3A_192 = tpu.memref_slice %arg6[%add3A_183, %dma_wait3A_191] : memref<10240x128xf32, #tpu.memory_space<vmem_shared>> -> memref<64x128xf32, #tpu.memory_space<vmem_shared>>
        tpu.wait_dma2 semaphore(%run_scoped3A_184 : memref<!tpu.dma_semaphore, #tpu.memory_space<semaphore_mem>>) src(%arg11 : memref<64x128xf32, #tpu.memory_space<vmem>>) dst(%dma_wait3A_192 : memref<64x128xf32, #tpu.memory_space<vmem_shared>>)
        tpu.yield
      }) : () -> ()
    }
    %scan3A_33 = arith.constant 10 : i32
    %barrier3A = arith.constant 0 : index
    tpu.barrier barrier_id(%barrier3A)
    %scan3A_34 = arith.constant 0 : i32
    %scan3A_35 = arith.constant 0 : i32
    %scan3A_36 = arith.constant 20 : i32
    %scan3A_37 = arith.addi %scan3A_35, %scan3A_36 : i32
    %scan3A_38 = arith.constant 1 : i32
    scf.for %scan3A_180 = %scan3A_35 to %scan3A_37 step %scan3A_38  : i32 {
      %dma_wait3A_181 = arith.constant 0 : i32
      %dma_wait3A_182 = arith.constant 0 : i32
      %dma_wait3A_183 = arith.constant 0 : i32
      %dma_wait3A_184 = tpu.memref_slice %arg7[%dma_wait3A_181, %dma_wait3A_182, %dma_wait3A_183] : memref<2x2x128xi32, #tpu.memory_space<vmem>> -> memref<1x1x128xi32, #tpu.memory_space<vmem>>
      %dma_wait3A_185 = tpu.memref_squeeze %dma_wait3A_184 : memref<1x1x128xi32, #tpu.memory_space<vmem>> -> memref<128xi32, #tpu.memory_space<vmem>>
      %dma_wait3A_186 = arith.constant 0 : i32
      %dma_wait3A_187 = arith.constant 0 : i32
      %dma_wait3A_188 = tpu.memref_slice %arg2[%dma_wait3A_186, %dma_wait3A_187] : memref<10000x128xf32, #tpu.memory_space<hbm>> -> memref<10000x128xf32, #tpu.memory_space<hbm>>
      tpu.wait_indirect_dma semaphore(%arg12 : memref<!tpu.dma_semaphore, #tpu.memory_space<semaphore_mem>>) src(%dma_wait3A_188 : memref<10000x128xf32, #tpu.memory_space<hbm>>) dst(%arg9 : memref<128x128xf32, #tpu.memory_space<vmem>>)
      %run_scoped3A_189 = arith.constant 0 : i32
      %run_scoped3A_190 = arith.constant 1 : i32
      "tpu.region"() ({
        %run_scoped3A_260 = tpu.sem_alloc : memref<!tpu.dma_semaphore, #tpu.memory_space<semaphore_mem>>
        %dma_start3A_261 = arith.constant 0 : i32
        %dma_start3A_262 = tpu.memref_slice %arg7[%run_scoped3A_189, %run_scoped3A_190, %dma_start3A_261] : memref<2x2x128xi32, #tpu.memory_space<vmem>> -> memref<1x1x128xi32, #tpu.memory_space<vmem>>
        %dma_start3A_263 = tpu.memref_squeeze %dma_start3A_262 : memref<1x1x128xi32, #tpu.memory_space<vmem>> -> memref<128xi32, #tpu.memory_space<vmem>>
        %dma_start3A_264 = arith.constant 0 : i32
        %dma_start3A_265 = arith.constant 0 : i32
        %dma_start3A_266 = tpu.memref_slice %arg6[%dma_start3A_264, %dma_start3A_265] : memref<10240x128xf32, #tpu.memory_space<vmem_shared>> -> memref<10240x128xf32, #tpu.memory_space<vmem_shared>>
        tpu.enqueue_indirect_dma source(%arg9 : memref<128x128xf32, #tpu.memory_space<vmem>>) target(%dma_start3A_266 : memref<10240x128xf32, #tpu.memory_space<vmem_shared>>) offsets(%dma_start3A_263 : memref<128xi32, #tpu.memory_space<vmem>>) semaphore(%run_scoped3A_260 : memref<!tpu.dma_semaphore, #tpu.memory_space<semaphore_mem>>) {add = true}
        %dma_wait3A_267 = arith.constant 0 : i32
        %dma_wait3A_268 = tpu.memref_slice %arg7[%run_scoped3A_189, %run_scoped3A_190, %dma_wait3A_267] : memref<2x2x128xi32, #tpu.memory_space<vmem>> -> memref<1x1x128xi32, #tpu.memory_space<vmem>>
        %dma_wait3A_269 = tpu.memref_squeeze %dma_wait3A_268 : memref<1x1x128xi32, #tpu.memory_space<vmem>> -> memref<128xi32, #tpu.memory_space<vmem>>
        %dma_wait3A_270 = arith.constant 0 : i32
        %dma_wait3A_271 = arith.constant 0 : i32
        %dma_wait3A_272 = tpu.memref_slice %arg6[%dma_wait3A_270, %dma_wait3A_271] : memref<10240x128xf32, #tpu.memory_space<vmem_shared>> -> memref<10240x128xf32, #tpu.memory_space<vmem_shared>>
        tpu.wait_indirect_dma semaphore(%run_scoped3A_260 : memref<!tpu.dma_semaphore, #tpu.memory_space<semaphore_mem>>) src(%arg9 : memref<128x128xf32, #tpu.memory_space<vmem>>) dst(%dma_wait3A_272 : memref<10240x128xf32, #tpu.memory_space<vmem_shared>>)
        tpu.yield
      }) : () -> ()
      %dma_wait3A_191 = arith.constant 0 : i32
      %dma_wait3A_192 = arith.constant 0 : i32
      %dma_wait3A_193 = arith.constant 0 : i32
      %dma_wait3A_194 = arith.constant 0 : i32
      %dma_wait3A_195 = tpu.memref_slice %arg3[%add3A, %dma_wait3A_191, %dma_wait3A_192, %dma_wait3A_193, %dma_wait3A_194] : memref<32x40x2x2x128xi32, #tpu.memory_space<hbm>> -> memref<1x1x2x2x128xi32, #tpu.memory_space<hbm>>
      %dma_wait3A_196 = tpu.memref_squeeze %dma_wait3A_195 : memref<1x1x2x2x128xi32, #tpu.memory_space<hbm>> -> memref<2x2x128xi32, #tpu.memory_space<hbm>>
      %dma_wait3A_197 = arith.constant 0 : i32
      %dma_wait3A_198 = arith.constant 0 : i32
      %dma_wait3A_199 = arith.constant 0 : i32
      %dma_wait3A_200 = tpu.memref_slice %arg3[%add3A, %dma_wait3A_191, %dma_wait3A_197, %dma_wait3A_198, %dma_wait3A_199] : memref<32x40x2x2x128xi32, #tpu.memory_space<hbm>> -> memref<1x1x2x2x128xi32, #tpu.memory_space<hbm>>
      %dma_wait3A_201 = tpu.memref_squeeze %dma_wait3A_200 : memref<1x1x2x2x128xi32, #tpu.memory_space<hbm>> -> memref<2x2x128xi32, #tpu.memory_space<hbm>>
      tpu.wait_dma2 semaphore(%arg15 : memref<!tpu.dma_semaphore, #tpu.memory_space<semaphore_mem>>) src(%dma_wait3A_201 : memref<2x2x128xi32, #tpu.memory_space<hbm>>) dst(%arg8 : memref<2x2x128xi32, #tpu.memory_space<vmem>>)
      %dma_start3A_202 = arith.constant 0 : i32
      %dma_start3A_203 = arith.constant 0 : i32
      %dma_start3A_204 = arith.constant 0 : i32
      %dma_start3A_205 = tpu.memref_slice %arg8[%dma_start3A_202, %dma_start3A_203, %dma_start3A_204] : memref<2x2x128xi32, #tpu.memory_space<vmem>> -> memref<1x1x128xi32, #tpu.memory_space<vmem>>
      %dma_start3A_206 = tpu.memref_squeeze %dma_start3A_205 : memref<1x1x128xi32, #tpu.memory_space<vmem>> -> memref<128xi32, #tpu.memory_space<vmem>>
      %dma_start3A_207 = arith.constant 0 : i32
      %dma_start3A_208 = arith.constant 0 : i32
      %dma_start3A_209 = tpu.memref_slice %arg2[%dma_start3A_207, %dma_start3A_208] : memref<10000x128xf32, #tpu.memory_space<hbm>> -> memref<10000x128xf32, #tpu.memory_space<hbm>>
      tpu.enqueue_indirect_dma source(%dma_start3A_209 : memref<10000x128xf32, #tpu.memory_space<hbm>>) target(%arg9 : memref<128x128xf32, #tpu.memory_space<vmem>>) offsets(%dma_start3A_206 : memref<128xi32, #tpu.memory_space<vmem>>) semaphore(%arg12 : memref<!tpu.dma_semaphore, #tpu.memory_space<semaphore_mem>>)
      %dma_wait3A_210 = arith.constant 1 : i32
      %dma_wait3A_211 = arith.constant 0 : i32
      %dma_wait3A_212 = arith.constant 0 : i32
      %dma_wait3A_213 = tpu.memref_slice %arg7[%dma_wait3A_210, %dma_wait3A_211, %dma_wait3A_212] : memref<2x2x128xi32, #tpu.memory_space<vmem>> -> memref<1x1x128xi32, #tpu.memory_space<vmem>>
      %dma_wait3A_214 = tpu.memref_squeeze %dma_wait3A_213 : memref<1x1x128xi32, #tpu.memory_space<vmem>> -> memref<128xi32, #tpu.memory_space<vmem>>
      %dma_wait3A_215 = arith.constant 0 : i32
      %dma_wait3A_216 = arith.constant 0 : i32
      %dma_wait3A_217 = tpu.memref_slice %arg2[%dma_wait3A_215, %dma_wait3A_216] : memref<10000x128xf32, #tpu.memory_space<hbm>> -> memref<10000x128xf32, #tpu.memory_space<hbm>>
      tpu.wait_indirect_dma semaphore(%arg13 : memref<!tpu.dma_semaphore, #tpu.memory_space<semaphore_mem>>) src(%dma_wait3A_217 : memref<10000x128xf32, #tpu.memory_space<hbm>>) dst(%arg10 : memref<128x128xf32, #tpu.memory_space<vmem>>)
      %run_scoped3A_218 = arith.constant 1 : i32
      %run_scoped3A_219 = arith.constant 1 : i32
      "tpu.region"() ({
        %run_scoped3A_260 = tpu.sem_alloc : memref<!tpu.dma_semaphore, #tpu.memory_space<semaphore_mem>>
        %dma_start3A_261 = arith.constant 0 : i32
        %dma_start3A_262 = tpu.memref_slice %arg7[%run_scoped3A_218, %run_scoped3A_219, %dma_start3A_261] : memref<2x2x128xi32, #tpu.memory_space<vmem>> -> memref<1x1x128xi32, #tpu.memory_space<vmem>>
        %dma_start3A_263 = tpu.memref_squeeze %dma_start3A_262 : memref<1x1x128xi32, #tpu.memory_space<vmem>> -> memref<128xi32, #tpu.memory_space<vmem>>
        %dma_start3A_264 = arith.constant 0 : i32
        %dma_start3A_265 = arith.constant 0 : i32
        %dma_start3A_266 = tpu.memref_slice %arg6[%dma_start3A_264, %dma_start3A_265] : memref<10240x128xf32, #tpu.memory_space<vmem_shared>> -> memref<10240x128xf32, #tpu.memory_space<vmem_shared>>
        tpu.enqueue_indirect_dma source(%arg10 : memref<128x128xf32, #tpu.memory_space<vmem>>) target(%dma_start3A_266 : memref<10240x128xf32, #tpu.memory_space<vmem_shared>>) offsets(%dma_start3A_263 : memref<128xi32, #tpu.memory_space<vmem>>) semaphore(%run_scoped3A_260 : memref<!tpu.dma_semaphore, #tpu.memory_space<semaphore_mem>>) {add = true}
        %dma_wait3A_267 = arith.constant 0 : i32
        %dma_wait3A_268 = tpu.memref_slice %arg7[%run_scoped3A_218, %run_scoped3A_219, %dma_wait3A_267] : memref<2x2x128xi32, #tpu.memory_space<vmem>> -> memref<1x1x128xi32, #tpu.memory_space<vmem>>
        %dma_wait3A_269 = tpu.memref_squeeze %dma_wait3A_268 : memref<1x1x128xi32, #tpu.memory_space<vmem>> -> memref<128xi32, #tpu.memory_space<vmem>>
        %dma_wait3A_270 = arith.constant 0 : i32
        %dma_wait3A_271 = arith.constant 0 : i32
        %dma_wait3A_272 = tpu.memref_slice %arg6[%dma_wait3A_270, %dma_wait3A_271] : memref<10240x128xf32, #tpu.memory_space<vmem_shared>> -> memref<10240x128xf32, #tpu.memory_space<vmem_shared>>
        tpu.wait_indirect_dma semaphore(%run_scoped3A_260 : memref<!tpu.dma_semaphore, #tpu.memory_space<semaphore_mem>>) src(%arg10 : memref<128x128xf32, #tpu.memory_space<vmem>>) dst(%dma_wait3A_272 : memref<10240x128xf32, #tpu.memory_space<vmem_shared>>)
        tpu.yield
      }) : () -> ()
      %lt3A = arith.constant 19 : i32
      %lt3A_220 = arith.cmpi slt, %scan3A_180, %lt3A : i32
      %convert_element_type3A = arith.extui %lt3A_220 : i1 to i32
      %cond3A = arith.constant 0 : i32
      %cond3A_221 = arith.cmpi ne, %convert_element_type3A, %cond3A : i32
      scf.if %cond3A_221 {
        %mul3A_260 = arith.constant 2 : i32
        %mul3A_261 = arith.muli %mul3A_260, %scan3A_180 : i32
        %add3A_262 = arith.constant 2 : i32
        %add3A_263 = arith.addi %mul3A_261, %add3A_262 : i32
        %dma_start3A_264 = arith.constant 0 : i32
        %dma_start3A_265 = arith.constant 0 : i32
        %dma_start3A_266 = arith.constant 0 : i32
        %dma_start3A_267 = tpu.memref_slice %arg3[%add3A, %add3A_263, %dma_start3A_264, %dma_start3A_265, %dma_start3A_266] : memref<32x40x2x2x128xi32, #tpu.memory_space<hbm>> -> memref<1x1x2x2x128xi32, #tpu.memory_space<hbm>>
        %dma_start3A_268 = tpu.memref_squeeze %dma_start3A_267 : memref<1x1x2x2x128xi32, #tpu.memory_space<hbm>> -> memref<2x2x128xi32, #tpu.memory_space<hbm>>
        %dma_start3A_269 = arith.constant 0 : i32
        %dma_start3A_270 = arith.constant 0 : i32
        %dma_start3A_271 = arith.constant 0 : i32
        %dma_start3A_272 = tpu.memref_slice %arg3[%add3A, %add3A_263, %dma_start3A_269, %dma_start3A_270, %dma_start3A_271] : memref<32x40x2x2x128xi32, #tpu.memory_space<hbm>> -> memref<1x1x2x2x128xi32, #tpu.memory_space<hbm>>
        %dma_start3A_273 = tpu.memref_squeeze %dma_start3A_272 : memref<1x1x2x2x128xi32, #tpu.memory_space<hbm>> -> memref<2x2x128xi32, #tpu.memory_space<hbm>>
        tpu.enqueue_dma source(%dma_start3A_273 : memref<2x2x128xi32, #tpu.memory_space<hbm>>) target(%arg7 : memref<2x2x128xi32, #tpu.memory_space<vmem>>) target_semaphore(%arg14 : memref<!tpu.dma_semaphore, #tpu.memory_space<semaphore_mem>>)
      } else {
      }
      %dma_start3A_222 = arith.constant 1 : i32
      %dma_start3A_223 = arith.constant 0 : i32
      %dma_start3A_224 = arith.constant 0 : i32
      %dma_start3A_225 = tpu.memref_slice %arg8[%dma_start3A_222, %dma_start3A_223, %dma_start3A_224] : memref<2x2x128xi32, #tpu.memory_space<vmem>> -> memref<1x1x128xi32, #tpu.memory_space<vmem>>
      %dma_start3A_226 = tpu.memref_squeeze %dma_start3A_225 : memref<1x1x128xi32, #tpu.memory_space<vmem>> -> memref<128xi32, #tpu.memory_space<vmem>>
      %dma_start3A_227 = arith.constant 0 : i32
      %dma_start3A_228 = arith.constant 0 : i32
      %dma_start3A_229 = tpu.memref_slice %arg2[%dma_start3A_227, %dma_start3A_228] : memref<10000x128xf32, #tpu.memory_space<hbm>> -> memref<10000x128xf32, #tpu.memory_space<hbm>>
      tpu.enqueue_indirect_dma source(%dma_start3A_229 : memref<10000x128xf32, #tpu.memory_space<hbm>>) target(%arg10 : memref<128x128xf32, #tpu.memory_space<vmem>>) offsets(%dma_start3A_226 : memref<128xi32, #tpu.memory_space<vmem>>) semaphore(%arg13 : memref<!tpu.dma_semaphore, #tpu.memory_space<semaphore_mem>>)
      %dma_wait3A_230 = arith.constant 0 : i32
      %dma_wait3A_231 = arith.constant 0 : i32
      %dma_wait3A_232 = arith.constant 0 : i32
      %dma_wait3A_233 = tpu.memref_slice %arg8[%dma_wait3A_230, %dma_wait3A_231, %dma_wait3A_232] : memref<2x2x128xi32, #tpu.memory_space<vmem>> -> memref<1x1x128xi32, #tpu.memory_space<vmem>>
      %dma_wait3A_234 = tpu.memref_squeeze %dma_wait3A_233 : memref<1x1x128xi32, #tpu.memory_space<vmem>> -> memref<128xi32, #tpu.memory_space<vmem>>
      %dma_wait3A_235 = arith.constant 0 : i32
      %dma_wait3A_236 = arith.constant 0 : i32
      %dma_wait3A_237 = tpu.memref_slice %arg2[%dma_wait3A_235, %dma_wait3A_236] : memref<10000x128xf32, #tpu.memory_space<hbm>> -> memref<10000x128xf32, #tpu.memory_space<hbm>>
      tpu.wait_indirect_dma semaphore(%arg12 : memref<!tpu.dma_semaphore, #tpu.memory_space<semaphore_mem>>) src(%dma_wait3A_237 : memref<10000x128xf32, #tpu.memory_space<hbm>>) dst(%arg9 : memref<128x128xf32, #tpu.memory_space<vmem>>)
      %run_scoped3A_238 = arith.constant 0 : i32
      %run_scoped3A_239 = arith.constant 1 : i32
      "tpu.region"() ({
        %run_scoped3A_260 = tpu.sem_alloc : memref<!tpu.dma_semaphore, #tpu.memory_space<semaphore_mem>>
        %dma_start3A_261 = arith.constant 0 : i32
        %dma_start3A_262 = tpu.memref_slice %arg8[%run_scoped3A_238, %run_scoped3A_239, %dma_start3A_261] : memref<2x2x128xi32, #tpu.memory_space<vmem>> -> memref<1x1x128xi32, #tpu.memory_space<vmem>>
        %dma_start3A_263 = tpu.memref_squeeze %dma_start3A_262 : memref<1x1x128xi32, #tpu.memory_space<vmem>> -> memref<128xi32, #tpu.memory_space<vmem>>
        %dma_start3A_264 = arith.constant 0 : i32
        %dma_start3A_265 = arith.constant 0 : i32
        %dma_start3A_266 = tpu.memref_slice %arg6[%dma_start3A_264, %dma_start3A_265] : memref<10240x128xf32, #tpu.memory_space<vmem_shared>> -> memref<10240x128xf32, #tpu.memory_space<vmem_shared>>
        tpu.enqueue_indirect_dma source(%arg9 : memref<128x128xf32, #tpu.memory_space<vmem>>) target(%dma_start3A_266 : memref<10240x128xf32, #tpu.memory_space<vmem_shared>>) offsets(%dma_start3A_263 : memref<128xi32, #tpu.memory_space<vmem>>) semaphore(%run_scoped3A_260 : memref<!tpu.dma_semaphore, #tpu.memory_space<semaphore_mem>>) {add = true}
        %dma_wait3A_267 = arith.constant 0 : i32
        %dma_wait3A_268 = tpu.memref_slice %arg8[%run_scoped3A_238, %run_scoped3A_239, %dma_wait3A_267] : memref<2x2x128xi32, #tpu.memory_space<vmem>> -> memref<1x1x128xi32, #tpu.memory_space<vmem>>
        %dma_wait3A_269 = tpu.memref_squeeze %dma_wait3A_268 : memref<1x1x128xi32, #tpu.memory_space<vmem>> -> memref<128xi32, #tpu.memory_space<vmem>>
        %dma_wait3A_270 = arith.constant 0 : i32
        %dma_wait3A_271 = arith.constant 0 : i32
        %dma_wait3A_272 = tpu.memref_slice %arg6[%dma_wait3A_270, %dma_wait3A_271] : memref<10240x128xf32, #tpu.memory_space<vmem_shared>> -> memref<10240x128xf32, #tpu.memory_space<vmem_shared>>
        tpu.wait_indirect_dma semaphore(%run_scoped3A_260 : memref<!tpu.dma_semaphore, #tpu.memory_space<semaphore_mem>>) src(%arg9 : memref<128x128xf32, #tpu.memory_space<vmem>>) dst(%dma_wait3A_272 : memref<10240x128xf32, #tpu.memory_space<vmem_shared>>)
        tpu.yield
      }) : () -> ()
      %lt3A_240 = arith.constant 19 : i32
      %lt3A_241 = arith.cmpi slt, %scan3A_180, %lt3A_240 : i32
      %convert_element_type3A_242 = arith.extui %lt3A_241 : i1 to i32
      %cond3A_243 = arith.constant 0 : i32
      %cond3A_244 = arith.cmpi ne, %convert_element_type3A_242, %cond3A_243 : i32
      scf.if %cond3A_244 {
        %dma_wait3A_260 = arith.constant 0 : i32
        %dma_wait3A_261 = arith.constant 0 : i32
        %dma_wait3A_262 = arith.constant 0 : i32
        %dma_wait3A_263 = arith.constant 0 : i32
        %dma_wait3A_264 = tpu.memref_slice %arg3[%add3A, %dma_wait3A_260, %dma_wait3A_261, %dma_wait3A_262, %dma_wait3A_263] : memref<32x40x2x2x128xi32, #tpu.memory_space<hbm>> -> memref<1x1x2x2x128xi32, #tpu.memory_space<hbm>>
        %dma_wait3A_265 = tpu.memref_squeeze %dma_wait3A_264 : memref<1x1x2x2x128xi32, #tpu.memory_space<hbm>> -> memref<2x2x128xi32, #tpu.memory_space<hbm>>
        %dma_wait3A_266 = arith.constant 0 : i32
        %dma_wait3A_267 = arith.constant 0 : i32
        %dma_wait3A_268 = arith.constant 0 : i32
        %dma_wait3A_269 = tpu.memref_slice %arg3[%add3A, %dma_wait3A_260, %dma_wait3A_266, %dma_wait3A_267, %dma_wait3A_268] : memref<32x40x2x2x128xi32, #tpu.memory_space<hbm>> -> memref<1x1x2x2x128xi32, #tpu.memory_space<hbm>>
        %dma_wait3A_270 = tpu.memref_squeeze %dma_wait3A_269 : memref<1x1x2x2x128xi32, #tpu.memory_space<hbm>> -> memref<2x2x128xi32, #tpu.memory_space<hbm>>
        tpu.wait_dma2 semaphore(%arg14 : memref<!tpu.dma_semaphore, #tpu.memory_space<semaphore_mem>>) src(%dma_wait3A_270 : memref<2x2x128xi32, #tpu.memory_space<hbm>>) dst(%arg7 : memref<2x2x128xi32, #tpu.memory_space<vmem>>)
        %dma_start3A_271 = arith.constant 0 : i32
        %dma_start3A_272 = arith.constant 0 : i32
        %dma_start3A_273 = arith.constant 0 : i32
        %dma_start3A_274 = tpu.memref_slice %arg7[%dma_start3A_271, %dma_start3A_272, %dma_start3A_273] : memref<2x2x128xi32, #tpu.memory_space<vmem>> -> memref<1x1x128xi32, #tpu.memory_space<vmem>>
        %dma_start3A_275 = tpu.memref_squeeze %dma_start3A_274 : memref<1x1x128xi32, #tpu.memory_space<vmem>> -> memref<128xi32, #tpu.memory_space<vmem>>
        %dma_start3A_276 = arith.constant 0 : i32
        %dma_start3A_277 = arith.constant 0 : i32
        %dma_start3A_278 = tpu.memref_slice %arg2[%dma_start3A_276, %dma_start3A_277] : memref<10000x128xf32, #tpu.memory_space<hbm>> -> memref<10000x128xf32, #tpu.memory_space<hbm>>
        tpu.enqueue_indirect_dma source(%dma_start3A_278 : memref<10000x128xf32, #tpu.memory_space<hbm>>) target(%arg9 : memref<128x128xf32, #tpu.memory_space<vmem>>) offsets(%dma_start3A_275 : memref<128xi32, #tpu.memory_space<vmem>>) semaphore(%arg12 : memref<!tpu.dma_semaphore, #tpu.memory_space<semaphore_mem>>)
      } else {
      }
      %dma_wait3A_245 = arith.constant 1 : i32
      %dma_wait3A_246 = arith.constant 0 : i32
      %dma_wait3A_247 = arith.constant 0 : i32
      %dma_wait3A_248 = tpu.memref_slice %arg8[%dma_wait3A_245, %dma_wait3A_246, %dma_wait3A_247] : memref<2x2x128xi32, #tpu.memory_space<vmem>> -> memref<1x1x128xi32, #tpu.memory_space<vmem>>
      %dma_wait3A_249 = tpu.memref_squeeze %dma_wait3A_248 : memref<1x1x128xi32, #tpu.memory_space<vmem>> -> memref<128xi32, #tpu.memory_space<vmem>>
      %dma_wait3A_250 = arith.constant 0 : i32
      %dma_wait3A_251 = arith.constant 0 : i32
      %dma_wait3A_252 = tpu.memref_slice %arg2[%dma_wait3A_250, %dma_wait3A_251] : memref<10000x128xf32, #tpu.memory_space<hbm>> -> memref<10000x128xf32, #tpu.memory_space<hbm>>
      tpu.wait_indirect_dma semaphore(%arg13 : memref<!tpu.dma_semaphore, #tpu.memory_space<semaphore_mem>>) src(%dma_wait3A_252 : memref<10000x128xf32, #tpu.memory_space<hbm>>) dst(%arg10 : memref<128x128xf32, #tpu.memory_space<vmem>>)
      %run_scoped3A_253 = arith.constant 1 : i32
      %run_scoped3A_254 = arith.constant 1 : i32
      "tpu.region"() ({
        %run_scoped3A_260 = tpu.sem_alloc : memref<!tpu.dma_semaphore, #tpu.memory_space<semaphore_mem>>
        %dma_start3A_261 = arith.constant 0 : i32
        %dma_start3A_262 = tpu.memref_slice %arg8[%run_scoped3A_253, %run_scoped3A_254, %dma_start3A_261] : memref<2x2x128xi32, #tpu.memory_space<vmem>> -> memref<1x1x128xi32, #tpu.memory_space<vmem>>
        %dma_start3A_263 = tpu.memref_squeeze %dma_start3A_262 : memref<1x1x128xi32, #tpu.memory_space<vmem>> -> memref<128xi32, #tpu.memory_space<vmem>>
        %dma_start3A_264 = arith.constant 0 : i32
        %dma_start3A_265 = arith.constant 0 : i32
        %dma_start3A_266 = tpu.memref_slice %arg6[%dma_start3A_264, %dma_start3A_265] : memref<10240x128xf32, #tpu.memory_space<vmem_shared>> -> memref<10240x128xf32, #tpu.memory_space<vmem_shared>>
        tpu.enqueue_indirect_dma source(%arg10 : memref<128x128xf32, #tpu.memory_space<vmem>>) target(%dma_start3A_266 : memref<10240x128xf32, #tpu.memory_space<vmem_shared>>) offsets(%dma_start3A_263 : memref<128xi32, #tpu.memory_space<vmem>>) semaphore(%run_scoped3A_260 : memref<!tpu.dma_semaphore, #tpu.memory_space<semaphore_mem>>) {add = true}
        %dma_wait3A_267 = arith.constant 0 : i32
        %dma_wait3A_268 = tpu.memref_slice %arg8[%run_scoped3A_253, %run_scoped3A_254, %dma_wait3A_267] : memref<2x2x128xi32, #tpu.memory_space<vmem>> -> memref<1x1x128xi32, #tpu.memory_space<vmem>>
        %dma_wait3A_269 = tpu.memref_squeeze %dma_wait3A_268 : memref<1x1x128xi32, #tpu.memory_space<vmem>> -> memref<128xi32, #tpu.memory_space<vmem>>
        %dma_wait3A_270 = arith.constant 0 : i32
        %dma_wait3A_271 = arith.constant 0 : i32
        %dma_wait3A_272 = tpu.memref_slice %arg6[%dma_wait3A_270, %dma_wait3A_271] : memref<10240x128xf32, #tpu.memory_space<vmem_shared>> -> memref<10240x128xf32, #tpu.memory_space<vmem_shared>>
        tpu.wait_indirect_dma semaphore(%run_scoped3A_260 : memref<!tpu.dma_semaphore, #tpu.memory_space<semaphore_mem>>) src(%arg10 : memref<128x128xf32, #tpu.memory_space<vmem>>) dst(%dma_wait3A_272 : memref<10240x128xf32, #tpu.memory_space<vmem_shared>>)
        tpu.yield
      }) : () -> ()
      %lt3A_255 = arith.constant 19 : i32
      %lt3A_256 = arith.cmpi slt, %scan3A_180, %lt3A_255 : i32
      %convert_element_type3A_257 = arith.extui %lt3A_256 : i1 to i32
      %cond3A_258 = arith.constant 0 : i32
      %cond3A_259 = arith.cmpi ne, %convert_element_type3A_257, %cond3A_258 : i32
      scf.if %cond3A_259 {
        %mul3A_260 = arith.constant 2 : i32
        %mul3A_261 = arith.muli %mul3A_260, %scan3A_180 : i32
        %add3A_262 = arith.constant 3 : i32
        %add3A_263 = arith.addi %mul3A_261, %add3A_262 : i32
        %dma_start3A_264 = arith.constant 0 : i32
        %dma_start3A_265 = arith.constant 0 : i32
        %dma_start3A_266 = arith.constant 0 : i32
        %dma_start3A_267 = tpu.memref_slice %arg3[%add3A, %add3A_263, %dma_start3A_264, %dma_start3A_265, %dma_start3A_266] : memref<32x40x2x2x128xi32, #tpu.memory_space<hbm>> -> memref<1x1x2x2x128xi32, #tpu.memory_space<hbm>>
        %dma_start3A_268 = tpu.memref_squeeze %dma_start3A_267 : memref<1x1x2x2x128xi32, #tpu.memory_space<hbm>> -> memref<2x2x128xi32, #tpu.memory_space<hbm>>
        %dma_start3A_269 = arith.constant 0 : i32
        %dma_start3A_270 = arith.constant 0 : i32
        %dma_start3A_271 = arith.constant 0 : i32
        %dma_start3A_272 = tpu.memref_slice %arg3[%add3A, %add3A_263, %dma_start3A_269, %dma_start3A_270, %dma_start3A_271] : memref<32x40x2x2x128xi32, #tpu.memory_space<hbm>> -> memref<1x1x2x2x128xi32, #tpu.memory_space<hbm>>
        %dma_start3A_273 = tpu.memref_squeeze %dma_start3A_272 : memref<1x1x2x2x128xi32, #tpu.memory_space<hbm>> -> memref<2x2x128xi32, #tpu.memory_space<hbm>>
        tpu.enqueue_dma source(%dma_start3A_273 : memref<2x2x128xi32, #tpu.memory_space<hbm>>) target(%arg8 : memref<2x2x128xi32, #tpu.memory_space<vmem>>) target_semaphore(%arg15 : memref<!tpu.dma_semaphore, #tpu.memory_space<semaphore_mem>>)
        %dma_start3A_274 = arith.constant 1 : i32
        %dma_start3A_275 = arith.constant 0 : i32
        %dma_start3A_276 = arith.constant 0 : i32
        %dma_start3A_277 = tpu.memref_slice %arg7[%dma_start3A_274, %dma_start3A_275, %dma_start3A_276] : memref<2x2x128xi32, #tpu.memory_space<vmem>> -> memref<1x1x128xi32, #tpu.memory_space<vmem>>
        %dma_start3A_278 = tpu.memref_squeeze %dma_start3A_277 : memref<1x1x128xi32, #tpu.memory_space<vmem>> -> memref<128xi32, #tpu.memory_space<vmem>>
        %dma_start3A_279 = arith.constant 0 : i32
        %dma_start3A_280 = arith.constant 0 : i32
        %dma_start3A_281 = tpu.memref_slice %arg2[%dma_start3A_279, %dma_start3A_280] : memref<10000x128xf32, #tpu.memory_space<hbm>> -> memref<10000x128xf32, #tpu.memory_space<hbm>>
        tpu.enqueue_indirect_dma source(%dma_start3A_281 : memref<10000x128xf32, #tpu.memory_space<hbm>>) target(%arg10 : memref<128x128xf32, #tpu.memory_space<vmem>>) offsets(%dma_start3A_278 : memref<128xi32, #tpu.memory_space<vmem>>) semaphore(%arg13 : memref<!tpu.dma_semaphore, #tpu.memory_space<semaphore_mem>>)
      } else {
      }
    }
    %scan3A_39 = arith.constant 20 : i32
    %barrier3A_40 = arith.constant 0 : index
    tpu.barrier barrier_id(%barrier3A_40)
    %add3A_41 = arith.constant 0 : i32
    %add3A_42 = arith.addi %mul3A_2, %add3A_41 : i32
    %dma_start3A_43 = arith.constant 0 : i32
    %dma_start3A_44 = tpu.memref_slice %arg6[%add3A_42, %dma_start3A_43] : memref<10240x128xf32, #tpu.memory_space<vmem_shared>> -> memref<128x128xf32, #tpu.memory_space<vmem_shared>>
    %dma_start3A_45 = arith.constant 0 : i32
    %dma_start3A_46 = tpu.memref_slice %arg6[%add3A_42, %dma_start3A_45] : memref<10240x128xf32, #tpu.memory_space<vmem_shared>> -> memref<128x128xf32, #tpu.memory_space<vmem_shared>>
    tpu.enqueue_dma source(%dma_start3A_46 : memref<128x128xf32, #tpu.memory_space<vmem_shared>>) target(%arg9 : memref<128x128xf32, #tpu.memory_space<vmem>>) target_semaphore(%arg12 : memref<!tpu.dma_semaphore, #tpu.memory_space<semaphore_mem>>)
    %add3A_47 = arith.constant 128 : i32
    %add3A_48 = arith.addi %mul3A_2, %add3A_47 : i32
    %dma_start3A_49 = arith.constant 0 : i32
    %dma_start3A_50 = tpu.memref_slice %arg6[%add3A_48, %dma_start3A_49] : memref<10240x128xf32, #tpu.memory_space<vmem_shared>> -> memref<128x128xf32, #tpu.memory_space<vmem_shared>>
    %dma_start3A_51 = arith.constant 0 : i32
    %dma_start3A_52 = tpu.memref_slice %arg6[%add3A_48, %dma_start3A_51] : memref<10240x128xf32, #tpu.memory_space<vmem_shared>> -> memref<128x128xf32, #tpu.memory_space<vmem_shared>>
    tpu.enqueue_dma source(%dma_start3A_52 : memref<128x128xf32, #tpu.memory_space<vmem_shared>>) target(%arg10 : memref<128x128xf32, #tpu.memory_space<vmem>>) target_semaphore(%arg13 : memref<!tpu.dma_semaphore, #tpu.memory_space<semaphore_mem>>)
    %add3A_53 = arith.constant 0 : i32
    %add3A_54 = arith.addi %mul3A_2, %add3A_53 : i32
    %dma_wait3A = arith.constant 0 : i32
    %dma_wait3A_55 = tpu.memref_slice %arg6[%add3A_54, %dma_wait3A] : memref<10240x128xf32, #tpu.memory_space<vmem_shared>> -> memref<128x128xf32, #tpu.memory_space<vmem_shared>>
    %dma_wait3A_56 = arith.constant 0 : i32
    %dma_wait3A_57 = tpu.memref_slice %arg6[%add3A_54, %dma_wait3A_56] : memref<10240x128xf32, #tpu.memory_space<vmem_shared>> -> memref<128x128xf32, #tpu.memory_space<vmem_shared>>
    tpu.wait_dma2 semaphore(%arg12 : memref<!tpu.dma_semaphore, #tpu.memory_space<semaphore_mem>>) src(%dma_wait3A_57 : memref<128x128xf32, #tpu.memory_space<vmem_shared>>) dst(%arg9 : memref<128x128xf32, #tpu.memory_space<vmem>>)
    %add3A_58 = arith.constant 0 : i32
    %add3A_59 = arith.addi %mul3A_2, %add3A_58 : i32
    %dma_start3A_60 = arith.constant 0 : i32
    %dma_start3A_61 = tpu.memref_slice %arg5[%arg0, %add3A_59, %dma_start3A_60] : memref<2x10240x128xf32, #tpu.memory_space<hbm>> -> memref<1x128x128xf32, #tpu.memory_space<hbm>>
    %dma_start3A_62 = tpu.memref_squeeze %dma_start3A_61 : memref<1x128x128xf32, #tpu.memory_space<hbm>> -> memref<128x128xf32, #tpu.memory_space<hbm>>
    %dma_start3A_63 = arith.constant 0 : i32
    %dma_start3A_64 = tpu.memref_slice %arg5[%arg0, %add3A_59, %dma_start3A_63] : memref<2x10240x128xf32, #tpu.memory_space<hbm>> -> memref<1x128x128xf32, #tpu.memory_space<hbm>>
    %dma_start3A_65 = tpu.memref_squeeze %dma_start3A_64 : memref<1x128x128xf32, #tpu.memory_space<hbm>> -> memref<128x128xf32, #tpu.memory_space<hbm>>
    tpu.enqueue_dma source(%arg9 : memref<128x128xf32, #tpu.memory_space<vmem>>) target(%dma_start3A_65 : memref<128x128xf32, #tpu.memory_space<hbm>>) target_semaphore(%arg14 : memref<!tpu.dma_semaphore, #tpu.memory_space<semaphore_mem>>)
    %add3A_66 = arith.constant 0 : i32
    %add3A_67 = arith.addi %mul3A_2, %add3A_66 : i32
    %dma_wait3A_68 = arith.constant 0 : i32
    %dma_wait3A_69 = tpu.memref_slice %arg5[%arg0, %add3A_67, %dma_wait3A_68] : memref<2x10240x128xf32, #tpu.memory_space<hbm>> -> memref<1x128x128xf32, #tpu.memory_space<hbm>>
    %dma_wait3A_70 = tpu.memref_squeeze %dma_wait3A_69 : memref<1x128x128xf32, #tpu.memory_space<hbm>> -> memref<128x128xf32, #tpu.memory_space<hbm>>
    %dma_wait3A_71 = arith.constant 0 : i32
    %dma_wait3A_72 = tpu.memref_slice %arg5[%arg0, %add3A_67, %dma_wait3A_71] : memref<2x10240x128xf32, #tpu.memory_space<hbm>> -> memref<1x128x128xf32, #tpu.memory_space<hbm>>
    %dma_wait3A_73 = tpu.memref_squeeze %dma_wait3A_72 : memref<1x128x128xf32, #tpu.memory_space<hbm>> -> memref<128x128xf32, #tpu.memory_space<hbm>>
    tpu.wait_dma2 semaphore(%arg14 : memref<!tpu.dma_semaphore, #tpu.memory_space<semaphore_mem>>) src(%arg9 : memref<128x128xf32, #tpu.memory_space<vmem>>) dst(%dma_wait3A_73 : memref<128x128xf32, #tpu.memory_space<hbm>>)
    %add3A_74 = arith.constant 256 : i32
    %add3A_75 = arith.addi %mul3A_2, %add3A_74 : i32
    %dma_start3A_76 = arith.constant 0 : i32
    %dma_start3A_77 = tpu.memref_slice %arg6[%add3A_75, %dma_start3A_76] : memref<10240x128xf32, #tpu.memory_space<vmem_shared>> -> memref<128x128xf32, #tpu.memory_space<vmem_shared>>
    %dma_start3A_78 = arith.constant 0 : i32
    %dma_start3A_79 = tpu.memref_slice %arg6[%add3A_75, %dma_start3A_78] : memref<10240x128xf32, #tpu.memory_space<vmem_shared>> -> memref<128x128xf32, #tpu.memory_space<vmem_shared>>
    tpu.enqueue_dma source(%dma_start3A_79 : memref<128x128xf32, #tpu.memory_space<vmem_shared>>) target(%arg9 : memref<128x128xf32, #tpu.memory_space<vmem>>) target_semaphore(%arg12 : memref<!tpu.dma_semaphore, #tpu.memory_space<semaphore_mem>>)
    %add3A_80 = arith.constant 128 : i32
    %add3A_81 = arith.addi %mul3A_2, %add3A_80 : i32
    %dma_wait3A_82 = arith.constant 0 : i32
    %dma_wait3A_83 = tpu.memref_slice %arg6[%add3A_81, %dma_wait3A_82] : memref<10240x128xf32, #tpu.memory_space<vmem_shared>> -> memref<128x128xf32, #tpu.memory_space<vmem_shared>>
    %dma_wait3A_84 = arith.constant 0 : i32
    %dma_wait3A_85 = tpu.memref_slice %arg6[%add3A_81, %dma_wait3A_84] : memref<10240x128xf32, #tpu.memory_space<vmem_shared>> -> memref<128x128xf32, #tpu.memory_space<vmem_shared>>
    tpu.wait_dma2 semaphore(%arg13 : memref<!tpu.dma_semaphore, #tpu.memory_space<semaphore_mem>>) src(%dma_wait3A_85 : memref<128x128xf32, #tpu.memory_space<vmem_shared>>) dst(%arg10 : memref<128x128xf32, #tpu.memory_space<vmem>>)
    %add3A_86 = arith.constant 128 : i32
    %add3A_87 = arith.addi %mul3A_2, %add3A_86 : i32
    %dma_start3A_88 = arith.constant 0 : i32
    %dma_start3A_89 = tpu.memref_slice %arg5[%arg0, %add3A_87, %dma_start3A_88] : memref<2x10240x128xf32, #tpu.memory_space<hbm>> -> memref<1x128x128xf32, #tpu.memory_space<hbm>>
    %dma_start3A_90 = tpu.memref_squeeze %dma_start3A_89 : memref<1x128x128xf32, #tpu.memory_space<hbm>> -> memref<128x128xf32, #tpu.memory_space<hbm>>
    %dma_start3A_91 = arith.constant 0 : i32
    %dma_start3A_92 = tpu.memref_slice %arg5[%arg0, %add3A_87, %dma_start3A_91] : memref<2x10240x128xf32, #tpu.memory_space<hbm>> -> memref<1x128x128xf32, #tpu.memory_space<hbm>>
    %dma_start3A_93 = tpu.memref_squeeze %dma_start3A_92 : memref<1x128x128xf32, #tpu.memory_space<hbm>> -> memref<128x128xf32, #tpu.memory_space<hbm>>
    tpu.enqueue_dma source(%arg10 : memref<128x128xf32, #tpu.memory_space<vmem>>) target(%dma_start3A_93 : memref<128x128xf32, #tpu.memory_space<hbm>>) target_semaphore(%arg15 : memref<!tpu.dma_semaphore, #tpu.memory_space<semaphore_mem>>)
    %add3A_94 = arith.constant 128 : i32
    %add3A_95 = arith.addi %mul3A_2, %add3A_94 : i32
    %dma_wait3A_96 = arith.constant 0 : i32
    %dma_wait3A_97 = tpu.memref_slice %arg5[%arg0, %add3A_95, %dma_wait3A_96] : memref<2x10240x128xf32, #tpu.memory_space<hbm>> -> memref<1x128x128xf32, #tpu.memory_space<hbm>>
    %dma_wait3A_98 = tpu.memref_squeeze %dma_wait3A_97 : memref<1x128x128xf32, #tpu.memory_space<hbm>> -> memref<128x128xf32, #tpu.memory_space<hbm>>
    %dma_wait3A_99 = arith.constant 0 : i32
    %dma_wait3A_100 = tpu.memref_slice %arg5[%arg0, %add3A_95, %dma_wait3A_99] : memref<2x10240x128xf32, #tpu.memory_space<hbm>> -> memref<1x128x128xf32, #tpu.memory_space<hbm>>
    %dma_wait3A_101 = tpu.memref_squeeze %dma_wait3A_100 : memref<1x128x128xf32, #tpu.memory_space<hbm>> -> memref<128x128xf32, #tpu.memory_space<hbm>>
    tpu.wait_dma2 semaphore(%arg15 : memref<!tpu.dma_semaphore, #tpu.memory_space<semaphore_mem>>) src(%arg10 : memref<128x128xf32, #tpu.memory_space<vmem>>) dst(%dma_wait3A_101 : memref<128x128xf32, #tpu.memory_space<hbm>>)
    %add3A_102 = arith.constant 384 : i32
    %add3A_103 = arith.addi %mul3A_2, %add3A_102 : i32
    %dma_start3A_104 = arith.constant 0 : i32
    %dma_start3A_105 = tpu.memref_slice %arg6[%add3A_103, %dma_start3A_104] : memref<10240x128xf32, #tpu.memory_space<vmem_shared>> -> memref<128x128xf32, #tpu.memory_space<vmem_shared>>
    %dma_start3A_106 = arith.constant 0 : i32
    %dma_start3A_107 = tpu.memref_slice %arg6[%add3A_103, %dma_start3A_106] : memref<10240x128xf32, #tpu.memory_space<vmem_shared>> -> memref<128x128xf32, #tpu.memory_space<vmem_shared>>
    tpu.enqueue_dma source(%dma_start3A_107 : memref<128x128xf32, #tpu.memory_space<vmem_shared>>) target(%arg10 : memref<128x128xf32, #tpu.memory_space<vmem>>) target_semaphore(%arg13 : memref<!tpu.dma_semaphore, #tpu.memory_space<semaphore_mem>>)
    %add3A_108 = arith.constant 256 : i32
    %add3A_109 = arith.addi %mul3A_2, %add3A_108 : i32
    %dma_wait3A_110 = arith.constant 0 : i32
    %dma_wait3A_111 = tpu.memref_slice %arg6[%add3A_109, %dma_wait3A_110] : memref<10240x128xf32, #tpu.memory_space<vmem_shared>> -> memref<128x128xf32, #tpu.memory_space<vmem_shared>>
    %dma_wait3A_112 = arith.constant 0 : i32
    %dma_wait3A_113 = tpu.memref_slice %arg6[%add3A_109, %dma_wait3A_112] : memref<10240x128xf32, #tpu.memory_space<vmem_shared>> -> memref<128x128xf32, #tpu.memory_space<vmem_shared>>
    tpu.wait_dma2 semaphore(%arg12 : memref<!tpu.dma_semaphore, #tpu.memory_space<semaphore_mem>>) src(%dma_wait3A_113 : memref<128x128xf32, #tpu.memory_space<vmem_shared>>) dst(%arg9 : memref<128x128xf32, #tpu.memory_space<vmem>>)
    %add3A_114 = arith.constant 256 : i32
    %add3A_115 = arith.addi %mul3A_2, %add3A_114 : i32
    %dma_start3A_116 = arith.constant 0 : i32
    %dma_start3A_117 = tpu.memref_slice %arg5[%arg0, %add3A_115, %dma_start3A_116] : memref<2x10240x128xf32, #tpu.memory_space<hbm>> -> memref<1x128x128xf32, #tpu.memory_space<hbm>>
    %dma_start3A_118 = tpu.memref_squeeze %dma_start3A_117 : memref<1x128x128xf32, #tpu.memory_space<hbm>> -> memref<128x128xf32, #tpu.memory_space<hbm>>
    %dma_start3A_119 = arith.constant 0 : i32
    %dma_start3A_120 = tpu.memref_slice %arg5[%arg0, %add3A_115, %dma_start3A_119] : memref<2x10240x128xf32, #tpu.memory_space<hbm>> -> memref<1x128x128xf32, #tpu.memory_space<hbm>>
    %dma_start3A_121 = tpu.memref_squeeze %dma_start3A_120 : memref<1x128x128xf32, #tpu.memory_space<hbm>> -> memref<128x128xf32, #tpu.memory_space<hbm>>
    tpu.enqueue_dma source(%arg9 : memref<128x128xf32, #tpu.memory_space<vmem>>) target(%dma_start3A_121 : memref<128x128xf32, #tpu.memory_space<hbm>>) target_semaphore(%arg14 : memref<!tpu.dma_semaphore, #tpu.memory_space<semaphore_mem>>)
    %add3A_122 = arith.constant 256 : i32
    %add3A_123 = arith.addi %mul3A_2, %add3A_122 : i32
    %dma_wait3A_124 = arith.constant 0 : i32
    %dma_wait3A_125 = tpu.memref_slice %arg5[%arg0, %add3A_123, %dma_wait3A_124] : memref<2x10240x128xf32, #tpu.memory_space<hbm>> -> memref<1x128x128xf32, #tpu.memory_space<hbm>>
    %dma_wait3A_126 = tpu.memref_squeeze %dma_wait3A_125 : memref<1x128x128xf32, #tpu.memory_space<hbm>> -> memref<128x128xf32, #tpu.memory_space<hbm>>
    %dma_wait3A_127 = arith.constant 0 : i32
    %dma_wait3A_128 = tpu.memref_slice %arg5[%arg0, %add3A_123, %dma_wait3A_127] : memref<2x10240x128xf32, #tpu.memory_space<hbm>> -> memref<1x128x128xf32, #tpu.memory_space<hbm>>
    %dma_wait3A_129 = tpu.memref_squeeze %dma_wait3A_128 : memref<1x128x128xf32, #tpu.memory_space<hbm>> -> memref<128x128xf32, #tpu.memory_space<hbm>>
    tpu.wait_dma2 semaphore(%arg14 : memref<!tpu.dma_semaphore, #tpu.memory_space<semaphore_mem>>) src(%arg9 : memref<128x128xf32, #tpu.memory_space<vmem>>) dst(%dma_wait3A_129 : memref<128x128xf32, #tpu.memory_space<hbm>>)
    %add3A_130 = arith.constant 512 : i32
    %add3A_131 = arith.addi %mul3A_2, %add3A_130 : i32
    %dma_start3A_132 = arith.constant 0 : i32
    %dma_start3A_133 = tpu.memref_slice %arg6[%add3A_131, %dma_start3A_132] : memref<10240x128xf32, #tpu.memory_space<vmem_shared>> -> memref<128x128xf32, #tpu.memory_space<vmem_shared>>
    %dma_start3A_134 = arith.constant 0 : i32
    %dma_start3A_135 = tpu.memref_slice %arg6[%add3A_131, %dma_start3A_134] : memref<10240x128xf32, #tpu.memory_space<vmem_shared>> -> memref<128x128xf32, #tpu.memory_space<vmem_shared>>
    tpu.enqueue_dma source(%dma_start3A_135 : memref<128x128xf32, #tpu.memory_space<vmem_shared>>) target(%arg9 : memref<128x128xf32, #tpu.memory_space<vmem>>) target_semaphore(%arg12 : memref<!tpu.dma_semaphore, #tpu.memory_space<semaphore_mem>>)
    %add3A_136 = arith.constant 384 : i32
    %add3A_137 = arith.addi %mul3A_2, %add3A_136 : i32
    %dma_wait3A_138 = arith.constant 0 : i32
    %dma_wait3A_139 = tpu.memref_slice %arg6[%add3A_137, %dma_wait3A_138] : memref<10240x128xf32, #tpu.memory_space<vmem_shared>> -> memref<128x128xf32, #tpu.memory_space<vmem_shared>>
    %dma_wait3A_140 = arith.constant 0 : i32
    %dma_wait3A_141 = tpu.memref_slice %arg6[%add3A_137, %dma_wait3A_140] : memref<10240x128xf32, #tpu.memory_space<vmem_shared>> -> memref<128x128xf32, #tpu.memory_space<vmem_shared>>
    tpu.wait_dma2 semaphore(%arg13 : memref<!tpu.dma_semaphore, #tpu.memory_space<semaphore_mem>>) src(%dma_wait3A_141 : memref<128x128xf32, #tpu.memory_space<vmem_shared>>) dst(%arg10 : memref<128x128xf32, #tpu.memory_space<vmem>>)
    %add3A_142 = arith.constant 384 : i32
    %add3A_143 = arith.addi %mul3A_2, %add3A_142 : i32
    %dma_start3A_144 = arith.constant 0 : i32
    %dma_start3A_145 = tpu.memref_slice %arg5[%arg0, %add3A_143, %dma_start3A_144] : memref<2x10240x128xf32, #tpu.memory_space<hbm>> -> memref<1x128x128xf32, #tpu.memory_space<hbm>>
    %dma_start3A_146 = tpu.memref_squeeze %dma_start3A_145 : memref<1x128x128xf32, #tpu.memory_space<hbm>> -> memref<128x128xf32, #tpu.memory_space<hbm>>
    %dma_start3A_147 = arith.constant 0 : i32
    %dma_start3A_148 = tpu.memref_slice %arg5[%arg0, %add3A_143, %dma_start3A_147] : memref<2x10240x128xf32, #tpu.memory_space<hbm>> -> memref<1x128x128xf32, #tpu.memory_space<hbm>>
    %dma_start3A_149 = tpu.memref_squeeze %dma_start3A_148 : memref<1x128x128xf32, #tpu.memory_space<hbm>> -> memref<128x128xf32, #tpu.memory_space<hbm>>
    tpu.enqueue_dma source(%arg10 : memref<128x128xf32, #tpu.memory_space<vmem>>) target(%dma_start3A_149 : memref<128x128xf32, #tpu.memory_space<hbm>>) target_semaphore(%arg15 : memref<!tpu.dma_semaphore, #tpu.memory_space<semaphore_mem>>)
    %add3A_150 = arith.constant 384 : i32
    %add3A_151 = arith.addi %mul3A_2, %add3A_150 : i32
    %dma_wait3A_152 = arith.constant 0 : i32
    %dma_wait3A_153 = tpu.memref_slice %arg5[%arg0, %add3A_151, %dma_wait3A_152] : memref<2x10240x128xf32, #tpu.memory_space<hbm>> -> memref<1x128x128xf32, #tpu.memory_space<hbm>>
    %dma_wait3A_154 = tpu.memref_squeeze %dma_wait3A_153 : memref<1x128x128xf32, #tpu.memory_space<hbm>> -> memref<128x128xf32, #tpu.memory_space<hbm>>
    %dma_wait3A_155 = arith.constant 0 : i32
    %dma_wait3A_156 = tpu.memref_slice %arg5[%arg0, %add3A_151, %dma_wait3A_155] : memref<2x10240x128xf32, #tpu.memory_space<hbm>> -> memref<1x128x128xf32, #tpu.memory_space<hbm>>
    %dma_wait3A_157 = tpu.memref_squeeze %dma_wait3A_156 : memref<1x128x128xf32, #tpu.memory_space<hbm>> -> memref<128x128xf32, #tpu.memory_space<hbm>>
    tpu.wait_dma2 semaphore(%arg15 : memref<!tpu.dma_semaphore, #tpu.memory_space<semaphore_mem>>) src(%arg10 : memref<128x128xf32, #tpu.memory_space<vmem>>) dst(%dma_wait3A_157 : memref<128x128xf32, #tpu.memory_space<hbm>>)
    %add3A_158 = arith.constant 512 : i32
    %add3A_159 = arith.addi %mul3A_2, %add3A_158 : i32
    %dma_wait3A_160 = arith.constant 0 : i32
    %dma_wait3A_161 = tpu.memref_slice %arg6[%add3A_159, %dma_wait3A_160] : memref<10240x128xf32, #tpu.memory_space<vmem_shared>> -> memref<128x128xf32, #tpu.memory_space<vmem_shared>>
    %dma_wait3A_162 = arith.constant 0 : i32
    %dma_wait3A_163 = tpu.memref_slice %arg6[%add3A_159, %dma_wait3A_162] : memref<10240x128xf32, #tpu.memory_space<vmem_shared>> -> memref<128x128xf32, #tpu.memory_space<vmem_shared>>
    tpu.wait_dma2 semaphore(%arg12 : memref<!tpu.dma_semaphore, #tpu.memory_space<semaphore_mem>>) src(%dma_wait3A_163 : memref<128x128xf32, #tpu.memory_space<vmem_shared>>) dst(%arg9 : memref<128x128xf32, #tpu.memory_space<vmem>>)
    %add3A_164 = arith.constant 512 : i32
    %add3A_165 = arith.addi %mul3A_2, %add3A_164 : i32
    %dma_start3A_166 = arith.constant 0 : i32
    %dma_start3A_167 = tpu.memref_slice %arg5[%arg0, %add3A_165, %dma_start3A_166] : memref<2x10240x128xf32, #tpu.memory_space<hbm>> -> memref<1x128x128xf32, #tpu.memory_space<hbm>>
    %dma_start3A_168 = tpu.memref_squeeze %dma_start3A_167 : memref<1x128x128xf32, #tpu.memory_space<hbm>> -> memref<128x128xf32, #tpu.memory_space<hbm>>
    %dma_start3A_169 = arith.constant 0 : i32
    %dma_start3A_170 = tpu.memref_slice %arg5[%arg0, %add3A_165, %dma_start3A_169] : memref<2x10240x128xf32, #tpu.memory_space<hbm>> -> memref<1x128x128xf32, #tpu.memory_space<hbm>>
    %dma_start3A_171 = tpu.memref_squeeze %dma_start3A_170 : memref<1x128x128xf32, #tpu.memory_space<hbm>> -> memref<128x128xf32, #tpu.memory_space<hbm>>
    tpu.enqueue_dma source(%arg9 : memref<128x128xf32, #tpu.memory_space<vmem>>) target(%dma_start3A_171 : memref<128x128xf32, #tpu.memory_space<hbm>>) target_semaphore(%arg14 : memref<!tpu.dma_semaphore, #tpu.memory_space<semaphore_mem>>)
    %add3A_172 = arith.constant 512 : i32
    %add3A_173 = arith.addi %mul3A_2, %add3A_172 : i32
    %dma_wait3A_174 = arith.constant 0 : i32
    %dma_wait3A_175 = tpu.memref_slice %arg5[%arg0, %add3A_173, %dma_wait3A_174] : memref<2x10240x128xf32, #tpu.memory_space<hbm>> -> memref<1x128x128xf32, #tpu.memory_space<hbm>>
    %dma_wait3A_176 = tpu.memref_squeeze %dma_wait3A_175 : memref<1x128x128xf32, #tpu.memory_space<hbm>> -> memref<128x128xf32, #tpu.memory_space<hbm>>
    %dma_wait3A_177 = arith.constant 0 : i32
    %dma_wait3A_178 = tpu.memref_slice %arg5[%arg0, %add3A_173, %dma_wait3A_177] : memref<2x10240x128xf32, #tpu.memory_space<hbm>> -> memref<1x128x128xf32, #tpu.memory_space<hbm>>
    %dma_wait3A_179 = tpu.memref_squeeze %dma_wait3A_178 : memref<1x128x128xf32, #tpu.memory_space<hbm>> -> memref<128x128xf32, #tpu.memory_space<hbm>>
    tpu.wait_dma2 semaphore(%arg14 : memref<!tpu.dma_semaphore, #tpu.memory_space<semaphore_mem>>) src(%arg9 : memref<128x128xf32, #tpu.memory_space<vmem>>) dst(%dma_wait3A_179 : memref<128x128xf32, #tpu.memory_space<hbm>>)
    return
  }
}

module attributes {stable_mosaic.version = 14 : i64} {
  func.func @_tc_body(%arg0: i32, %arg1: memref<2000x128xf32, #tpu.memory_space<vmem>>, %arg2: memref<2x2000x128xf32, #tpu.memory_space<vmem>>, %arg3: memref<2x2000x1xf32, #tpu.memory_space<vmem>>, %arg4: memref<128x128xf32, #tpu.memory_space<vmem>>, %arg5: memref<128x128xf32, #tpu.memory_space<vmem>>, %arg6: memref<1x128xf32, #tpu.memory_space<vmem>>, %arg7: memref<2000x128xf32, #tpu.memory_space<vmem>>) attributes {dimension_semantics = [#tpu.dimension_semantics<arbitrary>], iteration_bounds = array<i64: 5>, scalar_prefetch = 0 : i64, scratch_operands = 0 : i64, tpu.core_type = #tpu.core_type<tc>, window_params = [{transform_indices = @transform_0, window_bounds = array<i64: 2000, 128>}, {transform_indices = @transform_1, window_bounds = array<i64: 2, 2000, 128>}, {transform_indices = @transform_2, window_bounds = array<i64: 2, 2000, 1>}, {pipeline_mode = #tpu.pipeline_mode<synchronous>, transform_indices = @transform_3, window_bounds = array<i64: 128, 128>}, {pipeline_mode = #tpu.pipeline_mode<synchronous>, transform_indices = @transform_4, window_bounds = array<i64: 128, 128>}, {pipeline_mode = #tpu.pipeline_mode<synchronous>, transform_indices = @transform_5, window_bounds = array<i64: 1, 128>}, {transform_indices = @transform_6, window_bounds = array<i64: 2000, 128>}]} {
    %get3A = arith.constant 0 : index
    %get3A_0 = arith.constant 0 : index
    %get3A_1 = arith.constant 0 : index
    %get3A_2 = vector.load %arg3[%get3A, %get3A_0, %get3A_1] : memref<2x2000x1xf32, #tpu.memory_space<vmem>>, vector<1x2000x1xf32>
    %get3A_3 = vector.shape_cast %get3A_2 : vector<1x2000x1xf32> to vector<2000x1xf32>
    %get3A_4 = arith.constant 1 : index
    %get3A_5 = arith.constant 0 : index
    %get3A_6 = arith.constant 0 : index
    %get3A_7 = vector.load %arg3[%get3A_4, %get3A_5, %get3A_6] : memref<2x2000x1xf32, #tpu.memory_space<vmem>>, vector<1x2000x1xf32>
    %get3A_8 = vector.shape_cast %get3A_7 : vector<1x2000x1xf32> to vector<2000x1xf32>
    %add3A = arith.addf %get3A_3, %get3A_8 : vector<2000x1xf32>
    %get3A_9 = arith.constant 0 : index
    %get3A_10 = arith.constant 0 : index
    %get3A_11 = arith.constant 0 : index
    %get3A_12 = vector.load %arg2[%get3A_9, %get3A_10, %get3A_11] : memref<2x2000x128xf32, #tpu.memory_space<vmem>>, vector<1x2000x128xf32>
    %get3A_13 = vector.shape_cast %get3A_12 : vector<1x2000x128xf32> to vector<2000x128xf32>
    %get3A_14 = arith.constant 1 : index
    %get3A_15 = arith.constant 0 : index
    %get3A_16 = arith.constant 0 : index
    %get3A_17 = vector.load %arg2[%get3A_14, %get3A_15, %get3A_16] : memref<2x2000x128xf32, #tpu.memory_space<vmem>>, vector<1x2000x128xf32>
    %get3A_18 = vector.shape_cast %get3A_17 : vector<1x2000x128xf32> to vector<2000x128xf32>
    %add3A_19 = arith.addf %get3A_13, %get3A_18 : vector<2000x128xf32>
    %max3A = arith.constant 1.000000e+00 : f32
    %max3A_20 = vector.broadcast %max3A : f32 to vector<2000x1xf32>
    %max3A_21 = arith.maximumf %add3A, %max3A_20 : vector<2000x1xf32>
    %div3A = vector.broadcast %max3A_21 : vector<2000x1xf32> to vector<2000x128xf32>
    %div3A_22 = arith.divf %add3A_19, %div3A : vector<2000x128xf32>
    %get3A_23 = arith.constant 0 : index
    %get3A_24 = arith.constant 0 : index
    %get3A_25 = vector.load %arg1[%get3A_23, %get3A_24] : memref<2000x128xf32, #tpu.memory_space<vmem>>, vector<2000x128xf32>
    %get3A_26 = arith.constant 0 : index
    %get3A_27 = arith.constant 0 : index
    %get3A_28 = vector.load %arg4[%get3A_26, %get3A_27] : memref<128x128xf32, #tpu.memory_space<vmem>>, vector<128x128xf32>
    %dot_general3A = arith.constant dense<0.000000e+00> : vector<2000x128xf32>
    %dot_general3A_29 = tpu.matmul %get3A_25, %get3A_28, %dot_general3A {dimension_numbers = #tpu.dot_dimension_numbers<[1], [0], [0], [1], [0, 0, 1, 1], [], []>, transpose_lhs_hint = false} : vector<2000x128xf32>, vector<128x128xf32>, vector<2000x128xf32> -> vector<2000x128xf32>
    %get3A_30 = arith.constant 0 : index
    %get3A_31 = arith.constant 0 : index
    %get3A_32 = vector.load %arg5[%get3A_30, %get3A_31] : memref<128x128xf32, #tpu.memory_space<vmem>>, vector<128x128xf32>
    %dot_general3A_33 = arith.constant dense<0.000000e+00> : vector<2000x128xf32>
    %dot_general3A_34 = tpu.matmul %div3A_22, %get3A_32, %dot_general3A_33 {dimension_numbers = #tpu.dot_dimension_numbers<[1], [0], [0], [1], [0, 0, 1, 1], [], []>, transpose_lhs_hint = false} : vector<2000x128xf32>, vector<128x128xf32>, vector<2000x128xf32> -> vector<2000x128xf32>
    %add3A_35 = arith.addf %dot_general3A_29, %dot_general3A_34 : vector<2000x128xf32>
    %get3A_36 = arith.constant 0 : index
    %get3A_37 = arith.constant 0 : index
    %get3A_38 = vector.load %arg6[%get3A_36, %get3A_37] : memref<1x128xf32, #tpu.memory_space<vmem>>, vector<1x128xf32>
    %add3A_39 = vector.broadcast %get3A_38 : vector<1x128xf32> to vector<2000x128xf32>
    %add3A_40 = arith.addf %add3A_35, %add3A_39 : vector<2000x128xf32>
    %swap3A = arith.constant 0 : index
    %swap3A_41 = arith.constant 0 : index
    %swap3A_42 = vector.load %arg7[%swap3A, %swap3A_41] : memref<2000x128xf32, #tpu.memory_space<vmem>>, vector<2000x128xf32>
    tpu.vector_store %arg7[%swap3A, %swap3A_41], %add3A_40 {strides = array<i32>} : memref<2000x128xf32, #tpu.memory_space<vmem>>, vector<2000x128xf32>,
    return
  }
  func.func @transform_0(%arg0: i32) -> (i32, i32) {
    %c0_i32 = arith.constant 0 : i32
    %c0_i32_0 = arith.constant 0 : i32
    return %arg0, %c0_i32 : i32, i32
  }
  func.func @transform_1(%arg0: i32) -> (i32, i32, i32) {
    %c0_i32 = arith.constant 0 : i32
    %c0_i32_0 = arith.constant 0 : i32
    %c0_i32_1 = arith.constant 0 : i32
    return %c0_i32, %arg0, %c0_i32_0 : i32, i32, i32
  }
  func.func @transform_2(%arg0: i32) -> (i32, i32, i32) {
    %c0_i32 = arith.constant 0 : i32
    %c0_i32_0 = arith.constant 0 : i32
    %c0_i32_1 = arith.constant 0 : i32
    return %c0_i32, %arg0, %c0_i32_0 : i32, i32, i32
  }
  func.func @transform_3(%arg0: i32) -> (i32, i32) {
    %c0_i32 = arith.constant 0 : i32
    %c0_i32_0 = arith.constant 0 : i32
    %c0_i32_1 = arith.constant 0 : i32
    return %c0_i32, %c0_i32_0 : i32, i32
  }
  func.func @transform_4(%arg0: i32) -> (i32, i32) {
    %c0_i32 = arith.constant 0 : i32
    %c0_i32_0 = arith.constant 0 : i32
    %c0_i32_1 = arith.constant 0 : i32
    return %c0_i32, %c0_i32_0 : i32, i32
  }
  func.func @transform_5(%arg0: i32) -> (i32, i32) {
    %c0_i32 = arith.constant 0 : i32
    %c0_i32_0 = arith.constant 0 : i32
    %c0_i32_1 = arith.constant 0 : i32
    return %c0_i32, %c0_i32_0 : i32, i32
  }
  func.func @transform_6(%arg0: i32) -> (i32, i32) {
    %c0_i32 = arith.constant 0 : i32
    %c0_i32_0 = arith.constant 0 : i32
    return %arg0, %c0_i32 : i32, i32
  }
}

module attributes {stable_mosaic.version = 14 : i64} {
  func.func @_tc_body(%arg0: i32, %arg1: memref<2000x128xf32, #tpu.memory_space<vmem>>, %arg2: memref<2x2000x128xf32, #tpu.memory_space<vmem>>, %arg3: memref<2x2000x1xf32, #tpu.memory_space<vmem>>, %arg4: memref<128x128xf32, #tpu.memory_space<vmem>>, %arg5: memref<128x128xf32, #tpu.memory_space<vmem>>, %arg6: memref<1x128xf32, #tpu.memory_space<vmem>>, %arg7: memref<2000x128xf32, #tpu.memory_space<vmem>>) attributes {dimension_semantics = [#tpu.dimension_semantics<arbitrary>], iteration_bounds = array<i64: 5>, scalar_prefetch = 0 : i64, scratch_operands = 0 : i64, tpu.core_type = #tpu.core_type<tc>, window_params = [{transform_indices = @transform_0, window_bounds = array<i64: 2000, 128>}, {transform_indices = @transform_1, window_bounds = array<i64: 2, 2000, 128>}, {transform_indices = @transform_2, window_bounds = array<i64: 2, 2000, 1>}, {pipeline_mode = #tpu.pipeline_mode<synchronous>, transform_indices = @transform_3, window_bounds = array<i64: 128, 128>}, {pipeline_mode = #tpu.pipeline_mode<synchronous>, transform_indices = @transform_4, window_bounds = array<i64: 128, 128>}, {pipeline_mode = #tpu.pipeline_mode<synchronous>, transform_indices = @transform_5, window_bounds = array<i64: 1, 128>}, {transform_indices = @transform_6, window_bounds = array<i64: 2000, 128>}]} {
    %get3A = arith.constant 0 : index
    %get3A_0 = arith.constant 0 : index
    %get3A_1 = arith.constant 0 : index
    %get3A_2 = vector.load %arg3[%get3A, %get3A_0, %get3A_1] : memref<2x2000x1xf32, #tpu.memory_space<vmem>>, vector<1x2000x1xf32>
    %get3A_3 = vector.shape_cast %get3A_2 : vector<1x2000x1xf32> to vector<2000x1xf32>
    %get3A_4 = arith.constant 1 : index
    %get3A_5 = arith.constant 0 : index
    %get3A_6 = arith.constant 0 : index
    %get3A_7 = vector.load %arg3[%get3A_4, %get3A_5, %get3A_6] : memref<2x2000x1xf32, #tpu.memory_space<vmem>>, vector<1x2000x1xf32>
    %get3A_8 = vector.shape_cast %get3A_7 : vector<1x2000x1xf32> to vector<2000x1xf32>
    %add3A = arith.addf %get3A_3, %get3A_8 : vector<2000x1xf32>
    %get3A_9 = arith.constant 0 : index
    %get3A_10 = arith.constant 0 : index
    %get3A_11 = arith.constant 0 : index
    %get3A_12 = vector.load %arg2[%get3A_9, %get3A_10, %get3A_11] : memref<2x2000x128xf32, #tpu.memory_space<vmem>>, vector<1x2000x128xf32>
    %get3A_13 = vector.shape_cast %get3A_12 : vector<1x2000x128xf32> to vector<2000x128xf32>
    %get3A_14 = arith.constant 1 : index
    %get3A_15 = arith.constant 0 : index
    %get3A_16 = arith.constant 0 : index
    %get3A_17 = vector.load %arg2[%get3A_14, %get3A_15, %get3A_16] : memref<2x2000x128xf32, #tpu.memory_space<vmem>>, vector<1x2000x128xf32>
    %get3A_18 = vector.shape_cast %get3A_17 : vector<1x2000x128xf32> to vector<2000x128xf32>
    %add3A_19 = arith.addf %get3A_13, %get3A_18 : vector<2000x128xf32>
    %max3A = arith.constant 1.000000e+00 : f32
    %max3A_20 = vector.broadcast %max3A : f32 to vector<2000x1xf32>
    %max3A_21 = arith.maximumf %add3A, %max3A_20 : vector<2000x1xf32>
    %div3A = vector.broadcast %max3A_21 : vector<2000x1xf32> to vector<2000x128xf32>
    %div3A_22 = arith.divf %add3A_19, %div3A : vector<2000x128xf32>
    %get3A_23 = arith.constant 0 : index
    %get3A_24 = arith.constant 0 : index
    %get3A_25 = vector.load %arg1[%get3A_23, %get3A_24] : memref<2000x128xf32, #tpu.memory_space<vmem>>, vector<2000x128xf32>
    %get3A_26 = arith.constant 0 : index
    %get3A_27 = arith.constant 0 : index
    %get3A_28 = vector.load %arg4[%get3A_26, %get3A_27] : memref<128x128xf32, #tpu.memory_space<vmem>>, vector<128x128xf32>
    %dot_general3A = arith.constant dense<0.000000e+00> : vector<2000x128xf32>
    %dot_general3A_29 = tpu.matmul %get3A_25, %get3A_28, %dot_general3A {dimension_numbers = #tpu.dot_dimension_numbers<[1], [0], [0], [1], [0, 0, 1, 1], [], []>, transpose_lhs_hint = false} : vector<2000x128xf32>, vector<128x128xf32>, vector<2000x128xf32> -> vector<2000x128xf32>
    %get3A_30 = arith.constant 0 : index
    %get3A_31 = arith.constant 0 : index
    %get3A_32 = vector.load %arg5[%get3A_30, %get3A_31] : memref<128x128xf32, #tpu.memory_space<vmem>>, vector<128x128xf32>
    %dot_general3A_33 = arith.constant dense<0.000000e+00> : vector<2000x128xf32>
    %dot_general3A_34 = tpu.matmul %div3A_22, %get3A_32, %dot_general3A_33 {dimension_numbers = #tpu.dot_dimension_numbers<[1], [0], [0], [1], [0, 0, 1, 1], [], []>, transpose_lhs_hint = false} : vector<2000x128xf32>, vector<128x128xf32>, vector<2000x128xf32> -> vector<2000x128xf32>
    %add3A_35 = arith.addf %dot_general3A_29, %dot_general3A_34 : vector<2000x128xf32>
    %get3A_36 = arith.constant 0 : index
    %get3A_37 = arith.constant 0 : index
    %get3A_38 = vector.load %arg6[%get3A_36, %get3A_37] : memref<1x128xf32, #tpu.memory_space<vmem>>, vector<1x128xf32>
    %add3A_39 = vector.broadcast %get3A_38 : vector<1x128xf32> to vector<2000x128xf32>
    %add3A_40 = arith.addf %add3A_35, %add3A_39 : vector<2000x128xf32>
    %swap3A = arith.constant 0 : index
    %swap3A_41 = arith.constant 0 : index
    %swap3A_42 = vector.load %arg7[%swap3A, %swap3A_41] : memref<2000x128xf32, #tpu.memory_space<vmem>>, vector<2000x128xf32>
    tpu.vector_store %arg7[%swap3A, %swap3A_41], %add3A_40 {strides = array<i32>} : memref<2000x128xf32, #tpu.memory_space<vmem>>, vector<2000x128xf32>,
    return
  }
  func.func @transform_0(%arg0: i32) -> (i32, i32) {
    %c0_i32 = arith.constant 0 : i32
    %c0_i32_0 = arith.constant 0 : i32
    return %arg0, %c0_i32 : i32, i32
  }
  func.func @transform_1(%arg0: i32) -> (i32, i32, i32) {
    %c0_i32 = arith.constant 0 : i32
    %c0_i32_0 = arith.constant 0 : i32
    %c0_i32_1 = arith.constant 0 : i32
    return %c0_i32, %arg0, %c0_i32_0 : i32, i32, i32
  }
  func.func @transform_2(%arg0: i32) -> (i32, i32, i32) {
    %c0_i32 = arith.constant 0 : i32
    %c0_i32_0 = arith.constant 0 : i32
    %c0_i32_1 = arith.constant 0 : i32
    return %c0_i32, %arg0, %c0_i32_0 : i32, i32, i32
  }
  func.func @transform_3(%arg0: i32) -> (i32, i32) {
    %c0_i32 = arith.constant 0 : i32
    %c0_i32_0 = arith.constant 0 : i32
    %c0_i32_1 = arith.constant 0 : i32
    return %c0_i32, %c0_i32_0 : i32, i32
  }
  func.func @transform_4(%arg0: i32) -> (i32, i32) {
    %c0_i32 = arith.constant 0 : i32
    %c0_i32_0 = arith.constant 0 : i32
    %c0_i32_1 = arith.constant 0 : i32
    return %c0_i32, %c0_i32_0 : i32, i32
  }
  func.func @transform_5(%arg0: i32) -> (i32, i32) {
    %c0_i32 = arith.constant 0 : i32
    %c0_i32_0 = arith.constant 0 : i32
    %c0_i32_1 = arith.constant 0 : i32
    return %c0_i32, %c0_i32_0 : i32, i32
  }
  func.func @transform_6(%arg0: i32) -> (i32, i32) {
    %c0_i32 = arith.constant 0 : i32
    %c0_i32_0 = arith.constant 0 : i32
    return %arg0, %c0_i32 : i32, i32
  }
}

</mosaic_0001>

<sc_bundles>
// kernel: kernel.11.cloned.1.call-start
scs
__scs_entry_jumppad:
0x0: {  	(pc) =	sbr.rel $0x88, $3  }
0x1: {  	(tag) =	ssettag $0x0;
	lr =	simm.s32 $0x1  }
0x2: {  	[smem:$0x3F96] =	sst lr;
	_ =	strace $0xD0000000  }
0x3: {  	_ = 	snop  }
0x4: {  	_ = 	snop  }
0x5: {  	_ = 	snop  }
0x6: {  	_ = 	snop  }
0x7: {  	_ = 	snop  }
__scs_overlays_trampoline_lowered:
0x8: {  	[smem:$0x3FA5] =	sst s0  }
0x9: {  	[smem:$0x3FA6] =	sst s1  }
0xa: {  	[smem:$0x3FA7] =	sst s2  }
0xb: {  	[smem:$0x3FA8] =	sst s3  }
0xc: {  	[smem:$0x3FA9] =	sst s4  }
0xd: {  	[smem:$0x3FAA] =	sst s5  }
0xe: {  	[smem:$0x3FAB] =	sst s6  }
0xf: {  	[smem:$0x3FAC] =	sst s7  }
0x10: {  	[smem:$0x3FAD] =	sst s8  }
0x11: {  	[smem:$0x3FAE] =	sst s9;
	s0 =	simm.s32 @!p0 $0x0  }
0x12: {  	s1 =	sld [smem:$0x3F94];
	s0 =	simm.s32 @p0 $0x1  }
0x13: {  	[smem:$0x3FAF] =	sst s0;
	s0 =	simm.s32 @!p1 $0x0  }
0x14: {  	s2 =	sld [smem:$0x3F93];
	s0 =	simm.s32 @p1 $0x1  }
0x15: {  	[smem:$0x3FB0] =	sst s0;
	s0 =	simm.s32 @!p2 $0x0  }
0x16: {  	s3 =	sld [smem:$0x3FDB];
	s0 =	simm.s32 @p2 $0x1  }
0x17: {  	s4 =	simm.s32 $0x1BF5;
	[smem:$0x3FB2] =	sst s0  }
0x18: {  	s0 =	sld [smem:$0x3F95];
	_ =	swait.ge [sflag:s4], $0x0  }
0x19: {  	s7 =	sld [smem:$0x3F96]  }
0x1a: {  	s8 =	sadd.s32 $0xFFFFE003, lr  }
0x1b: {  	s9 =	sadd.s32 $0xFFFFFEF7, lr;
	s5 =	simm.s32 $0xFFFFFFFF;
	p2 =	slt.u32 s8, $0xFFFFF086  }
0x1c: {  	p1 =	slt.u32 s9, $0xF7A;
	s5 =	simm.s32 @!p2 $0x0  }
0x1d: {  	s5 =	simm.s32 @p1 $0x1;
	p0 =	seq.s32 s7, s2  }
0x1e: {  	s7 =	smul.u32 @!p0 $0xF7A, s2;
	p2 =	seq.s32 @!p0 s5, $0x0  }
0x1f: {  	s9 =	smul.u32 $0xF7A, s1;
	s8 =	simm.s32 @!p0 $0x1BF5;
	p2 =	por !p2, p0  }
0x20: {  	[sflag:s8] =	ssyncset.s32 @!p0 $0xFFFFF086;
	s6 =	sadd.s32 @!p0 s3, s7;
	s7 =	simm.s32 @!p0 $0x108  }
0x21: {  	s3 =	sadd.s32 s3, s9;
	s6 =	sadd.s32 @!p0 $0x88, s6;
	s7 =	simm.s32 @p2 $0x1082  }
0x22: {  	[simem:s7], [sflag:s8] =	dma.local @!p0 [hbm:s6], $0xF7A  }
0x23: {  	s9 =	sor.u32 $0xD0000000, s2;
	s6 =	simm.s32 $0x108;
	_ =	swait.ge @!p0 [sflag:s8], $0x0  }
0x24: {  	s3 =	sadd.s32 $0x88, s3;
	s6 =	simm.s32 @!p1 $0x1082;
	[sflag:s4] =	ssyncset.s32 $0xFFFFF086  }
0x25: {  	[simem:s6], [sflag:s4] =	dma.local [hbm:s3], $0xF7A  }
0x26: {  	[smem:$0x3F96] =	sst s1;
	(tag) =	ssettag s2;
	_ =	strace s9  }
0x27: {  	s1 =	sld [smem:$0x3FA6]  }
0x28: {  	s2 =	sld [smem:$0x3FA7]  }
0x29: {  	s4 =	sld [smem:$0x3FA9]  }
0x2a: {  	p0 =	seq.s32 s5, $0x0;
	s5 =	sld [smem:$0x3FAA]  }
0x2b: {  	s6 =	sld [smem:$0x3FAB]  }
0x2c: {  	s7 =	sld [smem:$0x3FAC]  }
0x2d: {  	s3 =	simm.s32 $0x108;
	s8 =	sld [smem:$0x3FAD]  }
0x2e: {  	s3 =	simm.s32 @!p0 $0x1082;
	s9 =	sld [smem:$0x3FAE]  }
0x2f: {  	lr =	sadd.s32 s0, s3;
	s0 =	sld [smem:$0x3FA5]  }
0x30: {  	s3 =	sld [smem:$0x3FA8]  }
0x31: {  	[smem:$0x3FB1] =	sst s10  }
0x32: {  	s10 =	sld [smem:$0x3FAF];
	_ =	sdelay $0x3  }
0x33: {  	p0 =	seq.s32 s10, $0x1;
	s10 =	sld [smem:$0x3FB1];
	_ =	sdelay $0x3  }
0x34: {  	[smem:$0x3FB1] =	sst s10  }
0x35: {  	s10 =	sld [smem:$0x3FB0];
	_ =	sdelay $0x3  }
0x36: {  	p1 =	seq.s32 s10, $0x1;
	s10 =	sld [smem:$0x3FB1];
	_ =	sdelay $0x3  }
0x37: {  	[smem:$0x3FB1] =	sst s10  }
0x38: {  	s10 =	sld [smem:$0x3FB2]  }
0x39: {  	_ = 	snop;
	(pc) =	sbr.ind lr, $3  }
0x3a: {  	_ = 	snop  }
0x3b: {  	_ = 	snop  }
0x3c: {  	p2 =	seq.s32 s10, $0x1;
	s10 =	sld [smem:$0x3FB1]  }
0x3d: {  	_ =	shalt  }
0x3e: {  	_ =	shalt  }
0x3f: {  	_ =	shalt  }
0x40: {  	_ =	shalt  }
0x41: {  	_ =	shalt  }
0x42: {  	_ =	shalt  }
0x43: {  	_ =	shalt  }
0x44: {  	_ =	shalt  }
0x45: {  	_ =	shalt  }
0x46: {  	_ =	shalt  }
0x47: {  	_ =	shalt  }
0x48: {  	_ =	shalt  }
0x49: {  	_ =	shalt  }
0x4a: {  	_ =	shalt  }
0x4b: {  	_ =	shalt  }
0x4c: {  	_ =	shalt  }
0x4d: {  	_ =	shalt  }
0x4e: {  	_ =	shalt  }
0x4f: {  	_ =	shalt  }
0x50: {  	_ =	shalt  }
0x51: {  	_ =	shalt  }
0x52: {  	_ =	shalt  }
0x53: {  	_ =	shalt  }
0x54: {  	_ =	shalt  }
0x55: {  	_ =	shalt  }
0x56: {  	_ =	shalt  }
0x57: {  	_ =	shalt  }
0x58: {  	_ =	shalt  }
0x59: {  	_ =	shalt  }
0x5a: {  	_ =	shalt  }
0x5b: {  	_ =	shalt  }
0x5c: {  	_ =	shalt  }
0x5d: {  	_ =	shalt  }
0x5e: {  	_ =	shalt  }
0x5f: {  	_ =	shalt  }
0x60: {  	_ =	shalt  }
0x61: {  	_ =	shalt  }
0x62: {  	_ =	shalt  }
0x63: {  	_ =	shalt  }
0x64: {  	_ =	shalt  }
0x65: {  	_ =	shalt  }
0x66: {  	_ =	shalt  }
0x67: {  	_ =	shalt  }
0x68: {  	_ =	shalt  }
0x69: {  	_ =	shalt  }
0x6a: {  	_ =	shalt  }
0x6b: {  	_ =	shalt  }
0x6c: {  	_ =	shalt  }
0x6d: {  	_ =	shalt  }
0x6e: {  	_ =	shalt  }
0x6f: {  	_ =	shalt  }
0x70: {  	_ =	shalt  }
0x71: {  	_ =	shalt  }
0x72: {  	_ =	shalt  }
0x73: {  	_ =	shalt  }
0x74: {  	_ =	shalt  }
0x75: {  	_ =	shalt  }
0x76: {  	_ =	shalt  }
0x77: {  	_ =	shalt  }
0x78: {  	_ =	shalt  }
0x79: {  	_ =	shalt  }
0x7a: {  	_ =	shalt  }
0x7b: {  	_ =	shalt  }
0x7c: {  	_ =	shalt  }
0x7d: {  	_ =	shalt  }
0x7e: {  	_ =	shalt  }
0x7f: {  	_ =	shalt  }
0x80: {  	_ =	shalt  }
0x81: {  	_ =	shalt  }
0x82: {  	_ =	shalt  }
0x83: {  	_ =	shalt  }
0x84: {  	_ =	shalt  }
0x85: {  	_ =	shalt  }
0x86: {  	_ =	shalt  }
0x87: {  	_ =	shalt  }
.Lfunc_end0:
.L_simem_size_0:
called_computation.1_lowered:
.L_overlay_start_0:
0x88: {  	s2 =	sld [smem:$0x3FD9]  }
0x89: {  	s3 =	sld [smem:$0x3FFE];
	_ =	sdelay $0x1  }
0x8a: {  	s1 =	srdreg.scid  }
0x8b: {  	s0 =	sand.u32 $0x1, s1  }
0x8c: {  	s17 =	sshll.u32 s0, $0xA;
	s2 =	sadd.s32 s3, s2  }
0x8d: {  	s2 =	sadd.s32 s2, s17  }
0x8e: {  	[smem:$0x3FBD] =	sst s2  }
0x8f: {  	_ = 	snop  }
0x90: {  	s2 =	sld [smem:$0x3FD0];
	(tm) =	ssettm $0x1  }
0x91: {  	s18 =	sld [smem:$0x3FFB];
	_ =	sdelay $0x3  }
0x92: {  	_ =	strace s18  }
0x93: {  	s3 =	sld [smem:$0x3FFC];
	_ =	sdelay $0x3  }
0x94: {  	_ =	strace s3  }
0x95: {  	s3 =	sld [smem:$0x3FFD];
	_ =	sdelay $0x3  }
0x96: {  	_ =	strace s3  }
0x97: {  	_ =	strace $0x8FFFFFFF  }
0x98: {  	s19 =	sld [smem:$0x3FDB];
	_ =	sdelay $0x1  }
0x99: {  	s4 =	simm.s32 $_scs_section_size  }
0x9a: {  	s5 =	simm.s32 $_size__tile_overlayer_lowered;
	s6 =	simm.s32 $_tile_overlayer_lowered  }
0x9b: {  	s22 =	simm.s32 $0x1BFF;
	s21 =	sshll.u32 s6, $0x1;
	s3 =	sadd.s32 s4, s19  }
0x9c: {  	s7 =	simm.s32 $0x0;
	s20 =	sshll.u32 s5, $0x1;
	s5 =	sadd.s32 s21, s3  }
0x9d: {  	[timem:s7], [sflag:s22] =	dma.local [hbm:s5], s20  }
0x9e: {  	_ =	swait.ge [sflag:s22], s20  }
0x9f: {  	s4 =	ssub.s32 $0x0, s20;
	[sflag:s22] =	ssyncset.done $0x0  }
0xa0: {  	[sflag:s22] =	ssyncadd.s32 s4;
	_ =	sdelay $0x1  }
0xa1: {  	s23 =	simm.s32 $0x1B8B  }
0xa2: {  	_ =	swait.ge [sflag:s23], $0x1  }
0xa3: {  	[sflag:s23] =	ssyncset.done $0x0  }
0xa4: {  	s25 =	simm.s32 $0x1B8E;
	s24 =	sld [smem:$0x3FFE];
	[sflag:s23] =	ssyncadd.s32 $0xFFFFFFFF  }
0xa5: {  	s26 =	simm.s32 $execute0_lowered;
	[smem:$0x3FD2] =	sst s25  }
0xa6: {  	s5 =	sshll.u32 s26, $0x1;
	_ =	strace $0x80000049;
	[dreg:$0x1] =	wrdreg $0xFFFFFFFF  }
0xa7: {  	s28 =	simm.s32 $_size_execute0_lowered;
	s3 =	sadd.s32 s3, s5;
	[dreg:$0x0] =	wrdreg $0x0  }
0xa8: {  	s5 =	sshll.u32 s28, $0x1;
	[dreg:$0x2] =	wrdreg s3  }
0xa9: {  	[dreg:$0x3] =	wrdreg s5  }
0xaa: {  	[dreg:$0x4] =	wrdreg $0xC0  }
0xab: {  	_ =	task [dreg:s7], $0x5FFFF  }
0xac: {  	[dreg:$0x1] =	wrdreg $0xFFFFFFFF  }
0xad: {  	[dreg:$0x0] =	wrdreg $0x60  }
0xae: {  	[dreg:$0x2] =	wrdreg s2  }
0xaf: {  	[dreg:$0x3] =	wrdreg s24  }
0xb0: {  	[dreg:$0x4] =	wrdreg $0x0  }
0xb1: {  	[dreg:$0x5] =	wrdreg $0x9  }
0xb2: {  	_ =	task.clear_ibuf [dreg:s7], $0x6FFFF;
	_ =	strace $0x90000049  }
0xb3: {  	s29 =	simm.s32 $0x9;
	_ =	strace $0x8000004B  }
0xb4: {  	_ =	swait.ge [sflag:s29], $0x1  }
0xb5: {  	[sflag:s29] =	ssyncadd.s32 $0xFFFFFFFF  }
0xb6: {  	_ =	strace $0x9000004B  }
0xb7: {  	_ =	sfence  }
0xb8: {  	s30 =	sld [smem:$0x0];
	_ =	sdelay $0x2  }
0xb9: {  	s31 =	sshll.u32 s1, $0xD;
	s1 =	sshrl.u32 s1, $0x2  }
0xba: {  	s3 =	sand.u32 $0x4000, s31;
	s1 =	sadd.s32 s1, s30  }
0xbb: {  	s0 =	sor.u32 s3, s0;
	s1 =	sshll.u32 s1, $0x11  }
0xbc: {  	s0 =	sor.u32 s1, s0  }
0xbd: {  	s0 =	sadd.s32 $0x8F2B, s0  }
0xbe: {  	[sflag:s0] =	ssyncadd.remote.s32 $0x1  }
0xbf: {  	_ =	sfence.sel $0xFFFF  }
0xc0: {  	[dreg:$0x0] =	wrdreg $0xFFFFFFFF;
	(pc) =	sbr.abs _section_cstart, $3  }
0xc1: {  	[dreg:$0x1] =	wrdreg $0xFFFFFFFF  }
0xc2: {  	_ =	task.clear_ibuf [dreg:s7], $0x2FFFF;
	_ =	strace $0x9FFFFFFF  }
0xc3: {  	(tm) =	ssettm $0x7FFFFFFF  }
tec
execute0_lowered:
.L_overlay_start_1:
0x0: {  	(tag) =	ssettag $0x1  }
0x1: {  	s1 =	rddreg [dreg:$0x0]  }
0x2: {  	s0 =	rddreg [dreg:$0x1];
	s2 =	srdreg.scid  }
0x3: {  	s13 =	stileid.u32;
	s3 =	rddreg [dreg:$0x2]  }
0x4: {  	s4 =	simm.s32 $0x0;
	s31 =	simm.s32 $0x14000;
	s2 =	sand.u32 $0x1, s2  }
0x5: {  	s5 =	sshll.u32 s13, $0x1;
	[smem:$0x7FF] =	sst s4;
	s7 =	smul.u32 $0x50000, s13  }
0x6: {  	s6 =	sadd.s32 $0x3200, s0;
	s8 =	sadd.s32 $0x17400, s0;
	s9 =	smul.u32 $0x14000, s13  }
0x7: {  	s0 =	sadd.s32 $0x17800, s0;
	s16 =	smul.u32 $0xA000, s13;
	s13 =	simm.s32 $0x4  }
0x8: {  	s5 =	sor.u32 s2, s5;
	_ =	strace $0x8000004A;
	s11 =	smul.u32 $0x140000, s2  }
0x9: {  	[dreg:$0x4] =	wrdreg s8;
	s19 =	ssub.s32 $0x2, s2;
	s2 =	smul.u32 $0x5000, s2  }
0xa: {  	s5 =	smul.u32 $0x5000, s5;
	s10 =	sshrl.u32 s19, $0x1;
	s20 =	sshrl.u32 s7, $0x2  }
0xb: {  	s22 =	sadd.s32 $0x4000, s9;
	s23 =	sadd.s32 $0x8000, s9;
	s25 =	sadd.s32 $0xC000, s9  }
0xc: {  	s14 =	sadd.s32 $0x10000, s9;
	s10 =	ssub.s32 s19, s10;
	s21 =	sadd.s32 s9, s11  }
0xd: {  	s8 =	sadd.s32 s20, s3;
	s12 =	sadd.s32 s22, s3;
	s24 =	sadd.s32 s23, s3  }
0xe: {  	s26 =	sadd.s32 s25, s3;
	s15 =	sadd.s32 s11, s25;
	s20 =	sadd.s32 s2, s16  }
0xf: {  	s9 =	simm.s32 $0x18400;
	s16 =	simm.s32 $0x14300;
	[dreg:$0x7] =	wrdreg s12  }
0x10: {  	s5 =	sshrl.u32 s5, $0x3;
	s7 =	sshrl.u32 s21, $0x3;
	[dreg:$0x9] =	wrdreg s24  }
0x11: {  	[dreg:$0xb] =	wrdreg s26;
	s19 =	smax.u32 s10, $0x1;
	s21 =	sadd.s32 $0x2000, s8  }
0x12: {  	s24 =	sadd.s32 $0x6000, s8;
	s25 =	sadd.s32 $0x8000, s8;
	[dreg:$0x10] =	wrdreg s19  }
0x13: {  	s26 =	sadd.s32 $0xA000, s8;
	s28 =	sadd.s32 $0xE000, s8;
	[dreg:$0x11] =	wrdreg s21  }
0x14: {  	s29 =	sadd.s32 $0x10000, s8;
	s30 =	sadd.s32 $0x12000, s8;
	[dreg:$0x13] =	wrdreg s24  }
0x15: {  	s10 =	simm.s32 $0x14200;
	s12 =	simm.s32 $0x14080;
	[dreg:$0x14] =	wrdreg s25  }
0x16: {  	s5 =	sadd.s32 s6, s5;
	s7 =	sadd.s32 s0, s7;
	[dreg:$0x15] =	wrdreg s26  }
0x17: {  	s26 =	sadd.s32 $0xC000, s8;
	s19 =	simm.s32 $0x14380;
	[dreg:$0x5] =	wrdreg s5  }
0x18: {  	s5 =	sadd.s32 $0x40, s5;
	[dreg:$0x8] =	wrdreg s7;
	s7 =	sadd.s32 s11, s23  }
0x19: {  	s23 =	sor.u32 $0x600, s20;
	[dreg:$0x6] =	wrdreg s5;
	s5 =	sadd.s32 s11, s22  }
0x1a: {  	s7 =	sshrl.u32 s7, $0x3;
	s11 =	sadd.s32 s11, s14;
	s22 =	sadd.s32 $0x4000, s8  }
0x1b: {  	s2 =	sshrl.u32 s23, $0x3;
	s5 =	sshrl.u32 s5, $0x3;
	s7 =	sadd.s32 s0, s7  }
0x1c: {  	s18 =	sshrl.u32 s11, $0x3;
	[dreg:$0x12] =	wrdreg s22;
	s23 =	sadd.s32 s2, s6  }
0x1d: {  	s2 =	simm.s32 $0x5;
	s11 =	simm.s32 $0x1C400;
	s5 =	sadd.s32 s0, s5  }
0x1e: {  	[dreg:$0xc] =	wrdreg s7;
	s7 =	sshrl.u32 s15, $0x3;
	s15 =	simm.s32 $0x14180  }
0x1f: {  	[dreg:$0xa] =	wrdreg s5;
	s5 =	sadd.s32 s14, s3;
	s17 =	sadd.s32 s0, s7  }
0x20: {  	s0 =	sadd.s32 s0, s18;
	s7 =	simm.s32 $0x14100;
	[dreg:$0xd] =	wrdreg s5  }
0x21: {  	s14 =	simm.s32 $0x2;
	s18 =	simm.s32 $0x3;
	[dreg:$0xe] =	wrdreg s17  }
0x22: {  	[dreg:$0xf] =	wrdreg s0;
	s0 =	sor.u32 $0x400, s20;
	s5 =	simm.s32 $0x14400  }
0x23: {  	s17 =	simm.s32 $0x14280;
	s20 =	simm.s32 $0x0;
	s0 =	sshrl.u32 s0, $0x3  }
0x24: {  	s24 =	sadd.s32 s0, s6;
	s0 =	simm.s32 $0x80;
	s6 =	simm.s32 $0x1  }
.LBB2_1:
0x25: {  	s21 =	rddreg [dreg:$0x5]  }
0x26: {  	[tilespmem:s31], [sflag:$0x5] =	stream.linear.gather [hbm4b:s21+s4], $0x200, $0x38;
	[tilespmem:$0x1E400] =	vst v63  }
0x27: {  	_ =	swait.ge [sflag:s2], $0x200  }
0x28: {  	[sflag:s2] =	ssyncset.done $0x0  }
0x29: {  	[sflag:s2] =	ssyncadd.s32 $0xFFFFFE00  }
0x2a: {  	[tilespmem:s5], [sflag:$0x1] =	stream.indirect.gather [hbm4b:s1+s0], $0x80, s31, s0, $0xb8;
	[tilespmem:$0x1E400] =	vst v63  }
0x2b: {  	_ = 	snop  }
0x2c: {  	[tilespmem:s9], [sflag:$0x2] =	stream.indirect.gather [hbm4b:s1+s0], $0x80, s7, s0, $0xb8;
	[tilespmem:$0x1E400] =	vst v63  }
0x2d: {  	s25 =	rddreg [dreg:$0x6]  }
0x2e: {  	[tilespmem:s10], [sflag:$0x4] =	stream.linear.gather [hbm4b:s25+s4], $0x200, $0x38;
	[tilespmem:$0x1E400] =	vst v63  }
0x2f: {  	s22 =	rddreg [dreg:$0x4]  }
0x30: {  	[tilespmem:s11], [sflag:$0x5] =	stream.linear.gather [hbm4b:s22+s4], $0x2000, $0x38;
	[tilespmem:$0x1E400] =	vst v63  }
0x31: {  	_ =	swait.ge [sflag:s2], $0x2000  }
0x32: {  	[sflag:s2] =	ssyncset.done $0x0  }
0x33: {  	[sflag:s2] =	ssyncadd.s32 $0xFFFFE000  }
0x34: {  	[spmem:s8] =	stream.linear.scatter [tilespmem:s11], [sflag:$0x5], $0x2000, $0x38;
	[tilespmem:$0x1E400] =	vst v63  }
0x35: {  	_ =	swait.ge [sflag:s2], $0x2000  }
0x36: {  	[sflag:s2] =	ssyncset.done $0x0  }
0x37: {  	s25 =	rddreg [dreg:$0x11];
	[sflag:s2] =	ssyncadd.s32 $0xFFFFE000  }
0x38: {  	[spmem:s25] =	stream.linear.scatter [tilespmem:s11], [sflag:$0x5], $0x2000, $0x38;
	[tilespmem:$0x1E400] =	vst v63  }
0x39: {  	_ =	swait.ge [sflag:s2], $0x2000  }
0x3a: {  	[sflag:s2] =	ssyncset.done $0x0  }
0x3b: {  	s22 =	rddreg [dreg:$0x12];
	[sflag:s2] =	ssyncadd.s32 $0xFFFFE000  }
0x3c: {  	[spmem:s22] =	stream.linear.scatter [tilespmem:s11], [sflag:$0x5], $0x2000, $0x38;
	[tilespmem:$0x1E400] =	vst v63  }
0x3d: {  	_ =	swait.ge [sflag:s2], $0x2000  }
0x3e: {  	[sflag:s2] =	ssyncset.done $0x0  }
0x3f: {  	s25 =	rddreg [dreg:$0x13];
	[sflag:s2] =	ssyncadd.s32 $0xFFFFE000  }
0x40: {  	[spmem:s25] =	stream.linear.scatter [tilespmem:s11], [sflag:$0x5], $0x2000, $0x38;
	[tilespmem:$0x1E400] =	vst v63  }
0x41: {  	_ =	swait.ge [sflag:s2], $0x2000  }
0x42: {  	[sflag:s2] =	ssyncset.done $0x0  }
0x43: {  	s22 =	rddreg [dreg:$0x14];
	[sflag:s2] =	ssyncadd.s32 $0xFFFFE000  }
0x44: {  	[spmem:s22] =	stream.linear.scatter [tilespmem:s11], [sflag:$0x5], $0x2000, $0x38;
	[tilespmem:$0x1E400] =	vst v63  }
0x45: {  	_ =	swait.ge [sflag:s2], $0x2000  }
0x46: {  	[sflag:s2] =	ssyncset.done $0x0  }
0x47: {  	s25 =	rddreg [dreg:$0x15];
	[sflag:s2] =	ssyncadd.s32 $0xFFFFE000  }
0x48: {  	[spmem:s25] =	stream.linear.scatter [tilespmem:s11], [sflag:$0x5], $0x2000, $0x38;
	[tilespmem:$0x1E400] =	vst v63  }
0x49: {  	_ =	swait.ge [sflag:s2], $0x2000  }
0x4a: {  	[sflag:s2] =	ssyncset.done $0x0  }
0x4b: {  	[sflag:s2] =	ssyncadd.s32 $0xFFFFE000  }
0x4c: {  	[spmem:s26] =	stream.linear.scatter [tilespmem:s11], [sflag:$0x5], $0x2000, $0x38;
	[tilespmem:$0x1E400] =	vst v63  }
0x4d: {  	_ =	swait.ge [sflag:s2], $0x2000  }
0x4e: {  	[sflag:s2] =	ssyncset.done $0x0  }
0x4f: {  	[sflag:s2] =	ssyncadd.s32 $0xFFFFE000  }
0x50: {  	[spmem:s28] =	stream.linear.scatter [tilespmem:s11], [sflag:$0x5], $0x2000, $0x38;
	[tilespmem:$0x1E400] =	vst v63  }
0x51: {  	_ =	swait.ge [sflag:s2], $0x2000  }
0x52: {  	[sflag:s2] =	ssyncset.done $0x0  }
0x53: {  	[sflag:s2] =	ssyncadd.s32 $0xFFFFE000  }
0x54: {  	[spmem:s29] =	stream.linear.scatter [tilespmem:s11], [sflag:$0x5], $0x2000, $0x38;
	[tilespmem:$0x1E400] =	vst v63  }
0x55: {  	_ =	swait.ge [sflag:s2], $0x2000  }
0x56: {  	[sflag:s2] =	ssyncset.done $0x0  }
0x57: {  	[sflag:s2] =	ssyncadd.s32 $0xFFFFE000  }
0x58: {  	[spmem:s30] =	stream.linear.scatter [tilespmem:s11], [sflag:$0x5], $0x2000, $0x38;
	[tilespmem:$0x1E400] =	vst v63  }
0x59: {  	_ =	swait.ge [sflag:s2], $0x2000  }
0x5a: {  	[sflag:s2] =	ssyncset.done $0x0  }
0x5b: {  	[sflag:s2] =	ssyncadd.s32 $0xFFFFE000  }
0x5c: {  	[bflag:$0x0] =	sbarrier.arrive $0xFFFF  }
0x5d: {  	_ =	swait.ge [sflag:s6], $0x4000  }
0x5e: {  	[sflag:s6] =	ssyncset.done $0x0  }
0x5f: {  	[sflag:s6] =	ssyncadd.s32 $0xFFFFC000  }
0x60: {  	[spmem:s3] =	stream.indirect.scatter.add.f32 [tilespmem:s5], [sflag:$0x5], $0x80, s12, s0, $0xb8;
	[tilespmem:$0x1E400] =	vst v63  }
0x61: {  	_ =	swait.ge [sflag:s2], $0x4000  }
0x62: {  	[sflag:s2] =	ssyncset.done $0x0  }
0x63: {  	[sflag:s2] =	ssyncadd.s32 $0xFFFFC000  }
0x64: {  	_ =	swait.ge [sflag:s13], $0x200  }
0x65: {  	[sflag:s13] =	ssyncset.done $0x0  }
0x66: {  	[sflag:s13] =	ssyncadd.s32 $0xFFFFFE00  }
0x67: {  	[tilespmem:s5], [sflag:$0x1] =	stream.indirect.gather [hbm4b:s1+s0], $0x80, s10, s0, $0xb8;
	[tilespmem:$0x1E400] =	vst v63  }
0x68: {  	_ =	swait.ge [sflag:s14], $0x4000  }
0x69: {  	[sflag:s14] =	ssyncset.done $0x0  }
0x6a: {  	[sflag:s14] =	ssyncadd.s32 $0xFFFFC000  }
0x6b: {  	[spmem:s3] =	stream.indirect.scatter.add.f32 [tilespmem:s9], [sflag:$0x5], $0x80, s15, s0, $0xb8;
	[tilespmem:$0x1E400] =	vst v63  }
0x6c: {  	_ =	swait.ge [sflag:s2], $0x4000  }
0x6d: {  	[sflag:s2] =	ssyncset.done $0x0  }
0x6e: {  	s22 =	sadd.s32 $0x0, s24;
	[sflag:s2] =	ssyncadd.s32 $0xFFFFC000  }
0x6f: {  	[tilespmem:s31], [sflag:$0x3] =	stream.linear.gather [hbm4b:s22+s4], $0x200, $0x38;
	[tilespmem:$0x1E400] =	vst v63  }
0x70: {  	_ = 	snop  }
0x71: {  	[tilespmem:s9], [sflag:$0x2] =	stream.indirect.gather [hbm4b:s1+s0], $0x80, s16, s0, $0xb8;
	[tilespmem:$0x1E400] =	vst v63  }
0x72: {  	_ =	swait.ge [sflag:s6], $0x4000  }
0x73: {  	[sflag:s6] =	ssyncset.done $0x0  }
0x74: {  	[sflag:s6] =	ssyncadd.s32 $0xFFFFC000  }
0x75: {  	[spmem:s3] =	stream.indirect.scatter.add.f32 [tilespmem:s5], [sflag:$0x5], $0x80, s17, s0, $0xb8;
	[tilespmem:$0x1E400] =	vst v63  }
0x76: {  	_ =	swait.ge [sflag:s2], $0x4000  }
0x77: {  	[sflag:s2] =	ssyncset.done $0x0  }
0x78: {  	[sflag:s2] =	ssyncadd.s32 $0xFFFFC000  }
0x79: {  	_ =	swait.ge [sflag:s18], $0x200  }
0x7a: {  	[sflag:s18] =	ssyncset.done $0x0  }
0x7b: {  	[sflag:s18] =	ssyncadd.s32 $0xFFFFFE00  }
0x7c: {  	[tilespmem:s5], [sflag:$0x1] =	stream.indirect.gather [hbm4b:s1+s0], $0x80, s31, s0, $0xb8;
	[tilespmem:$0x1E400] =	vst v63  }
0x7d: {  	_ =	swait.ge [sflag:s14], $0x4000  }
0x7e: {  	[sflag:s14] =	ssyncset.done $0x0  }
0x7f: {  	[sflag:s14] =	ssyncadd.s32 $0xFFFFC000  }
0x80: {  	[spmem:s3] =	stream.indirect.scatter.add.f32 [tilespmem:s9], [sflag:$0x5], $0x80, s19, s0, $0xb8;
	[tilespmem:$0x1E400] =	vst v63  }
0x81: {  	_ =	swait.ge [sflag:s2], $0x4000  }
0x82: {  	[sflag:s2] =	ssyncset.done $0x0  }
0x83: {  	s21 =	simm.s32 $0x80;
	s25 =	sadd.s32 $0x0, s23;
	[sflag:s2] =	ssyncadd.s32 $0xFFFFC000  }
0x84: {  	[tilespmem:s10], [sflag:$0x4] =	stream.linear.gather [hbm4b:s25+s4], $0x200, $0x38;
	[tilespmem:$0x1E400] =	vst v63  }
.LBB2_2:
0x85: {  	[tilespmem:s9], [sflag:$0x2] =	stream.indirect.gather [hbm4b:s1+s0], $0x80, s7, s0, $0xb8;
	[tilespmem:$0x1E400] =	vst v63  }
0x86: {  	s22 =	smov.u32 s21  }
0x87: {  	p0 =	sne.s32 s21, $0x900;
	s21 =	sadd.s32 $0x80, s21;
	_ =	swait.ge [sflag:s6], $0x4000  }
0x88: {  	[sflag:s6] =	ssyncset.done $0x0  }
0x89: {  	[sflag:s6] =	ssyncadd.s32 $0xFFFFC000  }
0x8a: {  	[spmem:s3] =	stream.indirect.scatter.add.f32 [tilespmem:s5], [sflag:$0x5], $0x80, s12, s0, $0xb8;
	[tilespmem:$0x1E400] =	vst v63  }
0x8b: {  	_ =	swait.ge [sflag:s2], $0x4000  }
0x8c: {  	[sflag:s2] =	ssyncset.done $0x0  }
0x8d: {  	[sflag:s2] =	ssyncadd.s32 $0xFFFFC000  }
0x8e: {  	_ =	swait.ge [sflag:s13], $0x200  }
0x8f: {  	[sflag:s13] =	ssyncset.done $0x0  }
0x90: {  	[sflag:s13] =	ssyncadd.s32 $0xFFFFFE00  }
0x91: {  	[tilespmem:s5], [sflag:$0x1] =	stream.indirect.gather [hbm4b:s1+s0], $0x80, s10, s0, $0xb8;
	[tilespmem:$0x1E400] =	vst v63  }
0x92: {  	_ =	swait.ge [sflag:s14], $0x4000  }
0x93: {  	[sflag:s14] =	ssyncset.done $0x0  }
0x94: {  	[sflag:s14] =	ssyncadd.s32 $0xFFFFC000  }
0x95: {  	[spmem:s3] =	stream.indirect.scatter.add.f32 [tilespmem:s9], [sflag:$0x5], $0x80, s15, s0, $0xb8;
	[tilespmem:$0x1E400] =	vst v63  }
0x96: {  	_ =	swait.ge [sflag:s2], $0x4000  }
0x97: {  	[sflag:s2] =	ssyncset.done $0x0  }
0x98: {  	s25 =	sadd.s32 s22, s24;
	[sflag:s2] =	ssyncadd.s32 $0xFFFFC000  }
0x99: {  	[tilespmem:s31], [sflag:$0x3] =	stream.linear.gather [hbm4b:s25+s4], $0x200, $0x38;
	[tilespmem:$0x1E400] =	vst v63  }
0x9a: {  	_ = 	snop  }
0x9b: {  	[tilespmem:s9], [sflag:$0x2] =	stream.indirect.gather [hbm4b:s1+s0], $0x80, s16, s0, $0xb8;
	[tilespmem:$0x1E400] =	vst v63  }
0x9c: {  	_ =	swait.ge [sflag:s6], $0x4000  }
0x9d: {  	[sflag:s6] =	ssyncset.done $0x0  }
0x9e: {  	[sflag:s6] =	ssyncadd.s32 $0xFFFFC000  }
0x9f: {  	[spmem:s3] =	stream.indirect.scatter.add.f32 [tilespmem:s5], [sflag:$0x5], $0x80, s17, s0, $0xb8;
	[tilespmem:$0x1E400] =	vst v63  }
0xa0: {  	_ =	swait.ge [sflag:s2], $0x4000  }
0xa1: {  	[sflag:s2] =	ssyncset.done $0x0  }
0xa2: {  	[sflag:s2] =	ssyncadd.s32 $0xFFFFC000  }
0xa3: {  	_ =	swait.ge [sflag:s18], $0x200  }
0xa4: {  	[sflag:s18] =	ssyncset.done $0x0  }
0xa5: {  	[sflag:s18] =	ssyncadd.s32 $0xFFFFFE00  }
0xa6: {  	[tilespmem:s5], [sflag:$0x1] =	stream.indirect.gather [hbm4b:s1+s0], $0x80, s31, s0, $0xb8;
	[tilespmem:$0x1E400] =	vst v63  }
0xa7: {  	_ =	swait.ge [sflag:s14], $0x4000  }
0xa8: {  	[sflag:s14] =	ssyncset.done $0x0  }
0xa9: {  	[sflag:s14] =	ssyncadd.s32 $0xFFFFC000  }
0xaa: {  	[spmem:s3] =	stream.indirect.scatter.add.f32 [tilespmem:s9], [sflag:$0x5], $0x80, s19, s0, $0xb8;
	[tilespmem:$0x1E400] =	vst v63  }
.Ltmp0:
0xab: {  	_ = 	snop;
	(pc) =	sbr.rel @p0 .LBB2_2-.Ltmp0, $4  }
0xac: {  	_ =	swait.ge [sflag:s2], $0x4000  }
0xad: {  	[sflag:s2] =	ssyncset.done $0x0  }
0xae: {  	s22 =	sadd.s32 s22, s23;
	[sflag:s2] =	ssyncadd.s32 $0xFFFFC000  }
0xaf: {  	[tilespmem:s10], [sflag:$0x4] =	stream.linear.gather [hbm4b:s22+s4], $0x200, $0x38;
	[tilespmem:$0x1E400] =	vst v63  }
0xb0: {  	[tilespmem:s9], [sflag:$0x2] =	stream.indirect.gather [hbm4b:s1+s0], $0x80, s7, s0, $0xb8;
	[tilespmem:$0x1E400] =	vst v63  }
0xb1: {  	_ =	swait.ge [sflag:s6], $0x4000  }
0xb2: {  	[sflag:s6] =	ssyncset.done $0x0  }
0xb3: {  	[sflag:s6] =	ssyncadd.s32 $0xFFFFC000  }
0xb4: {  	[spmem:s3] =	stream.indirect.scatter.add.f32 [tilespmem:s5], [sflag:$0x5], $0x80, s12, s0, $0xb8;
	[tilespmem:$0x1E400] =	vst v63  }
0xb5: {  	_ =	swait.ge [sflag:s2], $0x4000  }
0xb6: {  	[sflag:s2] =	ssyncset.done $0x0  }
0xb7: {  	[sflag:s2] =	ssyncadd.s32 $0xFFFFC000  }
0xb8: {  	_ =	swait.ge [sflag:s13], $0x200  }
0xb9: {  	[sflag:s13] =	ssyncset.done $0x0  }
0xba: {  	[sflag:s13] =	ssyncadd.s32 $0xFFFFFE00  }
0xbb: {  	[tilespmem:s5], [sflag:$0x1] =	stream.indirect.gather [hbm4b:s1+s0], $0x80, s10, s0, $0xb8;
	[tilespmem:$0x1E400] =	vst v63  }
0xbc: {  	_ =	swait.ge [sflag:s14], $0x4000  }
0xbd: {  	[sflag:s14] =	ssyncset.done $0x0  }
0xbe: {  	[sflag:s14] =	ssyncadd.s32 $0xFFFFC000  }
0xbf: {  	[spmem:s3] =	stream.indirect.scatter.add.f32 [tilespmem:s9], [sflag:$0x5], $0x80, s15, s0, $0xb8;
	[tilespmem:$0x1E400] =	vst v63  }
0xc0: {  	_ =	swait.ge [sflag:s2], $0x4000  }
0xc1: {  	[sflag:s2] =	ssyncset.done $0x0  }
0xc2: {  	[sflag:s2] =	ssyncadd.s32 $0xFFFFC000  }
0xc3: {  	[tilespmem:s9], [sflag:$0x2] =	stream.indirect.gather [hbm4b:s1+s0], $0x80, s16, s0, $0xb8;
	[tilespmem:$0x1E400] =	vst v63  }
0xc4: {  	_ =	swait.ge [sflag:s6], $0x4000  }
0xc5: {  	[sflag:s6] =	ssyncset.done $0x0  }
0xc6: {  	[sflag:s6] =	ssyncadd.s32 $0xFFFFC000  }
0xc7: {  	[spmem:s3] =	stream.indirect.scatter.add.f32 [tilespmem:s5], [sflag:$0x5], $0x80, s17, s0, $0xb8;
	[tilespmem:$0x1E400] =	vst v63  }
0xc8: {  	_ =	swait.ge [sflag:s2], $0x4000  }
0xc9: {  	[sflag:s2] =	ssyncset.done $0x0  }
0xca: {  	[sflag:s2] =	ssyncadd.s32 $0xFFFFC000  }
0xcb: {  	_ =	swait.ge [sflag:s14], $0x4000  }
0xcc: {  	[sflag:s14] =	ssyncset.done $0x0  }
0xcd: {  	[sflag:s14] =	ssyncadd.s32 $0xFFFFC000  }
0xce: {  	[spmem:s3] =	stream.indirect.scatter.add.f32 [tilespmem:s9], [sflag:$0x5], $0x80, s19, s0, $0xb8;
	[tilespmem:$0x1E400] =	vst v63  }
0xcf: {  	_ =	swait.ge [sflag:s2], $0x4000  }
0xd0: {  	[sflag:s2] =	ssyncset.done $0x0  }
0xd1: {  	[sflag:s2] =	ssyncadd.s32 $0xFFFFC000  }
0xd2: {  	[bflag:$0x0] =	sbarrier.arrive $0xFFFF  }
0xd3: {  	[tilespmem:s5], [sflag:$0x1] =	stream.linear.gather [spmem:s8], $0x4000, $0x38;
	[tilespmem:$0x1E400] =	vst v63  }
0xd4: {  	s21 =	rddreg [dreg:$0x7]  }
0xd5: {  	[tilespmem:s9], [sflag:$0x2] =	stream.linear.gather [spmem:s21], $0x4000, $0x38;
	[tilespmem:$0x1E400] =	vst v63  }
0xd6: {  	_ =	swait.ge [sflag:s6], $0x4000  }
0xd7: {  	[sflag:s6] =	ssyncset.done $0x0  }
0xd8: {  	s25 =	rddreg [dreg:$0x8];
	[sflag:s6] =	ssyncadd.s32 $0xFFFFC000  }
0xd9: {  	[hbm4b:s25+s4] =	stream.linear.scatter [tilespmem:s5], [sflag:$0x3], $0x4000, $0x38;
	[tilespmem:$0x1E400] =	vst v63  }
0xda: {  	_ =	swait.ge [sflag:s18], $0x4000  }
0xdb: {  	[sflag:s18] =	ssyncset.done $0x0  }
0xdc: {  	s22 =	rddreg [dreg:$0x9];
	[sflag:s18] =	ssyncadd.s32 $0xFFFFC000  }
0xdd: {  	[tilespmem:s5], [sflag:$0x1] =	stream.linear.gather [spmem:s22], $0x4000, $0x38;
	[tilespmem:$0x1E400] =	vst v63  }
0xde: {  	_ =	swait.ge [sflag:s14], $0x4000  }
0xdf: {  	[sflag:s14] =	ssyncset.done $0x0  }
0xe0: {  	s25 =	rddreg [dreg:$0xa];
	[sflag:s14] =	ssyncadd.s32 $0xFFFFC000  }
0xe1: {  	[hbm4b:s25+s4] =	stream.linear.scatter [tilespmem:s9], [sflag:$0x4], $0x4000, $0x38;
	[tilespmem:$0x1E400] =	vst v63  }
0xe2: {  	_ =	swait.ge [sflag:s13], $0x4000  }
0xe3: {  	[sflag:s13] =	ssyncset.done $0x0  }
0xe4: {  	s22 =	rddreg [dreg:$0xb];
	[sflag:s13] =	ssyncadd.s32 $0xFFFFC000  }
0xe5: {  	[tilespmem:s9], [sflag:$0x2] =	stream.linear.gather [spmem:s22], $0x4000, $0x38;
	[tilespmem:$0x1E400] =	vst v63  }
0xe6: {  	_ =	swait.ge [sflag:s6], $0x4000  }
0xe7: {  	[sflag:s6] =	ssyncset.done $0x0  }
0xe8: {  	s25 =	rddreg [dreg:$0xc];
	[sflag:s6] =	ssyncadd.s32 $0xFFFFC000  }
0xe9: {  	[hbm4b:s25+s4] =	stream.linear.scatter [tilespmem:s5], [sflag:$0x3], $0x4000, $0x38;
	[tilespmem:$0x1E400] =	vst v63  }
0xea: {  	_ =	swait.ge [sflag:s18], $0x4000  }
0xeb: {  	[sflag:s18] =	ssyncset.done $0x0  }
0xec: {  	s22 =	rddreg [dreg:$0xd];
	[sflag:s18] =	ssyncadd.s32 $0xFFFFC000  }
0xed: {  	[tilespmem:s5], [sflag:$0x1] =	stream.linear.gather [spmem:s22], $0x4000, $0x38;
	[tilespmem:$0x1E400] =	vst v63  }
0xee: {  	_ =	swait.ge [sflag:s14], $0x4000  }
0xef: {  	[sflag:s14] =	ssyncset.done $0x0  }
0xf0: {  	s25 =	rddreg [dreg:$0xe];
	[sflag:s14] =	ssyncadd.s32 $0xFFFFC000  }
0xf1: {  	[hbm4b:s25+s4] =	stream.linear.scatter [tilespmem:s9], [sflag:$0x4], $0x4000, $0x38;
	[tilespmem:$0x1E400] =	vst v63  }
0xf2: {  	_ =	swait.ge [sflag:s13], $0x4000  }
0xf3: {  	[sflag:s13] =	ssyncset.done $0x0  }
0xf4: {  	[sflag:s13] =	ssyncadd.s32 $0xFFFFC000  }
0xf5: {  	_ =	swait.ge [sflag:s6], $0x4000  }
0xf6: {  	[sflag:s6] =	ssyncset.done $0x0  }
0xf7: {  	s22 =	rddreg [dreg:$0xf];
	[sflag:s6] =	ssyncadd.s32 $0xFFFFC000  }
0xf8: {  	[hbm4b:s22+s4] =	stream.linear.scatter [tilespmem:s5], [sflag:$0x3], $0x4000, $0x38;
	[tilespmem:$0x1E400] =	vst v63  }
0xf9: {  	_ =	swait.ge [sflag:s18], $0x4000  }
0xfa: {  	s20 =	sadd.s32 $0x1, s20;
	s25 =	rddreg [dreg:$0x10]  }
0xfb: {  	p0 =	sne.s32 s20, s25  }
.Ltmp1:
0xfc: {  	_ = 	snop;
	(pc) =	sbr.rel @p0 .LBB2_1-.Ltmp1, $3  }
0xfd: {  	_ =	sdelay $0x1  }
0xfe: {  	[sflag:s18] =	ssyncset.done $0x0  }
0xff: {  	[sflag:s18] =	ssyncadd.s32 $0xFFFFC000  }
0x100: {  	_ =	sfence.sel $0x180000  }
0x101: {  	[bflag:$0x0] =	sbarrier.arrive $0xFFFF  }
0x102: {  	_ =	strace $0x9000004A  }
0x103: {  	s0 =	stileid.u32;
	[bflag:$0x2] =	sbarrier.arrive $0xFFFF  }
0x104: {  	p0 =	sne.s32 s0, $0x0;
	s0 =	rddreg [dreg:$0x3]  }
0x105: {  	s0 =	sadd.s32 @!p0 $0x100000, s0  }
0x106: {  	[sflag:s0] =	ssyncadd.tile.s32 @!p0 $0x1;
	_ =	shalt  }
.Lfunc_end2:
_tile_overlayer_lowered:
.L_overlay_start_2:
0x107: {  	(tag) =	ssettag $0x2  }
0x108: {  	s0 =	rddreg [dreg:$0x0];
	s2 =	stileid.u32  }
0x109: {  	s1 =	rddreg [dreg:$0x1];
	p0 =	sne.s32 s2, $0x0  }
0x10a: {  	s3 =	rddreg [dreg:$0x2];
	[bflag:$0x3] =	sbarrier.arrive $0xFFFF;
	s2 =	simm.s32 @!p0 $0x1C05  }
0x10b: {  	[timem:s3], [sflag:s2] =	dma.local @!p0 [hbm:s0], s1  }
0x10c: {  	s0 =	simm.s32 @!p0 $0x5  }
0x10d: {  	_ =	swait.ge @!p0 [sflag:s0], s1  }
0x10e: {  	s1 =	ssub.s32 @!p0 $0x0, s1;
	[sflag:s0] =	ssyncset.done @!p0 $0x0  }
0x10f: {  	[sflag:s0] =	ssyncadd.s32 @!p0 s1  }
0x110: {  	[bflag:$0x3] =	sbarrier.arrive $0xFFFF  }
0x111: {  	_ =	shalt  }

// kernel: kernel.14.cloned.1.call-start
scs
__scs_entry_jumppad:
0x0: {  	(pc) =	sbr.rel $0x88, $3  }
0x1: {  	(tag) =	ssettag $0x0;
	lr =	simm.s32 $0x1  }
0x2: {  	[smem:$0x3F96] =	sst lr;
	_ =	strace $0xD0000000  }
0x3: {  	_ = 	snop  }
0x4: {  	_ = 	snop  }
0x5: {  	_ = 	snop  }
0x6: {  	_ = 	snop  }
0x7: {  	_ = 	snop  }
__scs_overlays_trampoline_lowered:
0x8: {  	[smem:$0x3FA5] =	sst s0  }
0x9: {  	[smem:$0x3FA6] =	sst s1  }
0xa: {  	[smem:$0x3FA7] =	sst s2  }
0xb: {  	[smem:$0x3FA8] =	sst s3  }
0xc: {  	[smem:$0x3FA9] =	sst s4  }
0xd: {  	[smem:$0x3FAA] =	sst s5  }
0xe: {  	[smem:$0x3FAB] =	sst s6  }
0xf: {  	[smem:$0x3FAC] =	sst s7  }
0x10: {  	[smem:$0x3FAD] =	sst s8  }
0x11: {  	[smem:$0x3FAE] =	sst s9;
	s0 =	simm.s32 @!p0 $0x0  }
0x12: {  	s1 =	sld [smem:$0x3F94];
	s0 =	simm.s32 @p0 $0x1  }
0x13: {  	[smem:$0x3FAF] =	sst s0;
	s0 =	simm.s32 @!p1 $0x0  }
0x14: {  	s2 =	sld [smem:$0x3F93];
	s0 =	simm.s32 @p1 $0x1  }
0x15: {  	[smem:$0x3FB0] =	sst s0;
	s0 =	simm.s32 @!p2 $0x0  }
0x16: {  	s3 =	sld [smem:$0x3FDB];
	s0 =	simm.s32 @p2 $0x1  }
0x17: {  	s4 =	simm.s32 $0x1BF5;
	[smem:$0x3FB2] =	sst s0  }
0x18: {  	s0 =	sld [smem:$0x3F95];
	_ =	swait.ge [sflag:s4], $0x0  }
0x19: {  	s7 =	sld [smem:$0x3F96]  }
0x1a: {  	s8 =	sadd.s32 $0xFFFFE003, lr  }
0x1b: {  	s9 =	sadd.s32 $0xFFFFFEF7, lr;
	s5 =	simm.s32 $0xFFFFFFFF;
	p2 =	slt.u32 s8, $0xFFFFF086  }
0x1c: {  	p1 =	slt.u32 s9, $0xF7A;
	s5 =	simm.s32 @!p2 $0x0  }
0x1d: {  	s5 =	simm.s32 @p1 $0x1;
	p0 =	seq.s32 s7, s2  }
0x1e: {  	s7 =	smul.u32 @!p0 $0xF7A, s2;
	p2 =	seq.s32 @!p0 s5, $0x0  }
0x1f: {  	s9 =	smul.u32 $0xF7A, s1;
	s8 =	simm.s32 @!p0 $0x1BF5;
	p2 =	por !p2, p0  }
0x20: {  	[sflag:s8] =	ssyncset.s32 @!p0 $0xFFFFF086;
	s6 =	sadd.s32 @!p0 s3, s7;
	s7 =	simm.s32 @!p0 $0x108  }
0x21: {  	s3 =	sadd.s32 s3, s9;
	s6 =	sadd.s32 @!p0 $0x88, s6;
	s7 =	simm.s32 @p2 $0x1082  }
0x22: {  	[simem:s7], [sflag:s8] =	dma.local @!p0 [hbm:s6], $0xF7A  }
0x23: {  	s9 =	sor.u32 $0xD0000000, s2;
	s6 =	simm.s32 $0x108;
	_ =	swait.ge @!p0 [sflag:s8], $0x0  }
0x24: {  	s3 =	sadd.s32 $0x88, s3;
	s6 =	simm.s32 @!p1 $0x1082;
	[sflag:s4] =	ssyncset.s32 $0xFFFFF086  }
0x25: {  	[simem:s6], [sflag:s4] =	dma.local [hbm:s3], $0xF7A  }
0x26: {  	[smem:$0x3F96] =	sst s1;
	(tag) =	ssettag s2;
	_ =	strace s9  }
0x27: {  	s1 =	sld [smem:$0x3FA6]  }
0x28: {  	s2 =	sld [smem:$0x3FA7]  }
0x29: {  	s4 =	sld [smem:$0x3FA9]  }
0x2a: {  	p0 =	seq.s32 s5, $0x0;
	s5 =	sld [smem:$0x3FAA]  }
0x2b: {  	s6 =	sld [smem:$0x3FAB]  }
0x2c: {  	s7 =	sld [smem:$0x3FAC]  }
0x2d: {  	s3 =	simm.s32 $0x108;
	s8 =	sld [smem:$0x3FAD]  }
0x2e: {  	s3 =	simm.s32 @!p0 $0x1082;
	s9 =	sld [smem:$0x3FAE]  }
0x2f: {  	lr =	sadd.s32 s0, s3;
	s0 =	sld [smem:$0x3FA5]  }
0x30: {  	s3 =	sld [smem:$0x3FA8]  }
0x31: {  	[smem:$0x3FB1] =	sst s10  }
0x32: {  	s10 =	sld [smem:$0x3FAF];
	_ =	sdelay $0x3  }
0x33: {  	p0 =	seq.s32 s10, $0x1;
	s10 =	sld [smem:$0x3FB1];
	_ =	sdelay $0x3  }
0x34: {  	[smem:$0x3FB1] =	sst s10  }
0x35: {  	s10 =	sld [smem:$0x3FB0];
	_ =	sdelay $0x3  }
0x36: {  	p1 =	seq.s32 s10, $0x1;
	s10 =	sld [smem:$0x3FB1];
	_ =	sdelay $0x3  }
0x37: {  	[smem:$0x3FB1] =	sst s10  }
0x38: {  	s10 =	sld [smem:$0x3FB2]  }
0x39: {  	_ = 	snop;
	(pc) =	sbr.ind lr, $3  }
0x3a: {  	_ = 	snop  }
0x3b: {  	_ = 	snop  }
0x3c: {  	p2 =	seq.s32 s10, $0x1;
	s10 =	sld [smem:$0x3FB1]  }
0x3d: {  	_ =	shalt  }
0x3e: {  	_ =	shalt  }
0x3f: {  	_ =	shalt  }
0x40: {  	_ =	shalt  }
0x41: {  	_ =	shalt  }
0x42: {  	_ =	shalt  }
0x43: {  	_ =	shalt  }
0x44: {  	_ =	shalt  }
0x45: {  	_ =	shalt  }
0x46: {  	_ =	shalt  }
0x47: {  	_ =	shalt  }
0x48: {  	_ =	shalt  }
0x49: {  	_ =	shalt  }
0x4a: {  	_ =	shalt  }
0x4b: {  	_ =	shalt  }
0x4c: {  	_ =	shalt  }
0x4d: {  	_ =	shalt  }
0x4e: {  	_ =	shalt  }
0x4f: {  	_ =	shalt  }
0x50: {  	_ =	shalt  }
0x51: {  	_ =	shalt  }
0x52: {  	_ =	shalt  }
0x53: {  	_ =	shalt  }
0x54: {  	_ =	shalt  }
0x55: {  	_ =	shalt  }
0x56: {  	_ =	shalt  }
0x57: {  	_ =	shalt  }
0x58: {  	_ =	shalt  }
0x59: {  	_ =	shalt  }
0x5a: {  	_ =	shalt  }
0x5b: {  	_ =	shalt  }
0x5c: {  	_ =	shalt  }
0x5d: {  	_ =	shalt  }
0x5e: {  	_ =	shalt  }
0x5f: {  	_ =	shalt  }
0x60: {  	_ =	shalt  }
0x61: {  	_ =	shalt  }
0x62: {  	_ =	shalt  }
0x63: {  	_ =	shalt  }
0x64: {  	_ =	shalt  }
0x65: {  	_ =	shalt  }
0x66: {  	_ =	shalt  }
0x67: {  	_ =	shalt  }
0x68: {  	_ =	shalt  }
0x69: {  	_ =	shalt  }
0x6a: {  	_ =	shalt  }
0x6b: {  	_ =	shalt  }
0x6c: {  	_ =	shalt  }
0x6d: {  	_ =	shalt  }
0x6e: {  	_ =	shalt  }
0x6f: {  	_ =	shalt  }
0x70: {  	_ =	shalt  }
0x71: {  	_ =	shalt  }
0x72: {  	_ =	shalt  }
0x73: {  	_ =	shalt  }
0x74: {  	_ =	shalt  }
0x75: {  	_ =	shalt  }
0x76: {  	_ =	shalt  }
0x77: {  	_ =	shalt  }
0x78: {  	_ =	shalt  }
0x79: {  	_ =	shalt  }
0x7a: {  	_ =	shalt  }
0x7b: {  	_ =	shalt  }
0x7c: {  	_ =	shalt  }
0x7d: {  	_ =	shalt  }
0x7e: {  	_ =	shalt  }
0x7f: {  	_ =	shalt  }
0x80: {  	_ =	shalt  }
0x81: {  	_ =	shalt  }
0x82: {  	_ =	shalt  }
0x83: {  	_ =	shalt  }
0x84: {  	_ =	shalt  }
0x85: {  	_ =	shalt  }
0x86: {  	_ =	shalt  }
0x87: {  	_ =	shalt  }
.Lfunc_end0:
.L_simem_size_0:
called_computation.2_lowered:
.L_overlay_start_0:
0x88: {  	s2 =	sld [smem:$0x3FD9]  }
0x89: {  	s3 =	sld [smem:$0x3FFE];
	_ =	sdelay $0x1  }
0x8a: {  	s1 =	srdreg.scid  }
0x8b: {  	s0 =	sand.u32 $0x1, s1  }
0x8c: {  	s17 =	sshll.u32 s0, $0xA;
	s2 =	sadd.s32 s3, s2  }
0x8d: {  	s2 =	sadd.s32 s2, s17  }
0x8e: {  	[smem:$0x3FBD] =	sst s2  }
0x8f: {  	_ = 	snop  }
0x90: {  	s2 =	sld [smem:$0x3FD0];
	(tm) =	ssettm $0x1  }
0x91: {  	s18 =	sld [smem:$0x3FFB];
	_ =	sdelay $0x3  }
0x92: {  	_ =	strace s18  }
0x93: {  	s3 =	sld [smem:$0x3FFC];
	_ =	sdelay $0x3  }
0x94: {  	_ =	strace s3  }
0x95: {  	s3 =	sld [smem:$0x3FFD];
	_ =	sdelay $0x3  }
0x96: {  	_ =	strace s3  }
0x97: {  	_ =	strace $0x8FFFFFFF  }
0x98: {  	s19 =	sld [smem:$0x3FDB];
	_ =	sdelay $0x1  }
0x99: {  	s4 =	simm.s32 $_scs_section_size  }
0x9a: {  	s5 =	simm.s32 $_size__tile_overlayer_lowered;
	s6 =	simm.s32 $_tile_overlayer_lowered  }
0x9b: {  	s22 =	simm.s32 $0x1BFF;
	s21 =	sshll.u32 s6, $0x1;
	s3 =	sadd.s32 s4, s19  }
0x9c: {  	s7 =	simm.s32 $0x0;
	s20 =	sshll.u32 s5, $0x1;
	s5 =	sadd.s32 s21, s3  }
0x9d: {  	[timem:s7], [sflag:s22] =	dma.local [hbm:s5], s20  }
0x9e: {  	_ =	swait.ge [sflag:s22], s20  }
0x9f: {  	s4 =	ssub.s32 $0x0, s20;
	[sflag:s22] =	ssyncset.done $0x0  }
0xa0: {  	[sflag:s22] =	ssyncadd.s32 s4;
	_ =	sdelay $0x1  }
0xa1: {  	s23 =	simm.s32 $0x1B8B  }
0xa2: {  	_ =	swait.ge [sflag:s23], $0x1  }
0xa3: {  	[sflag:s23] =	ssyncset.done $0x0  }
0xa4: {  	s25 =	simm.s32 $0x1B8E;
	s24 =	sld [smem:$0x3FFE];
	[sflag:s23] =	ssyncadd.s32 $0xFFFFFFFF  }
0xa5: {  	s26 =	simm.s32 $execute0_lowered;
	[smem:$0x3FD2] =	sst s25  }
0xa6: {  	s5 =	sshll.u32 s26, $0x1;
	_ =	strace $0x8000004C;
	[dreg:$0x1] =	wrdreg $0xFFFFFFFF  }
0xa7: {  	s28 =	simm.s32 $_size_execute0_lowered;
	s3 =	sadd.s32 s3, s5;
	[dreg:$0x0] =	wrdreg $0x0  }
0xa8: {  	s5 =	sshll.u32 s28, $0x1;
	[dreg:$0x2] =	wrdreg s3  }
0xa9: {  	[dreg:$0x3] =	wrdreg s5  }
0xaa: {  	[dreg:$0x4] =	wrdreg $0xC0  }
0xab: {  	_ =	task [dreg:s7], $0x5FFFF  }
0xac: {  	[dreg:$0x1] =	wrdreg $0xFFFFFFFF  }
0xad: {  	[dreg:$0x0] =	wrdreg $0x60  }
0xae: {  	[dreg:$0x2] =	wrdreg s2  }
0xaf: {  	[dreg:$0x3] =	wrdreg s24  }
0xb0: {  	[dreg:$0x4] =	wrdreg $0x0  }
0xb1: {  	[dreg:$0x5] =	wrdreg $0x9  }
0xb2: {  	_ =	task.clear_ibuf [dreg:s7], $0x6FFFF;
	_ =	strace $0x9000004C  }
0xb3: {  	s29 =	simm.s32 $0x9;
	_ =	strace $0x8000004E  }
0xb4: {  	_ =	swait.ge [sflag:s29], $0x1  }
0xb5: {  	[sflag:s29] =	ssyncadd.s32 $0xFFFFFFFF  }
0xb6: {  	_ =	strace $0x9000004E  }
0xb7: {  	_ =	sfence  }
0xb8: {  	s30 =	sld [smem:$0x0];
	_ =	sdelay $0x2  }
0xb9: {  	s31 =	sshll.u32 s1, $0xD;
	s1 =	sshrl.u32 s1, $0x2  }
0xba: {  	s3 =	sand.u32 $0x4000, s31;
	s1 =	sadd.s32 s1, s30  }
0xbb: {  	s0 =	sor.u32 s3, s0;
	s1 =	sshll.u32 s1, $0x11  }
0xbc: {  	s0 =	sor.u32 s1, s0  }
0xbd: {  	s0 =	sadd.s32 $0x8F2B, s0  }
0xbe: {  	[sflag:s0] =	ssyncadd.remote.s32 $0x1  }
0xbf: {  	_ =	sfence.sel $0xFFFF  }
0xc0: {  	[dreg:$0x0] =	wrdreg $0xFFFFFFFF;
	(pc) =	sbr.abs _section_cstart, $3  }
0xc1: {  	[dreg:$0x1] =	wrdreg $0xFFFFFFFF  }
0xc2: {  	_ =	task.clear_ibuf [dreg:s7], $0x2FFFF;
	_ =	strace $0x9FFFFFFF  }
0xc3: {  	(tm) =	ssettm $0x7FFFFFFF  }
tec
execute0_lowered:
.L_overlay_start_1:
0x0: {  	(tag) =	ssettag $0x1  }
0x1: {  	s1 =	rddreg [dreg:$0x0]  }
0x2: {  	s0 =	rddreg [dreg:$0x1];
	s2 =	srdreg.scid  }
0x3: {  	s13 =	stileid.u32;
	s3 =	rddreg [dreg:$0x2]  }
0x4: {  	s4 =	simm.s32 $0x0;
	s31 =	simm.s32 $0x14000;
	s2 =	sand.u32 $0x1, s2  }
0x5: {  	s5 =	sshll.u32 s13, $0x1;
	[smem:$0x7FF] =	sst s4;
	s7 =	smul.u32 $0x50000, s13  }
0x6: {  	s6 =	sadd.s32 $0x3200, s0;
	s8 =	sadd.s32 $0x17400, s0;
	s9 =	smul.u32 $0x14000, s13  }
0x7: {  	s0 =	sadd.s32 $0x17800, s0;
	s16 =	smul.u32 $0xA000, s13;
	s13 =	simm.s32 $0x4  }
0x8: {  	s5 =	sor.u32 s2, s5;
	_ =	strace $0x8000004D;
	s11 =	smul.u32 $0x140000, s2  }
0x9: {  	[dreg:$0x4] =	wrdreg s8;
	s19 =	ssub.s32 $0x2, s2;
	s2 =	smul.u32 $0x5000, s2  }
0xa: {  	s5 =	smul.u32 $0x5000, s5;
	s10 =	sshrl.u32 s19, $0x1;
	s20 =	sshrl.u32 s7, $0x2  }
0xb: {  	s22 =	sadd.s32 $0x4000, s9;
	s23 =	sadd.s32 $0x8000, s9;
	s25 =	sadd.s32 $0xC000, s9  }
0xc: {  	s14 =	sadd.s32 $0x10000, s9;
	s10 =	ssub.s32 s19, s10;
	s21 =	sadd.s32 s9, s11  }
0xd: {  	s8 =	sadd.s32 s20, s3;
	s12 =	sadd.s32 s22, s3;
	s24 =	sadd.s32 s23, s3  }
0xe: {  	s26 =	sadd.s32 s25, s3;
	s15 =	sadd.s32 s11, s25;
	s20 =	sadd.s32 s2, s16  }
0xf: {  	s9 =	simm.s32 $0x18400;
	s16 =	simm.s32 $0x14300;
	[dreg:$0x7] =	wrdreg s12  }
0x10: {  	s5 =	sshrl.u32 s5, $0x3;
	s7 =	sshrl.u32 s21, $0x3;
	[dreg:$0x9] =	wrdreg s24  }
0x11: {  	[dreg:$0xb] =	wrdreg s26;
	s19 =	smax.u32 s10, $0x1;
	s21 =	sadd.s32 $0x2000, s8  }
0x12: {  	s24 =	sadd.s32 $0x6000, s8;
	s25 =	sadd.s32 $0x8000, s8;
	[dreg:$0x10] =	wrdreg s19  }
0x13: {  	s26 =	sadd.s32 $0xA000, s8;
	s28 =	sadd.s32 $0xE000, s8;
	[dreg:$0x11] =	wrdreg s21  }
0x14: {  	s29 =	sadd.s32 $0x10000, s8;
	s30 =	sadd.s32 $0x12000, s8;
	[dreg:$0x13] =	wrdreg s24  }
0x15: {  	s10 =	simm.s32 $0x14200;
	s12 =	simm.s32 $0x14080;
	[dreg:$0x14] =	wrdreg s25  }
0x16: {  	s5 =	sadd.s32 s6, s5;
	s7 =	sadd.s32 s0, s7;
	[dreg:$0x15] =	wrdreg s26  }
0x17: {  	s26 =	sadd.s32 $0xC000, s8;
	s19 =	simm.s32 $0x14380;
	[dreg:$0x5] =	wrdreg s5  }
0x18: {  	s5 =	sadd.s32 $0x40, s5;
	[dreg:$0x8] =	wrdreg s7;
	s7 =	sadd.s32 s11, s23  }
0x19: {  	s23 =	sor.u32 $0x600, s20;
	[dreg:$0x6] =	wrdreg s5;
	s5 =	sadd.s32 s11, s22  }
0x1a: {  	s7 =	sshrl.u32 s7, $0x3;
	s11 =	sadd.s32 s11, s14;
	s22 =	sadd.s32 $0x4000, s8  }
0x1b: {  	s2 =	sshrl.u32 s23, $0x3;
	s5 =	sshrl.u32 s5, $0x3;
	s7 =	sadd.s32 s0, s7  }
0x1c: {  	s18 =	sshrl.u32 s11, $0x3;
	[dreg:$0x12] =	wrdreg s22;
	s23 =	sadd.s32 s2, s6  }
0x1d: {  	s2 =	simm.s32 $0x5;
	s11 =	simm.s32 $0x1C400;
	s5 =	sadd.s32 s0, s5  }
0x1e: {  	[dreg:$0xc] =	wrdreg s7;
	s7 =	sshrl.u32 s15, $0x3;
	s15 =	simm.s32 $0x14180  }
0x1f: {  	[dreg:$0xa] =	wrdreg s5;
	s5 =	sadd.s32 s14, s3;
	s17 =	sadd.s32 s0, s7  }
0x20: {  	s0 =	sadd.s32 s0, s18;
	s7 =	simm.s32 $0x14100;
	[dreg:$0xd] =	wrdreg s5  }
0x21: {  	s14 =	simm.s32 $0x2;
	s18 =	simm.s32 $0x3;
	[dreg:$0xe] =	wrdreg s17  }
0x22: {  	[dreg:$0xf] =	wrdreg s0;
	s0 =	sor.u32 $0x400, s20;
	s5 =	simm.s32 $0x14400  }
0x23: {  	s17 =	simm.s32 $0x14280;
	s20 =	simm.s32 $0x0;
	s0 =	sshrl.u32 s0, $0x3  }
0x24: {  	s24 =	sadd.s32 s0, s6;
	s0 =	simm.s32 $0x80;
	s6 =	simm.s32 $0x1  }
.LBB2_1:
0x25: {  	s21 =	rddreg [dreg:$0x5]  }
0x26: {  	[tilespmem:s31], [sflag:$0x5] =	stream.linear.gather [hbm4b:s21+s4], $0x200, $0x38;
	[tilespmem:$0x1E400] =	vst v63  }
0x27: {  	_ =	swait.ge [sflag:s2], $0x200  }
0x28: {  	[sflag:s2] =	ssyncset.done $0x0  }
0x29: {  	[sflag:s2] =	ssyncadd.s32 $0xFFFFFE00  }
0x2a: {  	[tilespmem:s5], [sflag:$0x1] =	stream.indirect.gather [hbm4b:s1+s0], $0x80, s31, s0, $0xb8;
	[tilespmem:$0x1E400] =	vst v63  }
0x2b: {  	_ = 	snop  }
0x2c: {  	[tilespmem:s9], [sflag:$0x2] =	stream.indirect.gather [hbm4b:s1+s0], $0x80, s7, s0, $0xb8;
	[tilespmem:$0x1E400] =	vst v63  }
0x2d: {  	s25 =	rddreg [dreg:$0x6]  }
0x2e: {  	[tilespmem:s10], [sflag:$0x4] =	stream.linear.gather [hbm4b:s25+s4], $0x200, $0x38;
	[tilespmem:$0x1E400] =	vst v63  }
0x2f: {  	s22 =	rddreg [dreg:$0x4]  }
0x30: {  	[tilespmem:s11], [sflag:$0x5] =	stream.linear.gather [hbm4b:s22+s4], $0x2000, $0x38;
	[tilespmem:$0x1E400] =	vst v63  }
0x31: {  	_ =	swait.ge [sflag:s2], $0x2000  }
0x32: {  	[sflag:s2] =	ssyncset.done $0x0  }
0x33: {  	[sflag:s2] =	ssyncadd.s32 $0xFFFFE000  }
0x34: {  	[spmem:s8] =	stream.linear.scatter [tilespmem:s11], [sflag:$0x5], $0x2000, $0x38;
	[tilespmem:$0x1E400] =	vst v63  }
0x35: {  	_ =	swait.ge [sflag:s2], $0x2000  }
0x36: {  	[sflag:s2] =	ssyncset.done $0x0  }
0x37: {  	s25 =	rddreg [dreg:$0x11];
	[sflag:s2] =	ssyncadd.s32 $0xFFFFE000  }
0x38: {  	[spmem:s25] =	stream.linear.scatter [tilespmem:s11], [sflag:$0x5], $0x2000, $0x38;
	[tilespmem:$0x1E400] =	vst v63  }
0x39: {  	_ =	swait.ge [sflag:s2], $0x2000  }
0x3a: {  	[sflag:s2] =	ssyncset.done $0x0  }
0x3b: {  	s22 =	rddreg [dreg:$0x12];
	[sflag:s2] =	ssyncadd.s32 $0xFFFFE000  }
0x3c: {  	[spmem:s22] =	stream.linear.scatter [tilespmem:s11], [sflag:$0x5], $0x2000, $0x38;
	[tilespmem:$0x1E400] =	vst v63  }
0x3d: {  	_ =	swait.ge [sflag:s2], $0x2000  }
0x3e: {  	[sflag:s2] =	ssyncset.done $0x0  }
0x3f: {  	s25 =	rddreg [dreg:$0x13];
	[sflag:s2] =	ssyncadd.s32 $0xFFFFE000  }
0x40: {  	[spmem:s25] =	stream.linear.scatter [tilespmem:s11], [sflag:$0x5], $0x2000, $0x38;
	[tilespmem:$0x1E400] =	vst v63  }
0x41: {  	_ =	swait.ge [sflag:s2], $0x2000  }
0x42: {  	[sflag:s2] =	ssyncset.done $0x0  }
0x43: {  	s22 =	rddreg [dreg:$0x14];
	[sflag:s2] =	ssyncadd.s32 $0xFFFFE000  }
0x44: {  	[spmem:s22] =	stream.linear.scatter [tilespmem:s11], [sflag:$0x5], $0x2000, $0x38;
	[tilespmem:$0x1E400] =	vst v63  }
0x45: {  	_ =	swait.ge [sflag:s2], $0x2000  }
0x46: {  	[sflag:s2] =	ssyncset.done $0x0  }
0x47: {  	s25 =	rddreg [dreg:$0x15];
	[sflag:s2] =	ssyncadd.s32 $0xFFFFE000  }
0x48: {  	[spmem:s25] =	stream.linear.scatter [tilespmem:s11], [sflag:$0x5], $0x2000, $0x38;
	[tilespmem:$0x1E400] =	vst v63  }
0x49: {  	_ =	swait.ge [sflag:s2], $0x2000  }
0x4a: {  	[sflag:s2] =	ssyncset.done $0x0  }
0x4b: {  	[sflag:s2] =	ssyncadd.s32 $0xFFFFE000  }
0x4c: {  	[spmem:s26] =	stream.linear.scatter [tilespmem:s11], [sflag:$0x5], $0x2000, $0x38;
	[tilespmem:$0x1E400] =	vst v63  }
0x4d: {  	_ =	swait.ge [sflag:s2], $0x2000  }
0x4e: {  	[sflag:s2] =	ssyncset.done $0x0  }
0x4f: {  	[sflag:s2] =	ssyncadd.s32 $0xFFFFE000  }
0x50: {  	[spmem:s28] =	stream.linear.scatter [tilespmem:s11], [sflag:$0x5], $0x2000, $0x38;
	[tilespmem:$0x1E400] =	vst v63  }
0x51: {  	_ =	swait.ge [sflag:s2], $0x2000  }
0x52: {  	[sflag:s2] =	ssyncset.done $0x0  }
0x53: {  	[sflag:s2] =	ssyncadd.s32 $0xFFFFE000  }
0x54: {  	[spmem:s29] =	stream.linear.scatter [tilespmem:s11], [sflag:$0x5], $0x2000, $0x38;
	[tilespmem:$0x1E400] =	vst v63  }
0x55: {  	_ =	swait.ge [sflag:s2], $0x2000  }
0x56: {  	[sflag:s2] =	ssyncset.done $0x0  }
0x57: {  	[sflag:s2] =	ssyncadd.s32 $0xFFFFE000  }
0x58: {  	[spmem:s30] =	stream.linear.scatter [tilespmem:s11], [sflag:$0x5], $0x2000, $0x38;
	[tilespmem:$0x1E400] =	vst v63  }
0x59: {  	_ =	swait.ge [sflag:s2], $0x2000  }
0x5a: {  	[sflag:s2] =	ssyncset.done $0x0  }
0x5b: {  	[sflag:s2] =	ssyncadd.s32 $0xFFFFE000  }
0x5c: {  	[bflag:$0x0] =	sbarrier.arrive $0xFFFF  }
0x5d: {  	_ =	swait.ge [sflag:s6], $0x4000  }
0x5e: {  	[sflag:s6] =	ssyncset.done $0x0  }
0x5f: {  	[sflag:s6] =	ssyncadd.s32 $0xFFFFC000  }
0x60: {  	[spmem:s3] =	stream.indirect.scatter.add.f32 [tilespmem:s5], [sflag:$0x5], $0x80, s12, s0, $0xb8;
	[tilespmem:$0x1E400] =	vst v63  }
0x61: {  	_ =	swait.ge [sflag:s2], $0x4000  }
0x62: {  	[sflag:s2] =	ssyncset.done $0x0  }
0x63: {  	[sflag:s2] =	ssyncadd.s32 $0xFFFFC000  }
0x64: {  	_ =	swait.ge [sflag:s13], $0x200  }
0x65: {  	[sflag:s13] =	ssyncset.done $0x0  }
0x66: {  	[sflag:s13] =	ssyncadd.s32 $0xFFFFFE00  }
0x67: {  	[tilespmem:s5], [sflag:$0x1] =	stream.indirect.gather [hbm4b:s1+s0], $0x80, s10, s0, $0xb8;
	[tilespmem:$0x1E400] =	vst v63  }
0x68: {  	_ =	swait.ge [sflag:s14], $0x4000  }
0x69: {  	[sflag:s14] =	ssyncset.done $0x0  }
0x6a: {  	[sflag:s14] =	ssyncadd.s32 $0xFFFFC000  }
0x6b: {  	[spmem:s3] =	stream.indirect.scatter.add.f32 [tilespmem:s9], [sflag:$0x5], $0x80, s15, s0, $0xb8;
	[tilespmem:$0x1E400] =	vst v63  }
0x6c: {  	_ =	swait.ge [sflag:s2], $0x4000  }
0x6d: {  	[sflag:s2] =	ssyncset.done $0x0  }
0x6e: {  	s22 =	sadd.s32 $0x0, s24;
	[sflag:s2] =	ssyncadd.s32 $0xFFFFC000  }
0x6f: {  	[tilespmem:s31], [sflag:$0x3] =	stream.linear.gather [hbm4b:s22+s4], $0x200, $0x38;
	[tilespmem:$0x1E400] =	vst v63  }
0x70: {  	_ = 	snop  }
0x71: {  	[tilespmem:s9], [sflag:$0x2] =	stream.indirect.gather [hbm4b:s1+s0], $0x80, s16, s0, $0xb8;
	[tilespmem:$0x1E400] =	vst v63  }
0x72: {  	_ =	swait.ge [sflag:s6], $0x4000  }
0x73: {  	[sflag:s6] =	ssyncset.done $0x0  }
0x74: {  	[sflag:s6] =	ssyncadd.s32 $0xFFFFC000  }
0x75: {  	[spmem:s3] =	stream.indirect.scatter.add.f32 [tilespmem:s5], [sflag:$0x5], $0x80, s17, s0, $0xb8;
	[tilespmem:$0x1E400] =	vst v63  }
0x76: {  	_ =	swait.ge [sflag:s2], $0x4000  }
0x77: {  	[sflag:s2] =	ssyncset.done $0x0  }
0x78: {  	[sflag:s2] =	ssyncadd.s32 $0xFFFFC000  }
0x79: {  	_ =	swait.ge [sflag:s18], $0x200  }
0x7a: {  	[sflag:s18] =	ssyncset.done $0x0  }
0x7b: {  	[sflag:s18] =	ssyncadd.s32 $0xFFFFFE00  }
0x7c: {  	[tilespmem:s5], [sflag:$0x1] =	stream.indirect.gather [hbm4b:s1+s0], $0x80, s31, s0, $0xb8;
	[tilespmem:$0x1E400] =	vst v63  }
0x7d: {  	_ =	swait.ge [sflag:s14], $0x4000  }
0x7e: {  	[sflag:s14] =	ssyncset.done $0x0  }
0x7f: {  	[sflag:s14] =	ssyncadd.s32 $0xFFFFC000  }
0x80: {  	[spmem:s3] =	stream.indirect.scatter.add.f32 [tilespmem:s9], [sflag:$0x5], $0x80, s19, s0, $0xb8;
	[tilespmem:$0x1E400] =	vst v63  }
0x81: {  	_ =	swait.ge [sflag:s2], $0x4000  }
0x82: {  	[sflag:s2] =	ssyncset.done $0x0  }
0x83: {  	s21 =	simm.s32 $0x80;
	s25 =	sadd.s32 $0x0, s23;
	[sflag:s2] =	ssyncadd.s32 $0xFFFFC000  }
0x84: {  	[tilespmem:s10], [sflag:$0x4] =	stream.linear.gather [hbm4b:s25+s4], $0x200, $0x38;
	[tilespmem:$0x1E400] =	vst v63  }
.LBB2_2:
0x85: {  	[tilespmem:s9], [sflag:$0x2] =	stream.indirect.gather [hbm4b:s1+s0], $0x80, s7, s0, $0xb8;
	[tilespmem:$0x1E400] =	vst v63  }
0x86: {  	s22 =	smov.u32 s21  }
0x87: {  	p0 =	sne.s32 s21, $0x900;
	s21 =	sadd.s32 $0x80, s21;
	_ =	swait.ge [sflag:s6], $0x4000  }
0x88: {  	[sflag:s6] =	ssyncset.done $0x0  }
0x89: {  	[sflag:s6] =	ssyncadd.s32 $0xFFFFC000  }
0x8a: {  	[spmem:s3] =	stream.indirect.scatter.add.f32 [tilespmem:s5], [sflag:$0x5], $0x80, s12, s0, $0xb8;
	[tilespmem:$0x1E400] =	vst v63  }
0x8b: {  	_ =	swait.ge [sflag:s2], $0x4000  }
0x8c: {  	[sflag:s2] =	ssyncset.done $0x0  }
0x8d: {  	[sflag:s2] =	ssyncadd.s32 $0xFFFFC000  }
0x8e: {  	_ =	swait.ge [sflag:s13], $0x200  }
0x8f: {  	[sflag:s13] =	ssyncset.done $0x0  }
0x90: {  	[sflag:s13] =	ssyncadd.s32 $0xFFFFFE00  }
0x91: {  	[tilespmem:s5], [sflag:$0x1] =	stream.indirect.gather [hbm4b:s1+s0], $0x80, s10, s0, $0xb8;
	[tilespmem:$0x1E400] =	vst v63  }
0x92: {  	_ =	swait.ge [sflag:s14], $0x4000  }
0x93: {  	[sflag:s14] =	ssyncset.done $0x0  }
0x94: {  	[sflag:s14] =	ssyncadd.s32 $0xFFFFC000  }
0x95: {  	[spmem:s3] =	stream.indirect.scatter.add.f32 [tilespmem:s9], [sflag:$0x5], $0x80, s15, s0, $0xb8;
	[tilespmem:$0x1E400] =	vst v63  }
0x96: {  	_ =	swait.ge [sflag:s2], $0x4000  }
0x97: {  	[sflag:s2] =	ssyncset.done $0x0  }
0x98: {  	s25 =	sadd.s32 s22, s24;
	[sflag:s2] =	ssyncadd.s32 $0xFFFFC000  }
0x99: {  	[tilespmem:s31], [sflag:$0x3] =	stream.linear.gather [hbm4b:s25+s4], $0x200, $0x38;
	[tilespmem:$0x1E400] =	vst v63  }
0x9a: {  	_ = 	snop  }
0x9b: {  	[tilespmem:s9], [sflag:$0x2] =	stream.indirect.gather [hbm4b:s1+s0], $0x80, s16, s0, $0xb8;
	[tilespmem:$0x1E400] =	vst v63  }
0x9c: {  	_ =	swait.ge [sflag:s6], $0x4000  }
0x9d: {  	[sflag:s6] =	ssyncset.done $0x0  }
0x9e: {  	[sflag:s6] =	ssyncadd.s32 $0xFFFFC000  }
0x9f: {  	[spmem:s3] =	stream.indirect.scatter.add.f32 [tilespmem:s5], [sflag:$0x5], $0x80, s17, s0, $0xb8;
	[tilespmem:$0x1E400] =	vst v63  }
0xa0: {  	_ =	swait.ge [sflag:s2], $0x4000  }
0xa1: {  	[sflag:s2] =	ssyncset.done $0x0  }
0xa2: {  	[sflag:s2] =	ssyncadd.s32 $0xFFFFC000  }
0xa3: {  	_ =	swait.ge [sflag:s18], $0x200  }
0xa4: {  	[sflag:s18] =	ssyncset.done $0x0  }
0xa5: {  	[sflag:s18] =	ssyncadd.s32 $0xFFFFFE00  }
0xa6: {  	[tilespmem:s5], [sflag:$0x1] =	stream.indirect.gather [hbm4b:s1+s0], $0x80, s31, s0, $0xb8;
	[tilespmem:$0x1E400] =	vst v63  }
0xa7: {  	_ =	swait.ge [sflag:s14], $0x4000  }
0xa8: {  	[sflag:s14] =	ssyncset.done $0x0  }
0xa9: {  	[sflag:s14] =	ssyncadd.s32 $0xFFFFC000  }
0xaa: {  	[spmem:s3] =	stream.indirect.scatter.add.f32 [tilespmem:s9], [sflag:$0x5], $0x80, s19, s0, $0xb8;
	[tilespmem:$0x1E400] =	vst v63  }
.Ltmp0:
0xab: {  	_ = 	snop;
	(pc) =	sbr.rel @p0 .LBB2_2-.Ltmp0, $4  }
0xac: {  	_ =	swait.ge [sflag:s2], $0x4000  }
0xad: {  	[sflag:s2] =	ssyncset.done $0x0  }
0xae: {  	s22 =	sadd.s32 s22, s23;
	[sflag:s2] =	ssyncadd.s32 $0xFFFFC000  }
0xaf: {  	[tilespmem:s10], [sflag:$0x4] =	stream.linear.gather [hbm4b:s22+s4], $0x200, $0x38;
	[tilespmem:$0x1E400] =	vst v63  }
0xb0: {  	[tilespmem:s9], [sflag:$0x2] =	stream.indirect.gather [hbm4b:s1+s0], $0x80, s7, s0, $0xb8;
	[tilespmem:$0x1E400] =	vst v63  }
0xb1: {  	_ =	swait.ge [sflag:s6], $0x4000  }
0xb2: {  	[sflag:s6] =	ssyncset.done $0x0  }
0xb3: {  	[sflag:s6] =	ssyncadd.s32 $0xFFFFC000  }
0xb4: {  	[spmem:s3] =	stream.indirect.scatter.add.f32 [tilespmem:s5], [sflag:$0x5], $0x80, s12, s0, $0xb8;
	[tilespmem:$0x1E400] =	vst v63  }
0xb5: {  	_ =	swait.ge [sflag:s2], $0x4000  }
0xb6: {  	[sflag:s2] =	ssyncset.done $0x0  }
0xb7: {  	[sflag:s2] =	ssyncadd.s32 $0xFFFFC000  }
0xb8: {  	_ =	swait.ge [sflag:s13], $0x200  }
0xb9: {  	[sflag:s13] =	ssyncset.done $0x0  }
0xba: {  	[sflag:s13] =	ssyncadd.s32 $0xFFFFFE00  }
0xbb: {  	[tilespmem:s5], [sflag:$0x1] =	stream.indirect.gather [hbm4b:s1+s0], $0x80, s10, s0, $0xb8;
	[tilespmem:$0x1E400] =	vst v63  }
0xbc: {  	_ =	swait.ge [sflag:s14], $0x4000  }
0xbd: {  	[sflag:s14] =	ssyncset.done $0x0  }
0xbe: {  	[sflag:s14] =	ssyncadd.s32 $0xFFFFC000  }
0xbf: {  	[spmem:s3] =	stream.indirect.scatter.add.f32 [tilespmem:s9], [sflag:$0x5], $0x80, s15, s0, $0xb8;
	[tilespmem:$0x1E400] =	vst v63  }
0xc0: {  	_ =	swait.ge [sflag:s2], $0x4000  }
0xc1: {  	[sflag:s2] =	ssyncset.done $0x0  }
0xc2: {  	[sflag:s2] =	ssyncadd.s32 $0xFFFFC000  }
0xc3: {  	[tilespmem:s9], [sflag:$0x2] =	stream.indirect.gather [hbm4b:s1+s0], $0x80, s16, s0, $0xb8;
	[tilespmem:$0x1E400] =	vst v63  }
0xc4: {  	_ =	swait.ge [sflag:s6], $0x4000  }
0xc5: {  	[sflag:s6] =	ssyncset.done $0x0  }
0xc6: {  	[sflag:s6] =	ssyncadd.s32 $0xFFFFC000  }
0xc7: {  	[spmem:s3] =	stream.indirect.scatter.add.f32 [tilespmem:s5], [sflag:$0x5], $0x80, s17, s0, $0xb8;
	[tilespmem:$0x1E400] =	vst v63  }
0xc8: {  	_ =	swait.ge [sflag:s2], $0x4000  }
0xc9: {  	[sflag:s2] =	ssyncset.done $0x0  }
0xca: {  	[sflag:s2] =	ssyncadd.s32 $0xFFFFC000  }
0xcb: {  	_ =	swait.ge [sflag:s14], $0x4000  }
0xcc: {  	[sflag:s14] =	ssyncset.done $0x0  }
0xcd: {  	[sflag:s14] =	ssyncadd.s32 $0xFFFFC000  }
0xce: {  	[spmem:s3] =	stream.indirect.scatter.add.f32 [tilespmem:s9], [sflag:$0x5], $0x80, s19, s0, $0xb8;
	[tilespmem:$0x1E400] =	vst v63  }
0xcf: {  	_ =	swait.ge [sflag:s2], $0x4000  }
0xd0: {  	[sflag:s2] =	ssyncset.done $0x0  }
0xd1: {  	[sflag:s2] =	ssyncadd.s32 $0xFFFFC000  }
0xd2: {  	[bflag:$0x0] =	sbarrier.arrive $0xFFFF  }
0xd3: {  	[tilespmem:s5], [sflag:$0x1] =	stream.linear.gather [spmem:s8], $0x4000, $0x38;
	[tilespmem:$0x1E400] =	vst v63  }
0xd4: {  	s21 =	rddreg [dreg:$0x7]  }
0xd5: {  	[tilespmem:s9], [sflag:$0x2] =	stream.linear.gather [spmem:s21], $0x4000, $0x38;
	[tilespmem:$0x1E400] =	vst v63  }
0xd6: {  	_ =	swait.ge [sflag:s6], $0x4000  }
0xd7: {  	[sflag:s6] =	ssyncset.done $0x0  }
0xd8: {  	s25 =	rddreg [dreg:$0x8];
	[sflag:s6] =	ssyncadd.s32 $0xFFFFC000  }
0xd9: {  	[hbm4b:s25+s4] =	stream.linear.scatter [tilespmem:s5], [sflag:$0x3], $0x4000, $0x38;
	[tilespmem:$0x1E400] =	vst v63  }
0xda: {  	_ =	swait.ge [sflag:s18], $0x4000  }
0xdb: {  	[sflag:s18] =	ssyncset.done $0x0  }
0xdc: {  	s22 =	rddreg [dreg:$0x9];
	[sflag:s18] =	ssyncadd.s32 $0xFFFFC000  }
0xdd: {  	[tilespmem:s5], [sflag:$0x1] =	stream.linear.gather [spmem:s22], $0x4000, $0x38;
	[tilespmem:$0x1E400] =	vst v63  }
0xde: {  	_ =	swait.ge [sflag:s14], $0x4000  }
0xdf: {  	[sflag:s14] =	ssyncset.done $0x0  }
0xe0: {  	s25 =	rddreg [dreg:$0xa];
	[sflag:s14] =	ssyncadd.s32 $0xFFFFC000  }
0xe1: {  	[hbm4b:s25+s4] =	stream.linear.scatter [tilespmem:s9], [sflag:$0x4], $0x4000, $0x38;
	[tilespmem:$0x1E400] =	vst v63  }
0xe2: {  	_ =	swait.ge [sflag:s13], $0x4000  }
0xe3: {  	[sflag:s13] =	ssyncset.done $0x0  }
0xe4: {  	s22 =	rddreg [dreg:$0xb];
	[sflag:s13] =	ssyncadd.s32 $0xFFFFC000  }
0xe5: {  	[tilespmem:s9], [sflag:$0x2] =	stream.linear.gather [spmem:s22], $0x4000, $0x38;
	[tilespmem:$0x1E400] =	vst v63  }
0xe6: {  	_ =	swait.ge [sflag:s6], $0x4000  }
0xe7: {  	[sflag:s6] =	ssyncset.done $0x0  }
0xe8: {  	s25 =	rddreg [dreg:$0xc];
	[sflag:s6] =	ssyncadd.s32 $0xFFFFC000  }
0xe9: {  	[hbm4b:s25+s4] =	stream.linear.scatter [tilespmem:s5], [sflag:$0x3], $0x4000, $0x38;
	[tilespmem:$0x1E400] =	vst v63  }
0xea: {  	_ =	swait.ge [sflag:s18], $0x4000  }
0xeb: {  	[sflag:s18] =	ssyncset.done $0x0  }
0xec: {  	s22 =	rddreg [dreg:$0xd];
	[sflag:s18] =	ssyncadd.s32 $0xFFFFC000  }
0xed: {  	[tilespmem:s5], [sflag:$0x1] =	stream.linear.gather [spmem:s22], $0x4000, $0x38;
	[tilespmem:$0x1E400] =	vst v63  }
0xee: {  	_ =	swait.ge [sflag:s14], $0x4000  }
0xef: {  	[sflag:s14] =	ssyncset.done $0x0  }
0xf0: {  	s25 =	rddreg [dreg:$0xe];
	[sflag:s14] =	ssyncadd.s32 $0xFFFFC000  }
0xf1: {  	[hbm4b:s25+s4] =	stream.linear.scatter [tilespmem:s9], [sflag:$0x4], $0x4000, $0x38;
	[tilespmem:$0x1E400] =	vst v63  }
0xf2: {  	_ =	swait.ge [sflag:s13], $0x4000  }
0xf3: {  	[sflag:s13] =	ssyncset.done $0x0  }
0xf4: {  	[sflag:s13] =	ssyncadd.s32 $0xFFFFC000  }
0xf5: {  	_ =	swait.ge [sflag:s6], $0x4000  }
0xf6: {  	[sflag:s6] =	ssyncset.done $0x0  }
0xf7: {  	s22 =	rddreg [dreg:$0xf];
	[sflag:s6] =	ssyncadd.s32 $0xFFFFC000  }
0xf8: {  	[hbm4b:s22+s4] =	stream.linear.scatter [tilespmem:s5], [sflag:$0x3], $0x4000, $0x38;
	[tilespmem:$0x1E400] =	vst v63  }
0xf9: {  	_ =	swait.ge [sflag:s18], $0x4000  }
0xfa: {  	s20 =	sadd.s32 $0x1, s20;
	s25 =	rddreg [dreg:$0x10]  }
0xfb: {  	p0 =	sne.s32 s20, s25  }
.Ltmp1:
0xfc: {  	_ = 	snop;
	(pc) =	sbr.rel @p0 .LBB2_1-.Ltmp1, $3  }
0xfd: {  	_ =	sdelay $0x1  }
0xfe: {  	[sflag:s18] =	ssyncset.done $0x0  }
0xff: {  	[sflag:s18] =	ssyncadd.s32 $0xFFFFC000  }
0x100: {  	_ =	sfence.sel $0x180000  }
0x101: {  	[bflag:$0x0] =	sbarrier.arrive $0xFFFF  }
0x102: {  	_ =	strace $0x9000004D  }
0x103: {  	s0 =	stileid.u32;
	[bflag:$0x2] =	sbarrier.arrive $0xFFFF  }
0x104: {  	p0 =	sne.s32 s0, $0x0;
	s0 =	rddreg [dreg:$0x3]  }
0x105: {  	s0 =	sadd.s32 @!p0 $0x100000, s0  }
0x106: {  	[sflag:s0] =	ssyncadd.tile.s32 @!p0 $0x1;
	_ =	shalt  }
.Lfunc_end2:
_tile_overlayer_lowered:
.L_overlay_start_2:
0x107: {  	(tag) =	ssettag $0x2  }
0x108: {  	s0 =	rddreg [dreg:$0x0];
	s2 =	stileid.u32  }
0x109: {  	s1 =	rddreg [dreg:$0x1];
	p0 =	sne.s32 s2, $0x0  }
0x10a: {  	s3 =	rddreg [dreg:$0x2];
	[bflag:$0x3] =	sbarrier.arrive $0xFFFF;
	s2 =	simm.s32 @!p0 $0x1C05  }
0x10b: {  	[timem:s3], [sflag:s2] =	dma.local @!p0 [hbm:s0], s1  }
0x10c: {  	s0 =	simm.s32 @!p0 $0x5  }
0x10d: {  	_ =	swait.ge @!p0 [sflag:s0], s1  }
0x10e: {  	s1 =	ssub.s32 @!p0 $0x0, s1;
	[sflag:s0] =	ssyncset.done @!p0 $0x0  }
0x10f: {  	[sflag:s0] =	ssyncadd.s32 @!p0 s1  }
0x110: {  	[bflag:$0x3] =	sbarrier.arrive $0xFFFF  }
0x111: {  	_ =	shalt  }

// kernel: kernel.8.cloned.1.call-start
scs
__scs_entry_jumppad:
0x0: {  	(pc) =	sbr.rel $0x88, $3  }
0x1: {  	(tag) =	ssettag $0x0;
	lr =	simm.s32 $0x1  }
0x2: {  	[smem:$0x3F96] =	sst lr;
	_ =	strace $0xD0000000  }
0x3: {  	_ = 	snop  }
0x4: {  	_ = 	snop  }
0x5: {  	_ = 	snop  }
0x6: {  	_ = 	snop  }
0x7: {  	_ = 	snop  }
__scs_overlays_trampoline_lowered:
0x8: {  	[smem:$0x3FA5] =	sst s0  }
0x9: {  	[smem:$0x3FA6] =	sst s1  }
0xa: {  	[smem:$0x3FA7] =	sst s2  }
0xb: {  	[smem:$0x3FA8] =	sst s3  }
0xc: {  	[smem:$0x3FA9] =	sst s4  }
0xd: {  	[smem:$0x3FAA] =	sst s5  }
0xe: {  	[smem:$0x3FAB] =	sst s6  }
0xf: {  	[smem:$0x3FAC] =	sst s7  }
0x10: {  	[smem:$0x3FAD] =	sst s8  }
0x11: {  	[smem:$0x3FAE] =	sst s9;
	s0 =	simm.s32 @!p0 $0x0  }
0x12: {  	s1 =	sld [smem:$0x3F94];
	s0 =	simm.s32 @p0 $0x1  }
0x13: {  	[smem:$0x3FAF] =	sst s0;
	s0 =	simm.s32 @!p1 $0x0  }
0x14: {  	s2 =	sld [smem:$0x3F93];
	s0 =	simm.s32 @p1 $0x1  }
0x15: {  	[smem:$0x3FB0] =	sst s0;
	s0 =	simm.s32 @!p2 $0x0  }
0x16: {  	s3 =	sld [smem:$0x3FDB];
	s0 =	simm.s32 @p2 $0x1  }
0x17: {  	s4 =	simm.s32 $0x1BF5;
	[smem:$0x3FB2] =	sst s0  }
0x18: {  	s0 =	sld [smem:$0x3F95];
	_ =	swait.ge [sflag:s4], $0x0  }
0x19: {  	s7 =	sld [smem:$0x3F96]  }
0x1a: {  	s8 =	sadd.s32 $0xFFFFE003, lr  }
0x1b: {  	s9 =	sadd.s32 $0xFFFFFEF7, lr;
	s5 =	simm.s32 $0xFFFFFFFF;
	p2 =	slt.u32 s8, $0xFFFFF086  }
0x1c: {  	p1 =	slt.u32 s9, $0xF7A;
	s5 =	simm.s32 @!p2 $0x0  }
0x1d: {  	s5 =	simm.s32 @p1 $0x1;
	p0 =	seq.s32 s7, s2  }
0x1e: {  	s7 =	smul.u32 @!p0 $0xF7A, s2;
	p2 =	seq.s32 @!p0 s5, $0x0  }
0x1f: {  	s9 =	smul.u32 $0xF7A, s1;
	s8 =	simm.s32 @!p0 $0x1BF5;
	p2 =	por !p2, p0  }
0x20: {  	[sflag:s8] =	ssyncset.s32 @!p0 $0xFFFFF086;
	s6 =	sadd.s32 @!p0 s3, s7;
	s7 =	simm.s32 @!p0 $0x108  }
0x21: {  	s3 =	sadd.s32 s3, s9;
	s6 =	sadd.s32 @!p0 $0x88, s6;
	s7 =	simm.s32 @p2 $0x1082  }
0x22: {  	[simem:s7], [sflag:s8] =	dma.local @!p0 [hbm:s6], $0xF7A  }
0x23: {  	s9 =	sor.u32 $0xD0000000, s2;
	s6 =	simm.s32 $0x108;
	_ =	swait.ge @!p0 [sflag:s8], $0x0  }
0x24: {  	s3 =	sadd.s32 $0x88, s3;
	s6 =	simm.s32 @!p1 $0x1082;
	[sflag:s4] =	ssyncset.s32 $0xFFFFF086  }
0x25: {  	[simem:s6], [sflag:s4] =	dma.local [hbm:s3], $0xF7A  }
0x26: {  	[smem:$0x3F96] =	sst s1;
	(tag) =	ssettag s2;
	_ =	strace s9  }
0x27: {  	s1 =	sld [smem:$0x3FA6]  }
0x28: {  	s2 =	sld [smem:$0x3FA7]  }
0x29: {  	s4 =	sld [smem:$0x3FA9]  }
0x2a: {  	p0 =	seq.s32 s5, $0x0;
	s5 =	sld [smem:$0x3FAA]  }
0x2b: {  	s6 =	sld [smem:$0x3FAB]  }
0x2c: {  	s7 =	sld [smem:$0x3FAC]  }
0x2d: {  	s3 =	simm.s32 $0x108;
	s8 =	sld [smem:$0x3FAD]  }
0x2e: {  	s3 =	simm.s32 @!p0 $0x1082;
	s9 =	sld [smem:$0x3FAE]  }
0x2f: {  	lr =	sadd.s32 s0, s3;
	s0 =	sld [smem:$0x3FA5]  }
0x30: {  	s3 =	sld [smem:$0x3FA8]  }
0x31: {  	[smem:$0x3FB1] =	sst s10  }
0x32: {  	s10 =	sld [smem:$0x3FAF];
	_ =	sdelay $0x3  }
0x33: {  	p0 =	seq.s32 s10, $0x1;
	s10 =	sld [smem:$0x3FB1];
	_ =	sdelay $0x3  }
0x34: {  	[smem:$0x3FB1] =	sst s10  }
0x35: {  	s10 =	sld [smem:$0x3FB0];
	_ =	sdelay $0x3  }
0x36: {  	p1 =	seq.s32 s10, $0x1;
	s10 =	sld [smem:$0x3FB1];
	_ =	sdelay $0x3  }
0x37: {  	[smem:$0x3FB1] =	sst s10  }
0x38: {  	s10 =	sld [smem:$0x3FB2]  }
0x39: {  	_ = 	snop;
	(pc) =	sbr.ind lr, $3  }
0x3a: {  	_ = 	snop  }
0x3b: {  	_ = 	snop  }
0x3c: {  	p2 =	seq.s32 s10, $0x1;
	s10 =	sld [smem:$0x3FB1]  }
0x3d: {  	_ =	shalt  }
0x3e: {  	_ =	shalt  }
0x3f: {  	_ =	shalt  }
0x40: {  	_ =	shalt  }
0x41: {  	_ =	shalt  }
0x42: {  	_ =	shalt  }
0x43: {  	_ =	shalt  }
0x44: {  	_ =	shalt  }
0x45: {  	_ =	shalt  }
0x46: {  	_ =	shalt  }
0x47: {  	_ =	shalt  }
0x48: {  	_ =	shalt  }
0x49: {  	_ =	shalt  }
0x4a: {  	_ =	shalt  }
0x4b: {  	_ =	shalt  }
0x4c: {  	_ =	shalt  }
0x4d: {  	_ =	shalt  }
0x4e: {  	_ =	shalt  }
0x4f: {  	_ =	shalt  }
0x50: {  	_ =	shalt  }
0x51: {  	_ =	shalt  }
0x52: {  	_ =	shalt  }
0x53: {  	_ =	shalt  }
0x54: {  	_ =	shalt  }
0x55: {  	_ =	shalt  }
0x56: {  	_ =	shalt  }
0x57: {  	_ =	shalt  }
0x58: {  	_ =	shalt  }
0x59: {  	_ =	shalt  }
0x5a: {  	_ =	shalt  }
0x5b: {  	_ =	shalt  }
0x5c: {  	_ =	shalt  }
0x5d: {  	_ =	shalt  }
0x5e: {  	_ =	shalt  }
0x5f: {  	_ =	shalt  }
0x60: {  	_ =	shalt  }
0x61: {  	_ =	shalt  }
0x62: {  	_ =	shalt  }
0x63: {  	_ =	shalt  }
0x64: {  	_ =	shalt  }
0x65: {  	_ =	shalt  }
0x66: {  	_ =	shalt  }
0x67: {  	_ =	shalt  }
0x68: {  	_ =	shalt  }
0x69: {  	_ =	shalt  }
0x6a: {  	_ =	shalt  }
0x6b: {  	_ =	shalt  }
0x6c: {  	_ =	shalt  }
0x6d: {  	_ =	shalt  }
0x6e: {  	_ =	shalt  }
0x6f: {  	_ =	shalt  }
0x70: {  	_ =	shalt  }
0x71: {  	_ =	shalt  }
0x72: {  	_ =	shalt  }
0x73: {  	_ =	shalt  }
0x74: {  	_ =	shalt  }
0x75: {  	_ =	shalt  }
0x76: {  	_ =	shalt  }
0x77: {  	_ =	shalt  }
0x78: {  	_ =	shalt  }
0x79: {  	_ =	shalt  }
0x7a: {  	_ =	shalt  }
0x7b: {  	_ =	shalt  }
0x7c: {  	_ =	shalt  }
0x7d: {  	_ =	shalt  }
0x7e: {  	_ =	shalt  }
0x7f: {  	_ =	shalt  }
0x80: {  	_ =	shalt  }
0x81: {  	_ =	shalt  }
0x82: {  	_ =	shalt  }
0x83: {  	_ =	shalt  }
0x84: {  	_ =	shalt  }
0x85: {  	_ =	shalt  }
0x86: {  	_ =	shalt  }
0x87: {  	_ =	shalt  }
.Lfunc_end0:
.L_simem_size_0:
called_computation_lowered:
.L_overlay_start_0:
0x88: {  	s2 =	sld [smem:$0x3FD9]  }
0x89: {  	s3 =	sld [smem:$0x3FFE];
	_ =	sdelay $0x1  }
0x8a: {  	s1 =	srdreg.scid  }
0x8b: {  	s0 =	sand.u32 $0x1, s1  }
0x8c: {  	s17 =	sshll.u32 s0, $0xA;
	s2 =	sadd.s32 s3, s2  }
0x8d: {  	s2 =	sadd.s32 s2, s17  }
0x8e: {  	[smem:$0x3FBD] =	sst s2  }
0x8f: {  	_ = 	snop  }
0x90: {  	s2 =	sld [smem:$0x3FC9]  }
0x91: {  	s18 =	sld [smem:$0x3FD0];
	(tm) =	ssettm $0x1  }
0x92: {  	s4 =	sld [smem:$0x3FFB];
	_ =	sdelay $0x3  }
0x93: {  	_ =	strace s4  }
0x94: {  	s4 =	sld [smem:$0x3FFC];
	_ =	sdelay $0x3  }
0x95: {  	_ =	strace s4  }
0x96: {  	s4 =	sld [smem:$0x3FFD];
	_ =	sdelay $0x3  }
0x97: {  	_ =	strace s4  }
0x98: {  	_ =	strace $0x8FFFFFFF  }
0x99: {  	s19 =	sld [smem:$0x3FDB];
	_ =	sdelay $0x1  }
0x9a: {  	s5 =	simm.s32 $_scs_section_size  }
0x9b: {  	s6 =	simm.s32 $_size__tile_overlayer_lowered;
	s7 =	simm.s32 $_tile_overlayer_lowered  }
0x9c: {  	s22 =	simm.s32 $0x1BFF;
	s21 =	sshll.u32 s7, $0x1;
	s4 =	sadd.s32 s5, s19  }
0x9d: {  	s8 =	simm.s32 $0x0;
	s20 =	sshll.u32 s6, $0x1;
	s6 =	sadd.s32 s21, s4  }
0x9e: {  	[timem:s8], [sflag:s22] =	dma.local [hbm:s6], s20  }
0x9f: {  	_ =	swait.ge [sflag:s22], s20  }
0xa0: {  	s5 =	ssub.s32 $0x0, s20;
	[sflag:s22] =	ssyncset.done $0x0  }
0xa1: {  	[sflag:s22] =	ssyncadd.s32 s5;
	_ =	sdelay $0x1  }
0xa2: {  	s23 =	simm.s32 $0x1B8B  }
0xa3: {  	_ =	swait.ge [sflag:s23], $0x1  }
0xa4: {  	[sflag:s23] =	ssyncset.done $0x0  }
0xa5: {  	s25 =	simm.s32 $0x1B8E;
	s24 =	sld [smem:$0x3FFE];
	[sflag:s23] =	ssyncadd.s32 $0xFFFFFFFF  }
0xa6: {  	s26 =	simm.s32 $execute0_lowered;
	[smem:$0x3FD2] =	sst s25  }
0xa7: {  	s6 =	sshll.u32 s26, $0x1;
	_ =	strace $0x80000046;
	[dreg:$0x1] =	wrdreg $0xFFFFFFFF  }
0xa8: {  	s28 =	simm.s32 $_size_execute0_lowered;
	s4 =	sadd.s32 s4, s6;
	[dreg:$0x0] =	wrdreg $0x0  }
0xa9: {  	s6 =	sshll.u32 s28, $0x1;
	[dreg:$0x2] =	wrdreg s4  }
0xaa: {  	[dreg:$0x3] =	wrdreg s6  }
0xab: {  	[dreg:$0x4] =	wrdreg $0xC0  }
0xac: {  	_ =	task [dreg:s8], $0x5FFFF  }
0xad: {  	[dreg:$0x1] =	wrdreg $0xFFFFFFFF  }
0xae: {  	[dreg:$0x0] =	wrdreg $0x60  }
0xaf: {  	[dreg:$0x2] =	wrdreg s2  }
0xb0: {  	[dreg:$0x3] =	wrdreg s24  }
0xb1: {  	[dreg:$0x4] =	wrdreg s18  }
0xb2: {  	[dreg:$0x5] =	wrdreg $0x0  }
0xb3: {  	[dreg:$0x6] =	wrdreg $0x140000  }
0xb4: {  	[dreg:$0x7] =	wrdreg $0x9  }
0xb5: {  	_ =	task.clear_ibuf [dreg:s8], $0x8FFFF;
	_ =	strace $0x90000046  }
0xb6: {  	s29 =	simm.s32 $0x9;
	_ =	strace $0x80000048  }
0xb7: {  	_ =	swait.ge [sflag:s29], $0x1  }
0xb8: {  	[sflag:s29] =	ssyncadd.s32 $0xFFFFFFFF  }
0xb9: {  	_ =	strace $0x90000048  }
0xba: {  	_ =	sfence  }
0xbb: {  	s30 =	sld [smem:$0x0];
	_ =	sdelay $0x2  }
0xbc: {  	s31 =	sshll.u32 s1, $0xD;
	s1 =	sshrl.u32 s1, $0x2  }
0xbd: {  	s3 =	sand.u32 $0x4000, s31;
	s1 =	sadd.s32 s1, s30  }
0xbe: {  	s0 =	sor.u32 s3, s0;
	s1 =	sshll.u32 s1, $0x11  }
0xbf: {  	s0 =	sor.u32 s1, s0  }
0xc0: {  	s0 =	sadd.s32 $0x8F2B, s0  }
0xc1: {  	[sflag:s0] =	ssyncadd.remote.s32 $0x1  }
0xc2: {  	_ =	sfence.sel $0xFFFF  }
0xc3: {  	[dreg:$0x0] =	wrdreg $0xFFFFFFFF;
	(pc) =	sbr.abs _section_cstart, $3  }
0xc4: {  	[dreg:$0x1] =	wrdreg $0xFFFFFFFF  }
0xc5: {  	_ =	task.clear_ibuf [dreg:s8], $0x2FFFF;
	_ =	strace $0x9FFFFFFF  }
0xc6: {  	(tm) =	ssettm $0x7FFFFFFF  }
0xc7: {  	_ =	shalt  }
tec
execute0_lowered:
.L_overlay_start_1:
0x0: {  	(tag) =	ssettag $0x1  }
0x1: {  	s1 =	rddreg [dreg:$0x0]  }
0x2: {  	s0 =	rddreg [dreg:$0x1]  }
0x3: {  	s4 =	rddreg [dreg:$0x2]  }
0x4: {  	s2 =	rddreg [dreg:$0x3]  }
0x5: {  	s3 =	rddreg [dreg:$0x4];
	s5 =	simm.s32 $0x0;
	s19 =	stileid.u32  }
0x6: {  	s7 =	srdreg.scid;
	s28 =	simm.s32 $0x14600;
	s29 =	simm.s32 $0x5  }
0x7: {  	s30 =	simm.s32 $0x3;
	s31 =	simm.s32 $0x0;
	[smem:$0x7FF] =	sst s5  }
0x8: {  	s6 =	sadd.s32 $0x3200, s0;
	s8 =	smul.u32 $0x280, s19;
	s7 =	sand.u32 $0x1, s7  }
0x9: {  	s10 =	sadd.s32 $0x17400, s0;
	s20 =	sadd.s32 $0x17200, s0;
	s13 =	smul.u32 $0x500, s19  }
0xa: {  	s16 =	smul.u32 $0x14000, s19;
	_ =	strace $0x80000047;
	[dreg:$0x6] =	wrdreg s10  }
0xb: {  	s9 =	sshll.u32 s19, $0x1;
	s26 =	smul.u32 $0xA000, s19;
	[dreg:$0x7] =	wrdreg s20  }
0xc: {  	s9 =	sor.u32 s7, s9;
	s11 =	ssub.s32 $0x2, s7;
	s22 =	smul.u32 $0x140000, s7  }
0xd: {  	s14 =	sshll.u32 s7, $0x7;
	s7 =	smul.u32 $0x5000, s7;
	s21 =	sshrl.u32 s8, $0x3  }
0xe: {  	s9 =	smul.u32 $0x5000, s9;
	s12 =	sshrl.u32 s11, $0x1;
	s15 =	sshll.u32 s8, $0x7  }
0xf: {  	s13 =	sor.u32 s14, s13;
	s10 =	sadd.s32 s21, s0;
	s0 =	sadd.s32 $0x17E00, s0  }
0x10: {  	s11 =	ssub.s32 s11, s12;
	s14 =	sadd.s32 $0x4000, s15;
	s13 =	sshrl.u32 s13, $0x3  }
0x11: {  	s16 =	sadd.s32 s16, s22;
	s18 =	sadd.s32 $0x10000, s15;
	s7 =	sadd.s32 s7, s26  }
0x12: {  	s9 =	sshrl.u32 s9, $0x3;
	s4 =	sadd.s32 s4, s13;
	s23 =	sshrl.u32 s16, $0x3  }
0x13: {  	s17 =	sadd.s32 s22, s14;
	[dreg:$0x8] =	wrdreg s4;
	s4 =	sadd.s32 s0, s23  }
0x14: {  	s24 =	sshrl.u32 s17, $0x3;
	s9 =	sadd.s32 s6, s9;
	[dreg:$0x9] =	wrdreg s4  }
0x15: {  	s4 =	sadd.s32 $0x8000, s15;
	s13 =	sadd.s32 s0, s24;
	[dreg:$0xe] =	wrdreg s9  }
0x16: {  	s12 =	sadd.s32 s22, s18;
	[dreg:$0xa] =	wrdreg s13;
	s25 =	sadd.s32 s22, s4  }
0x17: {  	s13 =	sadd.s32 $0xC000, s15;
	s16 =	sshrl.u32 s25, $0x3;
	s25 =	sadd.s32 $0x40, s9  }
0x18: {  	s21 =	sadd.s32 s22, s13;
	s9 =	sadd.s32 s14, s2;
	[dreg:$0xf] =	wrdreg s25  }
0x19: {  	s22 =	sor.u32 $0x600, s7;
	s14 =	smax.u32 s11, $0x1;
	[dreg:$0x12] =	wrdreg s9  }
0x1a: {  	s7 =	sor.u32 $0x400, s7;
	s20 =	sadd.s32 s0, s16;
	[dreg:$0x16] =	wrdreg s14  }
0x1b: {  	s24 =	sshrl.u32 s7, $0x3;
	s7 =	sadd.s32 s8, s3;
	[dreg:$0xb] =	wrdreg s20  }
0x1c: {  	s23 =	smul.u32 $0x50000, s19;
	s8 =	sadd.s32 $0x17800, s10;
	[dreg:$0x10] =	wrdreg s7  }
0x1d: {  	s15 =	sshrl.u32 s21, $0x3;
	s10 =	sadd.s32 s4, s2;
	[dreg:$0x11] =	wrdreg s8  }
0x1e: {  	s12 =	sshrl.u32 s12, $0x3;
	s15 =	sadd.s32 s0, s15;
	[dreg:$0x13] =	wrdreg s10  }
0x1f: {  	s26 =	sshrl.u32 s23, $0x2;
	s0 =	sadd.s32 s0, s12;
	[dreg:$0xc] =	wrdreg s15  }
0x20: {  	s11 =	simm.s32 $0x14680;
	s12 =	sadd.s32 s13, s2;
	[dreg:$0xd] =	wrdreg s0  }
0x21: {  	s20 =	sadd.s32 s26, s2;
	s13 =	sadd.s32 s18, s2;
	[dreg:$0x14] =	wrdreg s12  }
0x22: {  	s9 =	simm.s32 $0x6;
	[dreg:$0x15] =	wrdreg s13;
	s17 =	sadd.s32 $0x2000, s20  }
0x23: {  	s14 =	simm.s32 $0x1;
	s18 =	sadd.s32 $0x4000, s20;
	[dreg:$0x17] =	wrdreg s17  }
0x24: {  	s16 =	sadd.s32 s24, s6;
	s19 =	sadd.s32 $0x6000, s20;
	[dreg:$0x18] =	wrdreg s18  }
0x25: {  	s8 =	simm.s32 $0x14280;
	s21 =	sadd.s32 $0x8000, s20;
	[dreg:$0x19] =	wrdreg s19  }
0x26: {  	s0 =	sshrl.u32 s22, $0x3;
	s22 =	sadd.s32 $0xA000, s20;
	[dreg:$0x1a] =	wrdreg s21  }
0x27: {  	s10 =	simm.s32 $0x80;
	s23 =	sadd.s32 $0xC000, s20;
	[dreg:$0x1b] =	wrdreg s22  }
0x28: {  	s24 =	sadd.s32 $0xE000, s20;
	s25 =	sadd.s32 $0x10000, s20;
	[dreg:$0x1c] =	wrdreg s23  }
0x29: {  	s26 =	sadd.s32 $0x12000, s20;
	s12 =	simm.s32 $0x14380;
	[dreg:$0x1d] =	wrdreg s24  }
0x2a: {  	s13 =	simm.s32 $0x18680;
	s15 =	sadd.s32 s0, s6;
	[dreg:$0x1e] =	wrdreg s25  }
0x2b: {  	[dreg:$0x1f] =	wrdreg s26;
	s17 =	simm.s32 $0x14480;
	s19 =	simm.s32 $0x1E680  }
0x2c: {  	s21 =	simm.s32 $0x14300;
	s22 =	simm.s32 $0x4;
	s23 =	simm.s32 $0x2  }
0x2d: {  	s24 =	simm.s32 $0x14400;
	s25 =	simm.s32 $0x14580;
	s26 =	simm.s32 $0x14500  }
.LBB2_1:
0x2e: {  	s0 =	rddreg [dreg:$0xe]  }
0x2f: {  	[tilespmem:s8], [sflag:$0x6] =	stream.linear.gather [hbm4b:s0+s5], $0x200, $0x38;
	[tilespmem:$0x1E700] =	vst v63  }
0x30: {  	_ =	swait.ge [sflag:s9], $0x200  }
0x31: {  	[sflag:s9] =	ssyncset.done $0x0  }
0x32: {  	[sflag:s9] =	ssyncadd.s32 $0xFFFFFE00  }
0x33: {  	[tilespmem:s11], [sflag:$0x1] =	stream.indirect.gather [hbm4b:s1+s10], $0x80, s8, s10, $0xb8;
	[tilespmem:$0x1E700] =	vst v63  }
0x34: {  	_ = 	snop  }
0x35: {  	[tilespmem:s13], [sflag:$0x2] =	stream.indirect.gather [hbm4b:s1+s10], $0x80, s12, s10, $0xb8;
	[tilespmem:$0x1E700] =	vst v63  }
0x36: {  	s18 =	rddreg [dreg:$0xf]  }
0x37: {  	[tilespmem:s17], [sflag:$0x4] =	stream.linear.gather [hbm4b:s18+s5], $0x200, $0x38;
	[tilespmem:$0x1E700] =	vst v63  }
0x38: {  	s7 =	simm.s32 $0x1C680;
	s4 =	rddreg [dreg:$0x6]  }
0x39: {  	[tilespmem:s7], [sflag:$0x6] =	stream.linear.gather [hbm4b:s4+s5], $0x2000, $0x38;
	[tilespmem:$0x1E700] =	vst v63  }
0x3a: {  	_ =	swait.ge [sflag:s9], $0x2000  }
0x3b: {  	[sflag:s9] =	ssyncset.done $0x0  }
0x3c: {  	s6 =	rddreg [dreg:$0x7];
	[sflag:s9] =	ssyncadd.s32 $0xFFFFE000  }
0x3d: {  	[tilespmem:s19], [sflag:$0x6] =	stream.linear.gather [hbm4b:s6+s5], $0x80, $0x38;
	[tilespmem:$0x1E700] =	vst v63  }
0x3e: {  	s18 =	stileid.u32;
	_ =	swait.ge [sflag:s9], $0x80  }
0x3f: {  	s0 =	sshll.u32 s18, $0x6;
	s4 =	rddreg [dreg:$0x10]  }
0x40: {  	s0 =	sor.u32 $0x1C06, s0;
	s6 =	rddreg [dreg:$0x11]  }
0x41: {  	[sflag:s9] =	ssyncset.done $0x0;
	[smem:$0x7FC] =	sst s0;
	s4 =	sshrl.u32 s4, $0x3  }
0x42: {  	[sflag:s9] =	ssyncadd.s32 $0xFFFFFF80;
	[smem:$0x7FD] =	sst s4  }
0x43: {  	[spmem:s4], [sflag:s0] =	dma.local [hbm:s6], $0x50  }
0x44: {  	_ =	swait.ge [sflag:s9], $0x50  }
0x45: {  	[sflag:s9] =	ssyncset.done $0x0  }
0x46: {  	[sflag:s9] =	ssyncadd.s32 $0xFFFFFFB0  }
0x47: {  	[spmem:s20] =	stream.linear.scatter [tilespmem:s7], [sflag:$0x6], $0x2000, $0x38;
	[tilespmem:$0x1E700] =	vst v63  }
0x48: {  	_ =	swait.ge [sflag:s9], $0x2000  }
0x49: {  	[sflag:s9] =	ssyncset.done $0x0  }
0x4a: {  	s0 =	rddreg [dreg:$0x17];
	[sflag:s9] =	ssyncadd.s32 $0xFFFFE000  }
0x4b: {  	[spmem:s0] =	stream.linear.scatter [tilespmem:s7], [sflag:$0x6], $0x2000, $0x38;
	[tilespmem:$0x1E700] =	vst v63  }
0x4c: {  	_ =	swait.ge [sflag:s9], $0x2000  }
0x4d: {  	[sflag:s9] =	ssyncset.done $0x0  }
0x4e: {  	s4 =	rddreg [dreg:$0x18];
	[sflag:s9] =	ssyncadd.s32 $0xFFFFE000  }
0x4f: {  	[spmem:s4] =	stream.linear.scatter [tilespmem:s7], [sflag:$0x6], $0x2000, $0x38;
	[tilespmem:$0x1E700] =	vst v63  }
0x50: {  	_ =	swait.ge [sflag:s9], $0x2000  }
0x51: {  	[sflag:s9] =	ssyncset.done $0x0  }
0x52: {  	s18 =	rddreg [dreg:$0x19];
	[sflag:s9] =	ssyncadd.s32 $0xFFFFE000  }
0x53: {  	[spmem:s18] =	stream.linear.scatter [tilespmem:s7], [sflag:$0x6], $0x2000, $0x38;
	[tilespmem:$0x1E700] =	vst v63  }
0x54: {  	_ =	swait.ge [sflag:s9], $0x2000  }
0x55: {  	[sflag:s9] =	ssyncset.done $0x0  }
0x56: {  	s0 =	rddreg [dreg:$0x1a];
	[sflag:s9] =	ssyncadd.s32 $0xFFFFE000  }
0x57: {  	[spmem:s0] =	stream.linear.scatter [tilespmem:s7], [sflag:$0x6], $0x2000, $0x38;
	[tilespmem:$0x1E700] =	vst v63  }
0x58: {  	_ =	swait.ge [sflag:s9], $0x2000  }
0x59: {  	[sflag:s9] =	ssyncset.done $0x0  }
0x5a: {  	s4 =	rddreg [dreg:$0x1b];
	[sflag:s9] =	ssyncadd.s32 $0xFFFFE000  }
0x5b: {  	[spmem:s4] =	stream.linear.scatter [tilespmem:s7], [sflag:$0x6], $0x2000, $0x38;
	[tilespmem:$0x1E700] =	vst v63  }
0x5c: {  	_ =	swait.ge [sflag:s9], $0x2000  }
0x5d: {  	[sflag:s9] =	ssyncset.done $0x0  }
0x5e: {  	s18 =	rddreg [dreg:$0x1c];
	[sflag:s9] =	ssyncadd.s32 $0xFFFFE000  }
0x5f: {  	[spmem:s18] =	stream.linear.scatter [tilespmem:s7], [sflag:$0x6], $0x2000, $0x38;
	[tilespmem:$0x1E700] =	vst v63  }
0x60: {  	_ =	swait.ge [sflag:s9], $0x2000  }
0x61: {  	[sflag:s9] =	ssyncset.done $0x0  }
0x62: {  	s0 =	rddreg [dreg:$0x1d];
	[sflag:s9] =	ssyncadd.s32 $0xFFFFE000  }
0x63: {  	[spmem:s0] =	stream.linear.scatter [tilespmem:s7], [sflag:$0x6], $0x2000, $0x38;
	[tilespmem:$0x1E700] =	vst v63  }
0x64: {  	_ =	swait.ge [sflag:s9], $0x2000  }
0x65: {  	[sflag:s9] =	ssyncset.done $0x0  }
0x66: {  	s4 =	rddreg [dreg:$0x1e];
	[sflag:s9] =	ssyncadd.s32 $0xFFFFE000  }
0x67: {  	[spmem:s4] =	stream.linear.scatter [tilespmem:s7], [sflag:$0x6], $0x2000, $0x38;
	[tilespmem:$0x1E700] =	vst v63  }
0x68: {  	_ =	swait.ge [sflag:s9], $0x2000  }
0x69: {  	[sflag:s9] =	ssyncset.done $0x0  }
0x6a: {  	s18 =	rddreg [dreg:$0x1f];
	[sflag:s9] =	ssyncadd.s32 $0xFFFFE000  }
0x6b: {  	[spmem:s18] =	stream.linear.scatter [tilespmem:s7], [sflag:$0x6], $0x2000, $0x38;
	[tilespmem:$0x1E700] =	vst v63  }
0x6c: {  	_ =	swait.ge [sflag:s9], $0x2000  }
0x6d: {  	[sflag:s9] =	ssyncset.done $0x0  }
0x6e: {  	[sflag:s9] =	ssyncadd.s32 $0xFFFFE000  }
0x6f: {  	s6 =	simm.s32 $0x0;
	[bflag:$0x0] =	sbarrier.arrive $0xFFFF  }
.LBB2_2:
0x70: {  	_ =	swait.ge [sflag:s14], $0x4000  }
0x71: {  	[sflag:s14] =	ssyncset.done $0x0  }
0x72: {  	[sflag:s14] =	ssyncadd.s32 $0xFFFFC000  }
0x73: {  	[spmem:s2] =	stream.indirect.scatter.add.f32 [tilespmem:s11], [sflag:$0x6], $0x80, s21, s10, $0xb8;
	[tilespmem:$0x1E700] =	vst v63  }
0x74: {  	_ =	swait.ge [sflag:s9], $0x4000  }
0x75: {  	[sflag:s9] =	ssyncset.done $0x0  }
0x76: {  	[sflag:s9] =	ssyncadd.s32 $0xFFFFC000  }
0x77: {  	[spmem:s3] =	stream.indirect.scatter.add.f32 [tilespmem:s19], [sflag:$0x5], $0x1, s21, s10, $0xb8;
	[tilespmem:$0x1E700] =	vst v63  }
0x78: {  	_ =	swait.ge [sflag:s22], $0x200  }
0x79: {  	[sflag:s22] =	ssyncset.done $0x0  }
0x7a: {  	[sflag:s22] =	ssyncadd.s32 $0xFFFFFE00  }
0x7b: {  	[tilespmem:s11], [sflag:$0x1] =	stream.indirect.gather [hbm4b:s1+s10], $0x80, s17, s10, $0xb8;
	[tilespmem:$0x1E700] =	vst v63  }
0x7c: {  	_ =	swait.ge [sflag:s23], $0x4000  }
0x7d: {  	[sflag:s23] =	ssyncset.done $0x0  }
0x7e: {  	p0 =	seq.s32 s6, $0x980;
	[sflag:s23] =	ssyncadd.s32 $0xFFFFC000  }
0x7f: {  	[spmem:s2] =	stream.indirect.scatter.add.f32 [tilespmem:s13], [sflag:$0x6], $0x80, s24, s10, $0xb8;
	[tilespmem:$0x1E700] =	vst v63  }
.Ltmp0:
0x80: {  	_ = 	snop;
	(pc) =	sbr.rel @p0 .LBB2_4-.Ltmp0, $4  }
0x81: {  	_ =	swait.ge [sflag:s9], $0x4000  }
0x82: {  	[sflag:s9] =	ssyncset.done $0x0  }
0x83: {  	[sflag:s9] =	ssyncadd.s32 $0xFFFFC000  }
0x84: {  	[spmem:s3] =	stream.indirect.scatter.add.f32 [tilespmem:s19], [sflag:$0x5], $0x1, s24, s10, $0xb8;
	[tilespmem:$0x1E700] =	vst v63  }
0x85: {  	s7 =	sadd.s32 s6, s16  }
0x86: {  	[tilespmem:s8], [sflag:$0x3] =	stream.linear.gather [hbm4b:s7+s5], $0x200, $0x38;
	[tilespmem:$0x1E700] =	vst v63  }
0x87: {  	_ = 	snop  }
0x88: {  	[tilespmem:s13], [sflag:$0x2] =	stream.indirect.gather [hbm4b:s1+s10], $0x80, s25, s10, $0xb8;
	[tilespmem:$0x1E700] =	vst v63  }
0x89: {  	_ =	swait.ge [sflag:s14], $0x4000  }
0x8a: {  	[sflag:s14] =	ssyncset.done $0x0  }
0x8b: {  	[sflag:s14] =	ssyncadd.s32 $0xFFFFC000  }
0x8c: {  	[spmem:s2] =	stream.indirect.scatter.add.f32 [tilespmem:s11], [sflag:$0x6], $0x80, s26, s10, $0xb8;
	[tilespmem:$0x1E700] =	vst v63  }
0x8d: {  	_ =	swait.ge [sflag:s9], $0x4000  }
0x8e: {  	[sflag:s9] =	ssyncset.done $0x0  }
0x8f: {  	[sflag:s9] =	ssyncadd.s32 $0xFFFFC000  }
0x90: {  	[spmem:s3] =	stream.indirect.scatter.add.f32 [tilespmem:s19], [sflag:$0x5], $0x1, s26, s10, $0xb8;
	[tilespmem:$0x1E700] =	vst v63  }
0x91: {  	_ =	swait.ge [sflag:s30], $0x200  }
0x92: {  	[sflag:s30] =	ssyncset.done $0x0  }
0x93: {  	[sflag:s30] =	ssyncadd.s32 $0xFFFFFE00  }
0x94: {  	[tilespmem:s11], [sflag:$0x1] =	stream.indirect.gather [hbm4b:s1+s10], $0x80, s8, s10, $0xb8;
	[tilespmem:$0x1E700] =	vst v63  }
0x95: {  	_ =	swait.ge [sflag:s23], $0x4000  }
0x96: {  	[sflag:s23] =	ssyncset.done $0x0  }
0x97: {  	[sflag:s23] =	ssyncadd.s32 $0xFFFFC000  }
0x98: {  	[spmem:s2] =	stream.indirect.scatter.add.f32 [tilespmem:s13], [sflag:$0x6], $0x80, s28, s10, $0xb8;
	[tilespmem:$0x1E700] =	vst v63  }
0x99: {  	_ =	swait.ge [sflag:s9], $0x4000  }
0x9a: {  	[sflag:s9] =	ssyncset.done $0x0  }
0x9b: {  	[sflag:s9] =	ssyncadd.s32 $0xFFFFC000  }
0x9c: {  	[spmem:s3] =	stream.indirect.scatter.add.f32 [tilespmem:s19], [sflag:$0x5], $0x1, s28, s10, $0xb8;
	[tilespmem:$0x1E700] =	vst v63  }
.Ltmp1:
0x9d: {  	_ = 	snop;
	(pc) =	sbr.rel .LBB2_2-.Ltmp1, $4  }
0x9e: {  	s18 =	sadd.s32 s6, s15  }
0x9f: {  	[tilespmem:s17], [sflag:$0x4] =	stream.linear.gather [hbm4b:s18+s5], $0x200, $0x38;
	[tilespmem:$0x1E700] =	vst v63  }
0xa0: {  	s6 =	sadd.s32 $0x80, s6  }
0xa1: {  	[tilespmem:s13], [sflag:$0x2] =	stream.indirect.gather [hbm4b:s1+s10], $0x80, s12, s10, $0xb8;
	[tilespmem:$0x1E700] =	vst v63  }
.LBB2_4:
0xa2: {  	[tilespmem:s13], [sflag:$0x2] =	stream.indirect.gather [hbm4b:s1+s10], $0x80, s25, s10, $0xb8;
	[tilespmem:$0x1E700] =	vst v63  }
0xa3: {  	_ =	swait.ge [sflag:s14], $0x4000  }
0xa4: {  	[sflag:s14] =	ssyncset.done $0x0  }
0xa5: {  	[sflag:s14] =	ssyncadd.s32 $0xFFFFC000  }
0xa6: {  	[spmem:s2] =	stream.indirect.scatter.add.f32 [tilespmem:s11], [sflag:$0x6], $0x80, s26, s10, $0xb8;
	[tilespmem:$0x1E700] =	vst v63  }
0xa7: {  	_ =	swait.ge [sflag:s9], $0x4000  }
0xa8: {  	[sflag:s9] =	ssyncset.done $0x0  }
0xa9: {  	[sflag:s9] =	ssyncadd.s32 $0xFFFFC000  }
0xaa: {  	[spmem:s3] =	stream.indirect.scatter.add.f32 [tilespmem:s19], [sflag:$0x5], $0x1, s26, s10, $0xb8;
	[tilespmem:$0x1E700] =	vst v63  }
0xab: {  	_ =	swait.ge [sflag:s23], $0x4000  }
0xac: {  	[sflag:s23] =	ssyncset.done $0x0  }
0xad: {  	[sflag:s23] =	ssyncadd.s32 $0xFFFFC000  }
0xae: {  	[spmem:s2] =	stream.indirect.scatter.add.f32 [tilespmem:s13], [sflag:$0x6], $0x80, s28, s10, $0xb8;
	[tilespmem:$0x1E700] =	vst v63  }
0xaf: {  	_ =	swait.ge [sflag:s9], $0x4000  }
0xb0: {  	[sflag:s9] =	ssyncset.done $0x0  }
0xb1: {  	[sflag:s9] =	ssyncadd.s32 $0xFFFFC000  }
0xb2: {  	[spmem:s3] =	stream.indirect.scatter.add.f32 [tilespmem:s19], [sflag:$0x5], $0x1, s28, s10, $0xb8;
	[tilespmem:$0x1E700] =	vst v63  }
0xb3: {  	_ =	swait.ge [sflag:s29], $0x80  }
0xb4: {  	s0 =	smov.u32 s20;
	s6 =	simm.s32 $0x4F;
	[sflag:s29] =	ssyncset.done $0x0  }
.LBB2_5:
0xb5: {  	p0 =	sne.s32 s6, $0x1;
	s6 =	sadd.s32 $0xFFFFFFFF, s6;
	[sflag:s29] =	ssyncadd.s32 $0xFFFFFF80  }
.Ltmp2:
0xb6: {  	(pc) =	sbr.rel @p0 .LBB2_5-.Ltmp2, $3  }
0xb7: {  	_ =	sdelay $0x1  }
0xb8: {  	_ =	swait.ge [sflag:s29], $0x80  }
0xb9: {  	[sflag:s29] =	ssyncset.done $0x0  }
0xba: {  	[sflag:s29] =	ssyncadd.s32 $0xFFFFFF80  }
0xbb: {  	[bflag:$0x0] =	sbarrier.arrive $0xFFFF  }
0xbc: {  	s4 =	sld [smem:$0x7FC]  }
0xbd: {  	s18 =	sld [smem:$0x7FD];
	_ =	sdelay $0x1  }
0xbe: {  	s7 =	simm.s32 $0x20;
	s20 =	simm.s32 $0x10;
	s6 =	rddreg [dreg:$0x8]  }
0xbf: {  	[hbm:s6@s7], [sflag:s4] =	dma.strided [spmem:s18@s20], $0x50, s14, $0x10   }
0xc0: {  	_ =	swait.ge [sflag:s9], $0x50  }
0xc1: {  	[sflag:s9] =	ssyncset.done $0x0  }
0xc2: {  	[sflag:s9] =	ssyncadd.s32 $0xFFFFFFB0  }
0xc3: {  	[tilespmem:s11], [sflag:$0x1] =	stream.linear.gather [spmem:s0], $0x4000, $0x38;
	[tilespmem:$0x1E700] =	vst v63  }
0xc4: {  	s7 =	rddreg [dreg:$0x12]  }
0xc5: {  	[tilespmem:s13], [sflag:$0x2] =	stream.linear.gather [spmem:s7], $0x4000, $0x38;
	[tilespmem:$0x1E700] =	vst v63  }
0xc6: {  	_ =	swait.ge [sflag:s14], $0x4000  }
0xc7: {  	[sflag:s14] =	ssyncset.done $0x0  }
0xc8: {  	s18 =	rddreg [dreg:$0x9];
	[sflag:s14] =	ssyncadd.s32 $0xFFFFC000  }
0xc9: {  	[hbm4b:s18+s5] =	stream.linear.scatter [tilespmem:s11], [sflag:$0x3], $0x4000, $0x38;
	[tilespmem:$0x1E700] =	vst v63  }
0xca: {  	_ =	swait.ge [sflag:s30], $0x4000  }
0xcb: {  	[sflag:s30] =	ssyncset.done $0x0  }
0xcc: {  	s4 =	rddreg [dreg:$0x13];
	[sflag:s30] =	ssyncadd.s32 $0xFFFFC000  }
0xcd: {  	[tilespmem:s11], [sflag:$0x1] =	stream.linear.gather [spmem:s4], $0x4000, $0x38;
	[tilespmem:$0x1E700] =	vst v63  }
0xce: {  	_ =	swait.ge [sflag:s23], $0x4000  }
0xcf: {  	[sflag:s23] =	ssyncset.done $0x0  }
0xd0: {  	s6 =	rddreg [dreg:$0xa];
	[sflag:s23] =	ssyncadd.s32 $0xFFFFC000  }
0xd1: {  	[hbm4b:s6+s5] =	stream.linear.scatter [tilespmem:s13], [sflag:$0x4], $0x4000, $0x38;
	[tilespmem:$0x1E700] =	vst v63  }
0xd2: {  	_ =	swait.ge [sflag:s22], $0x4000  }
0xd3: {  	[sflag:s22] =	ssyncset.done $0x0  }
0xd4: {  	s7 =	rddreg [dreg:$0x14];
	[sflag:s22] =	ssyncadd.s32 $0xFFFFC000  }
0xd5: {  	[tilespmem:s13], [sflag:$0x2] =	stream.linear.gather [spmem:s7], $0x4000, $0x38;
	[tilespmem:$0x1E700] =	vst v63  }
0xd6: {  	_ =	swait.ge [sflag:s14], $0x4000  }
0xd7: {  	[sflag:s14] =	ssyncset.done $0x0  }
0xd8: {  	s18 =	rddreg [dreg:$0xb];
	[sflag:s14] =	ssyncadd.s32 $0xFFFFC000  }
0xd9: {  	[hbm4b:s18+s5] =	stream.linear.scatter [tilespmem:s11], [sflag:$0x3], $0x4000, $0x38;
	[tilespmem:$0x1E700] =	vst v63  }
0xda: {  	_ =	swait.ge [sflag:s30], $0x4000  }
0xdb: {  	[sflag:s30] =	ssyncset.done $0x0  }
0xdc: {  	s4 =	rddreg [dreg:$0x15];
	[sflag:s30] =	ssyncadd.s32 $0xFFFFC000  }
0xdd: {  	[tilespmem:s11], [sflag:$0x1] =	stream.linear.gather [spmem:s4], $0x4000, $0x38;
	[tilespmem:$0x1E700] =	vst v63  }
0xde: {  	_ =	swait.ge [sflag:s23], $0x4000  }
0xdf: {  	[sflag:s23] =	ssyncset.done $0x0  }
0xe0: {  	s6 =	rddreg [dreg:$0xc];
	[sflag:s23] =	ssyncadd.s32 $0xFFFFC000  }
0xe1: {  	[hbm4b:s6+s5] =	stream.linear.scatter [tilespmem:s13], [sflag:$0x4], $0x4000, $0x38;
	[tilespmem:$0x1E700] =	vst v63  }
0xe2: {  	_ =	swait.ge [sflag:s22], $0x4000  }
0xe3: {  	[sflag:s22] =	ssyncset.done $0x0  }
0xe4: {  	[sflag:s22] =	ssyncadd.s32 $0xFFFFC000  }
0xe5: {  	_ =	swait.ge [sflag:s14], $0x4000  }
0xe6: {  	[sflag:s14] =	ssyncset.done $0x0  }
0xe7: {  	s7 =	rddreg [dreg:$0xd];
	[sflag:s14] =	ssyncadd.s32 $0xFFFFC000  }
0xe8: {  	[hbm4b:s7+s5] =	stream.linear.scatter [tilespmem:s11], [sflag:$0x3], $0x4000, $0x38;
	[tilespmem:$0x1E700] =	vst v63  }
0xe9: {  	_ =	swait.ge [sflag:s30], $0x4000  }
0xea: {  	s31 =	sadd.s32 $0x1, s31;
	s18 =	rddreg [dreg:$0x16]  }
0xeb: {  	p0 =	sne.s32 s31, s18  }
.Ltmp3:
0xec: {  	_ = 	snop;
	(pc) =	sbr.rel @p0 .LBB2_1-.Ltmp3, $3  }
0xed: {  	_ =	sdelay $0x1  }
0xee: {  	[sflag:s30] =	ssyncset.done $0x0  }
0xef: {  	s20 =	smov.u32 s0;
	[sflag:s30] =	ssyncadd.s32 $0xFFFFC000  }
0xf0: {  	_ =	sfence.sel $0x180000  }
0xf1: {  	[bflag:$0x0] =	sbarrier.arrive $0xFFFF  }
0xf2: {  	_ =	strace $0x90000047  }
0xf3: {  	s0 =	stileid.u32;
	[bflag:$0x2] =	sbarrier.arrive $0xFFFF  }
0xf4: {  	p0 =	sne.s32 s0, $0x0;
	s0 =	rddreg [dreg:$0x5]  }
0xf5: {  	s0 =	sadd.s32 @!p0 $0x100000, s0  }
0xf6: {  	[sflag:s0] =	ssyncadd.tile.s32 @!p0 $0x1;
	_ =	shalt  }
.Lfunc_end2:
_tile_overlayer_lowered:
.L_overlay_start_2:
0xf7: {  	(tag) =	ssettag $0x2  }
0xf8: {  	s0 =	rddreg [dreg:$0x0];
	s2 =	stileid.u32  }
0xf9: {  	s1 =	rddreg [dreg:$0x1];
	p0 =	sne.s32 s2, $0x0  }
0xfa: {  	s3 =	rddreg [dreg:$0x2];
	[bflag:$0x3] =	sbarrier.arrive $0xFFFF;
	s2 =	simm.s32 @!p0 $0x1C06  }
0xfb: {  	[timem:s3], [sflag:s2] =	dma.local @!p0 [hbm:s0], s1  }
0xfc: {  	s0 =	simm.s32 @!p0 $0x6  }
0xfd: {  	_ =	swait.ge @!p0 [sflag:s0], s1  }
0xfe: {  	s1 =	ssub.s32 @!p0 $0x0, s1;
	[sflag:s0] =	ssyncset.done @!p0 $0x0  }
0xff: {  	[sflag:s0] =	ssyncadd.s32 @!p0 s1  }
0x100: {  	[bflag:$0x3] =	sbarrier.arrive $0xFFFF  }
0x101: {  	_ =	shalt  }

</sc_bundles>
